<compile_context>
chip_gen: v7x
topology: tpu7x:2x2x1
jax: 0.10.2.dev20260603
libtpu: 0.0.44.dev20260713+nightly
codegen_flags: <defaults>
</compile_context>

<pallas_src>
import functools

import jax
import jax.numpy as jnp
from jax import lax
from jax.experimental import pallas as pl
from jax.experimental.pallas import tpu as pltpu
from jax.experimental.pallas import tpu_sc as plsc

N_NODES = 10000
N_HE = 10000
NNZ = 320000
D = 128
AUG = 144
CHUNK = 128
NUM_CHUNKS = NNZ // CHUNK
NC, NS = 2, 16
NW = NC * NS
CHUNKS_PER_TILE = -(-NUM_CHUNKS // NW)
NPAD = 10240
ROWS_PER_TILE = NPAD // NS

_MESH = plsc.VectorSubcoreMesh(core_axis_name="c", subcore_axis_name="s")


def _sc_pass_a(nidx, hidx, vals, x, zeros_e):

    @functools.partial(
        pl.kernel,
        out_type=jax.ShapeDtypeStruct((NC, NPAD, D), jnp.float32),
        mesh=_MESH,
        scratch_types=[
            pltpu.VMEM((CHUNK,), jnp.int32),
            pltpu.VMEM((CHUNK,), jnp.int32),
            pltpu.VMEM((CHUNK,), jnp.float32),
            pltpu.VMEM((CHUNK, D), jnp.float32),
            pltpu.VMEM_SHARED((NPAD, D), jnp.float32),
        ],
    )
    def k(nidx_hbm, hidx_hbm, vals_hbm, x_hbm, zeros_hbm, out_hbm,
          nidx_v, hidx_v, vals_v, rows_v, e_sh):
        cid = lax.axis_index("c")
        sid = lax.axis_index("s")
        wid = cid * NS + sid
        row0 = sid * ROWS_PER_TILE
        pltpu.sync_copy(zeros_hbm.at[pl.ds(row0, ROWS_PER_TILE)],
                        e_sh.at[pl.ds(row0, ROWS_PER_TILE)])
        plsc.subcore_barrier()

        @pl.loop(0, CHUNKS_PER_TILE)
        def _(i):
            ci = wid + i * NW

            @pl.when(ci < NUM_CHUNKS)
            def _():
                base = ci * CHUNK
                pltpu.sync_copy(nidx_hbm.at[pl.ds(base, CHUNK)], nidx_v)
                pltpu.sync_copy(hidx_hbm.at[pl.ds(base, CHUNK)], hidx_v)
                pltpu.sync_copy(vals_hbm.at[pl.ds(base, CHUNK)], vals_v)
                pltpu.sync_copy(x_hbm.at[nidx_v], rows_v)

                @pl.loop(0, CHUNK // 16)
                def _(g):
                    vv = vals_v[pl.ds(g * 16, 16)]
                    for j in range(16):
                        s = vv[j]
                        r = g * 16 + j
                        for b in range(D // 16):
                            sl = (r, pl.ds(b * 16, 16))
                            rows_v[sl] = rows_v[sl] * s

                pltpu.sync_copy(rows_v, e_sh.at[hidx_v], add=True)

        plsc.subcore_barrier()
        pltpu.sync_copy(e_sh.at[pl.ds(row0, ROWS_PER_TILE)],
                        out_hbm.at[cid].at[pl.ds(row0, ROWS_PER_TILE)])

    return k(nidx, hidx, vals, x, zeros_e)


def _sc_pass_c(nidx, hidx, f, w1d, zeros_e, zeros1):

    @functools.partial(
        pl.kernel,
        out_type=[jax.ShapeDtypeStruct((NC, NPAD, D), jnp.float32),
                  jax.ShapeDtypeStruct((NC, NPAD), jnp.float32)],
        mesh=_MESH,
        scratch_types=[
            pltpu.VMEM((CHUNK,), jnp.int32),
            pltpu.VMEM((CHUNK,), jnp.int32),
            pltpu.VMEM((CHUNK, D), jnp.float32),
            pltpu.VMEM((CHUNK,), jnp.float32),
            pltpu.VMEM_SHARED((NPAD, D), jnp.float32),
            pltpu.VMEM_SHARED((NPAD,), jnp.float32),
        ],
    )
    def k(nidx_hbm, hidx_hbm, f_hbm, w_hbm, zeros_hbm, zeros1_hbm,
          out_hbm, dout_hbm, nidx_v, hidx_v, rows_v, wg_v, acc_sh, dn_sh):
        cid = lax.axis_index("c")
        sid = lax.axis_index("s")
        wid = cid * NS + sid
        row0 = sid * ROWS_PER_TILE
        pltpu.sync_copy(zeros_hbm.at[pl.ds(row0, ROWS_PER_TILE)],
                        acc_sh.at[pl.ds(row0, ROWS_PER_TILE)])
        pltpu.sync_copy(zeros1_hbm.at[pl.ds(row0, ROWS_PER_TILE)],
                        dn_sh.at[pl.ds(row0, ROWS_PER_TILE)])
        plsc.subcore_barrier()

        @pl.loop(0, CHUNKS_PER_TILE)
        def _(i):
            ci = wid + i * NW

            @pl.when(ci < NUM_CHUNKS)
            def _():
                base = ci * CHUNK
                pltpu.sync_copy(nidx_hbm.at[pl.ds(base, CHUNK)], nidx_v)
                pltpu.sync_copy(hidx_hbm.at[pl.ds(base, CHUNK)], hidx_v)
                pltpu.sync_copy(f_hbm.at[hidx_v], rows_v)
                pltpu.sync_copy(w_hbm.at[hidx_v], wg_v)
                pltpu.sync_copy(rows_v, acc_sh.at[nidx_v], add=True)
                pltpu.sync_copy(wg_v, dn_sh.at[nidx_v], add=True)

        plsc.subcore_barrier()
        pltpu.sync_copy(acc_sh.at[pl.ds(row0, ROWS_PER_TILE)],
                        out_hbm.at[cid].at[pl.ds(row0, ROWS_PER_TILE)])
        pltpu.sync_copy(dn_sh.at[pl.ds(row0, ROWS_PER_TILE)],
                        dout_hbm.at[cid].at[pl.ds(row0, ROWS_PER_TILE)])

    return k(nidx, hidx, f, w1d, zeros_e, zeros1)


_BLK = 400


def _tc_pass_b(e_parts, x, a1, a2):

    def body(e_ref, x_ref, a1_ref, a2_ref, f_ref, w_ref, z_ref):
        e = e_ref[0] + e_ref[1]
        v = jnp.dot(e, a2_ref[...], preferred_element_type=jnp.float32)
        w = jnp.exp(v)
        f_ref[...] = e * w
        w_ref[...] = w
        u = jnp.dot(x_ref[...], a1_ref[...], preferred_element_type=jnp.float32)
        z_ref[...] = 1e-16 * jnp.exp(-u)

    return pl.pallas_call(
        body,
        grid=(N_HE // _BLK,),
        in_specs=[
            pl.BlockSpec((NC, _BLK, D), lambda i: (0, i, 0)),
            pl.BlockSpec((_BLK, D), lambda i: (i, 0)),
            pl.BlockSpec((D, 1), lambda i: (0, 0)),
            pl.BlockSpec((D, 1), lambda i: (0, 0)),
        ],
        out_specs=[
            pl.BlockSpec((_BLK, D), lambda i: (i, 0)),
            pl.BlockSpec((_BLK, 1), lambda i: (i, 0)),
            pl.BlockSpec((_BLK, 1), lambda i: (i, 0)),
        ],
        out_shape=[
            jax.ShapeDtypeStruct((N_HE, D), jnp.float32),
            jax.ShapeDtypeStruct((N_HE, 1), jnp.float32),
            jax.ShapeDtypeStruct((N_NODES, 1), jnp.float32),
        ],
    )(e_parts, x, a1, a2)


def _tc_pass_d(n_parts, d_parts, z):

    def body(n_ref, d_ref, z_ref, o_ref):
        numer = n_ref[0] + n_ref[1]
        denom = d_ref[0] + d_ref[1] + z_ref[...]
        o_ref[...] = numer / denom

    return pl.pallas_call(
        body,
        grid=(N_NODES // _BLK,),
        in_specs=[
            pl.BlockSpec((NC, _BLK, D), lambda i: (0, i, 0)),
            pl.BlockSpec((NC, _BLK, 1), lambda i: (0, i, 0)),
            pl.BlockSpec((_BLK, 1), lambda i: (i, 0)),
        ],
        out_specs=pl.BlockSpec((_BLK, D), lambda i: (i, 0)),
        out_shape=jax.ShapeDtypeStruct((N_NODES, D), jnp.float32),
    )(n_parts, d_parts, z)


def kernel(H_indices, H_values, X, a):
    nidx = H_indices[0].astype(jnp.int32)
    hidx = H_indices[1].astype(jnp.int32)
    a1 = a[:D]
    a2 = a[D:]
    zeros_e = jnp.zeros((NPAD, D), jnp.float32)
    zeros1 = jnp.zeros((NPAD,), jnp.float32)

    e_parts = _sc_pass_a(nidx, hidx, H_values, X, zeros_e)[:, :N_HE]
    f, w2, z = _tc_pass_b(e_parts, X, a1, a2)
    w1d = w2.reshape((N_HE,))
    n_parts, d_parts = _sc_pass_c(nidx, hidx, f, w1d, zeros_e, zeros1)
    n_parts = n_parts[:, :N_NODES]
    d_parts = d_parts[:, :N_NODES].reshape((NC, N_NODES, 1))
    return _tc_pass_d(n_parts, d_parts, z)

# --- scband reference (transcript-rebuilt; emitter-appended) ---
"""Pipeline reference for scband-hypergraph-attention-layer-31688268710209 (READ-ONLY COPY).

The authoritative reference and input builder live on the scoring server;
editing this copy changes nothing except your own understanding.
"""

import jax, jax.numpy as jnp
import numpy as np

N_NODES = 10000
N_HYPEREDGES = 10000
NNZ = 320000
IN_DIM = 128
OUT_DIM = 128


def setup_inputs(seed: int = 0) -> dict:
    key = jax.random.key(seed)
    k1, k2, k3 = jax.random.split(key, 3)
    # Build unique (node, hyperedge) pairs so the COO matrix is already coalesced
    rng = np.random.default_rng(0)
    lin = rng.integers(0, N_NODES * N_HYPEREDGES, size=NNZ + 50000)
    lin = np.unique(lin)[:NNZ]
    node_idx = (lin // N_HYPEREDGES).astype(np.int64)
    he_idx = (lin % N_HYPEREDGES).astype(np.int64)
    H_indices = jnp.asarray(np.stack([node_idx, he_idx], axis=0))
    H_values = jax.random.uniform(k1, (NNZ,), dtype=jnp.float32)
    X = jax.random.normal(k2, (N_NODES, IN_DIM), dtype=jnp.float32)
    bound = float(np.sqrt(6.0 / (2 * OUT_DIM + 1)))  # xavier_uniform for a: [2*out_dim, 1]
    a = jax.random.uniform(k3, (2 * OUT_DIM, 1), minval=-bound, maxval=bound, dtype=jnp.float32)
    return {"H_indices": H_indices, "H_values": H_values, "X": X, "a": a}


def reference(H_indices, H_values, X, a):
    node_idx = H_indices[0]
    he_idx = H_indices[1]
    # E = H^T @ X : scatter-add node features (weighted by incidence values) into hyperedges
    E = jnp.zeros((N_HYPEREDGES, X.shape[1]), dtype=X.dtype).at[he_idx].add(
        H_values[:, None] * X[node_idx]
    )
    # gather per-nnz node / hyperedge features
    X_i = X[node_idx]
    E_j = E[he_idx]
    concat = jnp.concatenate([X_i, E_j], axis=1)
    e = jnp.squeeze(concat @ a, axis=-1)
    e_exp = jnp.exp(e)
    node_attention_sums = jnp.zeros((X.shape[0],), dtype=X.dtype).at[node_idx].add(e_exp)
    node_attention_sums_nz = node_attention_sums[node_idx] + 1e-16
    alpha = e_exp / node_attention_sums_nz
    m = alpha[:, None] * E_j
    X_out = jnp.zeros_like(X).at[node_idx].add(m)
    return X_out

if __name__ == "__main__":
    import jax
    _d = setup_inputs()
    print(jax.jit(kernel)(*tuple(_d.values())))

</pallas_src>

<mosaic_0001>
#map = affine_map<(d0, d1) -> (0)>
#map1 = affine_map<(d0, d1) -> (0, 0)>
#map2 = affine_map<(d0, d1) -> (0, 0, 0)>
module attributes {stable_mosaic.version = 14 : i64} {
  func.func @k(%arg0: i32, %arg1: i32, %arg2: memref<320000xi32, #tpu.memory_space<hbm>>, %arg3: memref<320000xi32, #tpu.memory_space<hbm>>, %arg4: memref<10000x128xf32, #tpu.memory_space<hbm>>, %arg5: memref<10000xf32, #tpu.memory_space<hbm>>, %arg6: memref<10240x128xf32, #tpu.memory_space<hbm>>, %arg7: memref<10240xf32, #tpu.memory_space<hbm>>, %arg8: memref<2x10240x128xf32, #tpu.memory_space<hbm>>, %arg9: memref<2x10240xf32, #tpu.memory_space<hbm>>, %arg10: memref<128xi32, #tpu.memory_space<vmem>>, %arg11: memref<128xi32, #tpu.memory_space<vmem>>, %arg12: memref<128x128xf32, #tpu.memory_space<vmem>>, %arg13: memref<128xf32, #tpu.memory_space<vmem>>, %arg14: memref<10240x128xf32, #tpu.memory_space<vmem_shared>>, %arg15: memref<10240xf32, #tpu.memory_space<vmem_shared>>) attributes {dimension_semantics = [#tpu.dimension_semantics<core_parallel>, #tpu.dimension_semantics<subcore_parallel>], iteration_bounds = array<i64: 2, 16>, scalar_prefetch = 0 : i64, scratch_operands = 6 : i64, tpu.core_type = #tpu.core_type<sc_vector_subcore>, window_params = [{transform_indices = #map}, {transform_indices = #map}, {transform_indices = #map1}, {transform_indices = #map}, {transform_indices = #map1}, {transform_indices = #map}, {transform_indices = #map2}, {transform_indices = #map1}]} {
    %mul3A = arith.constant 16 : i32
    %mul3A_0 = arith.muli %arg0, %mul3A : i32
    %add3A = arith.addi %mul3A_0, %arg1 : i32
    %mul3A_1 = arith.constant 640 : i32
    %mul3A_2 = arith.muli %arg1, %mul3A_1 : i32
    "tpu.region"() ({
      %run_scoped3A = tpu.sem_alloc : memref<!tpu.dma_semaphore, #tpu.memory_space<semaphore_mem>>
      %dma_start3A = arith.constant 0 : i32
      %dma_start3A_8 = tpu.memref_slice %arg14[%mul3A_2, %dma_start3A] : memref<10240x128xf32, #tpu.memory_space<vmem_shared>> -> memref<640x128xf32, #tpu.memory_space<vmem_shared>>
      %dma_start3A_9 = arith.constant 0 : i32
      %dma_start3A_10 = tpu.memref_slice %arg6[%mul3A_2, %dma_start3A_9] : memref<10240x128xf32, #tpu.memory_space<hbm>> -> memref<640x128xf32, #tpu.memory_space<hbm>>
      tpu.enqueue_dma source(%dma_start3A_10 : memref<640x128xf32, #tpu.memory_space<hbm>>) target(%dma_start3A_8 : memref<640x128xf32, #tpu.memory_space<vmem_shared>>) target_semaphore(%run_scoped3A : memref<!tpu.dma_semaphore, #tpu.memory_space<semaphore_mem>>)
      %dma_wait3A = arith.constant 0 : i32
      %dma_wait3A_11 = tpu.memref_slice %arg14[%mul3A_2, %dma_wait3A] : memref<10240x128xf32, #tpu.memory_space<vmem_shared>> -> memref<640x128xf32, #tpu.memory_space<vmem_shared>>
      %dma_wait3A_12 = arith.constant 0 : i32
      %dma_wait3A_13 = tpu.memref_slice %arg6[%mul3A_2, %dma_wait3A_12] : memref<10240x128xf32, #tpu.memory_space<hbm>> -> memref<640x128xf32, #tpu.memory_space<hbm>>
      tpu.wait_dma2 semaphore(%run_scoped3A : memref<!tpu.dma_semaphore, #tpu.memory_space<semaphore_mem>>) src(%dma_wait3A_13 : memref<640x128xf32, #tpu.memory_space<hbm>>) dst(%dma_wait3A_11 : memref<640x128xf32, #tpu.memory_space<vmem_shared>>)
      tpu.yield
    }) : () -> ()
    "tpu.region"() ({
      %run_scoped3A = tpu.sem_alloc : memref<!tpu.dma_semaphore, #tpu.memory_space<semaphore_mem>>
      %dma_start3A = tpu.memref_slice %arg15[%mul3A_2] : memref<10240xf32, #tpu.memory_space<vmem_shared>> -> memref<640xf32, #tpu.memory_space<vmem_shared>>
      %dma_start3A_8 = tpu.memref_slice %arg7[%mul3A_2] : memref<10240xf32, #tpu.memory_space<hbm>> -> memref<640xf32, #tpu.memory_space<hbm>>
      tpu.enqueue_dma source(%dma_start3A_8 : memref<640xf32, #tpu.memory_space<hbm>>) target(%dma_start3A : memref<640xf32, #tpu.memory_space<vmem_shared>>) target_semaphore(%run_scoped3A : memref<!tpu.dma_semaphore, #tpu.memory_space<semaphore_mem>>)
      %dma_wait3A = tpu.memref_slice %arg15[%mul3A_2] : memref<10240xf32, #tpu.memory_space<vmem_shared>> -> memref<640xf32, #tpu.memory_space<vmem_shared>>
      %dma_wait3A_9 = tpu.memref_slice %arg7[%mul3A_2] : memref<10240xf32, #tpu.memory_space<hbm>> -> memref<640xf32, #tpu.memory_space<hbm>>
      tpu.wait_dma2 semaphore(%run_scoped3A : memref<!tpu.dma_semaphore, #tpu.memory_space<semaphore_mem>>) src(%dma_wait3A_9 : memref<640xf32, #tpu.memory_space<hbm>>) dst(%dma_wait3A : memref<640xf32, #tpu.memory_space<vmem_shared>>)
      tpu.yield
    }) : () -> ()
    %barrier3A = arith.constant 0 : index
    tpu.barrier barrier_id(%barrier3A)
    %scan3A = arith.constant 0 : i32
    %scan3A_3 = arith.constant 79 : i32
    %scan3A_4 = arith.addi %scan3A, %scan3A_3 : i32
    %scan3A_5 = arith.constant 1 : i32
    scf.for %scan3A_8 = %scan3A to %scan3A_4 step %scan3A_5  : i32 {
      %mul3A_9 = arith.constant 1 : i32
      %mul3A_10 = arith.muli %scan3A_8, %mul3A_9 : i32
      %add3A_11 = arith.constant 0 : i32
      %add3A_12 = arith.addi %add3A_11, %mul3A_10 : i32
      %mul3A_13 = arith.constant 32 : i32
      %mul3A_14 = arith.muli %add3A_12, %mul3A_13 : i32
      %add3A_15 = arith.addi %add3A, %mul3A_14 : i32
      %lt3A = arith.constant 2500 : i32
      %lt3A_16 = arith.cmpi slt, %add3A_15, %lt3A : i32
      %convert_element_type3A = arith.extui %lt3A_16 : i1 to i32
      %cond3A = arith.constant 0 : i32
      %cond3A_17 = arith.cmpi ne, %convert_element_type3A, %cond3A : i32
      scf.if %cond3A_17 {
        %mul3A_18 = arith.constant 128 : i32
        %mul3A_19 = arith.muli %add3A_15, %mul3A_18 : i32
        "tpu.region"() ({
          %run_scoped3A = tpu.sem_alloc : memref<!tpu.dma_semaphore, #tpu.memory_space<semaphore_mem>>
          %dma_start3A = tpu.memref_slice %arg2[%mul3A_19] : memref<320000xi32, #tpu.memory_space<hbm>> -> memref<128xi32, #tpu.memory_space<hbm>>
          %dma_start3A_20 = tpu.memref_slice %arg2[%mul3A_19] : memref<320000xi32, #tpu.memory_space<hbm>> -> memref<128xi32, #tpu.memory_space<hbm>>
          tpu.enqueue_dma source(%dma_start3A_20 : memref<128xi32, #tpu.memory_space<hbm>>) target(%arg10 : memref<128xi32, #tpu.memory_space<vmem>>) target_semaphore(%run_scoped3A : memref<!tpu.dma_semaphore, #tpu.memory_space<semaphore_mem>>)
          %dma_wait3A = tpu.memref_slice %arg2[%mul3A_19] : memref<320000xi32, #tpu.memory_space<hbm>> -> memref<128xi32, #tpu.memory_space<hbm>>
          %dma_wait3A_21 = tpu.memref_slice %arg2[%mul3A_19] : memref<320000xi32, #tpu.memory_space<hbm>> -> memref<128xi32, #tpu.memory_space<hbm>>
          tpu.wait_dma2 semaphore(%run_scoped3A : memref<!tpu.dma_semaphore, #tpu.memory_space<semaphore_mem>>) src(%dma_wait3A_21 : memref<128xi32, #tpu.memory_space<hbm>>) dst(%arg10 : memref<128xi32, #tpu.memory_space<vmem>>)
          tpu.yield
        }) : () -> ()
        "tpu.region"() ({
          %run_scoped3A = tpu.sem_alloc : memref<!tpu.dma_semaphore, #tpu.memory_space<semaphore_mem>>
          %dma_start3A = tpu.memref_slice %arg3[%mul3A_19] : memref<320000xi32, #tpu.memory_space<hbm>> -> memref<128xi32, #tpu.memory_space<hbm>>
          %dma_start3A_20 = tpu.memref_slice %arg3[%mul3A_19] : memref<320000xi32, #tpu.memory_space<hbm>> -> memref<128xi32, #tpu.memory_space<hbm>>
          tpu.enqueue_dma source(%dma_start3A_20 : memref<128xi32, #tpu.memory_space<hbm>>) target(%arg11 : memref<128xi32, #tpu.memory_space<vmem>>) target_semaphore(%run_scoped3A : memref<!tpu.dma_semaphore, #tpu.memory_space<semaphore_mem>>)
          %dma_wait3A = tpu.memref_slice %arg3[%mul3A_19] : memref<320000xi32, #tpu.memory_space<hbm>> -> memref<128xi32, #tpu.memory_space<hbm>>
          %dma_wait3A_21 = tpu.memref_slice %arg3[%mul3A_19] : memref<320000xi32, #tpu.memory_space<hbm>> -> memref<128xi32, #tpu.memory_space<hbm>>
          tpu.wait_dma2 semaphore(%run_scoped3A : memref<!tpu.dma_semaphore, #tpu.memory_space<semaphore_mem>>) src(%dma_wait3A_21 : memref<128xi32, #tpu.memory_space<hbm>>) dst(%arg11 : memref<128xi32, #tpu.memory_space<vmem>>)
          tpu.yield
        }) : () -> ()
        "tpu.region"() ({
          %run_scoped3A = tpu.sem_alloc : memref<!tpu.dma_semaphore, #tpu.memory_space<semaphore_mem>>
          %dma_start3A = arith.constant 0 : i32
          %dma_start3A_20 = arith.constant 0 : i32
          %dma_start3A_21 = tpu.memref_slice %arg4[%dma_start3A, %dma_start3A_20] : memref<10000x128xf32, #tpu.memory_space<hbm>> -> memref<10000x128xf32, #tpu.memory_space<hbm>>
          tpu.enqueue_indirect_dma source(%dma_start3A_21 : memref<10000x128xf32, #tpu.memory_space<hbm>>) target(%arg12 : memref<128x128xf32, #tpu.memory_space<vmem>>) offsets(%arg11 : memref<128xi32, #tpu.memory_space<vmem>>) semaphore(%run_scoped3A : memref<!tpu.dma_semaphore, #tpu.memory_space<semaphore_mem>>)
          %dma_wait3A = arith.constant 0 : i32
          %dma_wait3A_22 = arith.constant 0 : i32
          %dma_wait3A_23 = tpu.memref_slice %arg4[%dma_wait3A, %dma_wait3A_22] : memref<10000x128xf32, #tpu.memory_space<hbm>> -> memref<10000x128xf32, #tpu.memory_space<hbm>>
          tpu.wait_indirect_dma semaphore(%run_scoped3A : memref<!tpu.dma_semaphore, #tpu.memory_space<semaphore_mem>>) src(%dma_wait3A_23 : memref<10000x128xf32, #tpu.memory_space<hbm>>) dst(%arg12 : memref<128x128xf32, #tpu.memory_space<vmem>>)
          tpu.yield
        }) : () -> ()
        "tpu.region"() ({
          %run_scoped3A = tpu.sem_alloc : memref<!tpu.dma_semaphore, #tpu.memory_space<semaphore_mem>>
          %dma_start3A = arith.constant 0 : i32
          %dma_start3A_20 = tpu.memref_slice %arg5[%dma_start3A] : memref<10000xf32, #tpu.memory_space<hbm>> -> memref<10000xf32, #tpu.memory_space<hbm>>
          tpu.enqueue_indirect_dma source(%dma_start3A_20 : memref<10000xf32, #tpu.memory_space<hbm>>) target(%arg13 : memref<128xf32, #tpu.memory_space<vmem>>) offsets(%arg11 : memref<128xi32, #tpu.memory_space<vmem>>) semaphore(%run_scoped3A : memref<!tpu.dma_semaphore, #tpu.memory_space<semaphore_mem>>)
          %dma_wait3A = arith.constant 0 : i32
          %dma_wait3A_21 = tpu.memref_slice %arg5[%dma_wait3A] : memref<10000xf32, #tpu.memory_space<hbm>> -> memref<10000xf32, #tpu.memory_space<hbm>>
          tpu.wait_indirect_dma semaphore(%run_scoped3A : memref<!tpu.dma_semaphore, #tpu.memory_space<semaphore_mem>>) src(%dma_wait3A_21 : memref<10000xf32, #tpu.memory_space<hbm>>) dst(%arg13 : memref<128xf32, #tpu.memory_space<vmem>>)
          tpu.yield
        }) : () -> ()
        "tpu.region"() ({
          %run_scoped3A = tpu.sem_alloc : memref<!tpu.dma_semaphore, #tpu.memory_space<semaphore_mem>>
          %dma_start3A = arith.constant 0 : i32
          %dma_start3A_20 = arith.constant 0 : i32
          %dma_start3A_21 = tpu.memref_slice %arg14[%dma_start3A, %dma_start3A_20] : memref<10240x128xf32, #tpu.memory_space<vmem_shared>> -> memref<10240x128xf32, #tpu.memory_space<vmem_shared>>
          tpu.enqueue_indirect_dma source(%arg12 : memref<128x128xf32, #tpu.memory_space<vmem>>) target(%dma_start3A_21 : memref<10240x128xf32, #tpu.memory_space<vmem_shared>>) offsets(%arg10 : memref<128xi32, #tpu.memory_space<vmem>>) semaphore(%run_scoped3A : memref<!tpu.dma_semaphore, #tpu.memory_space<semaphore_mem>>) {add = true}
          %dma_wait3A = arith.constant 0 : i32
          %dma_wait3A_22 = arith.constant 0 : i32
          %dma_wait3A_23 = tpu.memref_slice %arg14[%dma_wait3A, %dma_wait3A_22] : memref<10240x128xf32, #tpu.memory_space<vmem_shared>> -> memref<10240x128xf32, #tpu.memory_space<vmem_shared>>
          tpu.wait_indirect_dma semaphore(%run_scoped3A : memref<!tpu.dma_semaphore, #tpu.memory_space<semaphore_mem>>) src(%arg12 : memref<128x128xf32, #tpu.memory_space<vmem>>) dst(%dma_wait3A_23 : memref<10240x128xf32, #tpu.memory_space<vmem_shared>>)
          tpu.yield
        }) : () -> ()
        "tpu.region"() ({
          %run_scoped3A = tpu.sem_alloc : memref<!tpu.dma_semaphore, #tpu.memory_space<semaphore_mem>>
          %dma_start3A = arith.constant 0 : i32
          %dma_start3A_20 = tpu.memref_slice %arg15[%dma_start3A] : memref<10240xf32, #tpu.memory_space<vmem_shared>> -> memref<10240xf32, #tpu.memory_space<vmem_shared>>
          tpu.enqueue_indirect_dma source(%arg13 : memref<128xf32, #tpu.memory_space<vmem>>) target(%dma_start3A_20 : memref<10240xf32, #tpu.memory_space<vmem_shared>>) offsets(%arg10 : memref<128xi32, #tpu.memory_space<vmem>>) semaphore(%run_scoped3A : memref<!tpu.dma_semaphore, #tpu.memory_space<semaphore_mem>>) {add = true}
          %dma_wait3A = arith.constant 0 : i32
          %dma_wait3A_21 = tpu.memref_slice %arg15[%dma_wait3A] : memref<10240xf32, #tpu.memory_space<vmem_shared>> -> memref<10240xf32, #tpu.memory_space<vmem_shared>>
          tpu.wait_indirect_dma semaphore(%run_scoped3A : memref<!tpu.dma_semaphore, #tpu.memory_space<semaphore_mem>>) src(%arg13 : memref<128xf32, #tpu.memory_space<vmem>>) dst(%dma_wait3A_21 : memref<10240xf32, #tpu.memory_space<vmem_shared>>)
          tpu.yield
        }) : () -> ()
      } else {
      }
    }
    %scan3A_6 = arith.constant 79 : i32
    %barrier3A_7 = arith.constant 0 : index
    tpu.barrier barrier_id(%barrier3A_7)
    "tpu.region"() ({
      %run_scoped3A = tpu.sem_alloc : memref<!tpu.dma_semaphore, #tpu.memory_space<semaphore_mem>>
      %dma_start3A = arith.constant 0 : i32
      %dma_start3A_8 = arith.constant 0 : i32
      %dma_start3A_9 = tpu.memref_slice %arg8[%arg0, %dma_start3A, %dma_start3A_8] : memref<2x10240x128xf32, #tpu.memory_space<hbm>> -> memref<1x10240x128xf32, #tpu.memory_space<hbm>>
      %dma_start3A_10 = tpu.memref_squeeze %dma_start3A_9 : memref<1x10240x128xf32, #tpu.memory_space<hbm>> -> memref<10240x128xf32, #tpu.memory_space<hbm>>
      %dma_start3A_11 = arith.constant 0 : i32
      %dma_start3A_12 = tpu.memref_slice %dma_start3A_10[%mul3A_2, %dma_start3A_11] : memref<10240x128xf32, #tpu.memory_space<hbm>> -> memref<640x128xf32, #tpu.memory_space<hbm>>
      %dma_start3A_13 = arith.constant 0 : i32
      %dma_start3A_14 = tpu.memref_slice %arg14[%mul3A_2, %dma_start3A_13] : memref<10240x128xf32, #tpu.memory_space<vmem_shared>> -> memref<640x128xf32, #tpu.memory_space<vmem_shared>>
      tpu.enqueue_dma source(%dma_start3A_14 : memref<640x128xf32, #tpu.memory_space<vmem_shared>>) target(%dma_start3A_12 : memref<640x128xf32, #tpu.memory_space<hbm>>) target_semaphore(%run_scoped3A : memref<!tpu.dma_semaphore, #tpu.memory_space<semaphore_mem>>)
      %dma_wait3A = arith.constant 0 : i32
      %dma_wait3A_15 = arith.constant 0 : i32
      %dma_wait3A_16 = tpu.memref_slice %arg8[%arg0, %dma_wait3A, %dma_wait3A_15] : memref<2x10240x128xf32, #tpu.memory_space<hbm>> -> memref<1x10240x128xf32, #tpu.memory_space<hbm>>
      %dma_wait3A_17 = tpu.memref_squeeze %dma_wait3A_16 : memref<1x10240x128xf32, #tpu.memory_space<hbm>> -> memref<10240x128xf32, #tpu.memory_space<hbm>>
      %dma_wait3A_18 = arith.constant 0 : i32
      %dma_wait3A_19 = tpu.memref_slice %dma_wait3A_17[%mul3A_2, %dma_wait3A_18] : memref<10240x128xf32, #tpu.memory_space<hbm>> -> memref<640x128xf32, #tpu.memory_space<hbm>>
      %dma_wait3A_20 = arith.constant 0 : i32
      %dma_wait3A_21 = tpu.memref_slice %arg14[%mul3A_2, %dma_wait3A_20] : memref<10240x128xf32, #tpu.memory_space<vmem_shared>> -> memref<640x128xf32, #tpu.memory_space<vmem_shared>>
      tpu.wait_dma2 semaphore(%run_scoped3A : memref<!tpu.dma_semaphore, #tpu.memory_space<semaphore_mem>>) src(%dma_wait3A_21 : memref<640x128xf32, #tpu.memory_space<vmem_shared>>) dst(%dma_wait3A_19 : memref<640x128xf32, #tpu.memory_space<hbm>>)
      tpu.yield
    }) : () -> ()
    "tpu.region"() ({
      %run_scoped3A = tpu.sem_alloc : memref<!tpu.dma_semaphore, #tpu.memory_space<semaphore_mem>>
      %dma_start3A = arith.constant 0 : i32
      %dma_start3A_8 = tpu.memref_slice %arg9[%arg0, %dma_start3A] : memref<2x10240xf32, #tpu.memory_space<hbm>> -> memref<1x10240xf32, #tpu.memory_space<hbm>>
      %dma_start3A_9 = tpu.memref_squeeze %dma_start3A_8 : memref<1x10240xf32, #tpu.memory_space<hbm>> -> memref<10240xf32, #tpu.memory_space<hbm>>
      %dma_start3A_10 = tpu.memref_slice %dma_start3A_9[%mul3A_2] : memref<10240xf32, #tpu.memory_space<hbm>> -> memref<640xf32, #tpu.memory_space<hbm>>
      %dma_start3A_11 = tpu.memref_slice %arg15[%mul3A_2] : memref<10240xf32, #tpu.memory_space<vmem_shared>> -> memref<640xf32, #tpu.memory_space<vmem_shared>>
      tpu.enqueue_dma source(%dma_start3A_11 : memref<640xf32, #tpu.memory_space<vmem_shared>>) target(%dma_start3A_10 : memref<640xf32, #tpu.memory_space<hbm>>) target_semaphore(%run_scoped3A : memref<!tpu.dma_semaphore, #tpu.memory_space<semaphore_mem>>)
      %dma_wait3A = arith.constant 0 : i32
      %dma_wait3A_12 = tpu.memref_slice %arg9[%arg0, %dma_wait3A] : memref<2x10240xf32, #tpu.memory_space<hbm>> -> memref<1x10240xf32, #tpu.memory_space<hbm>>
      %dma_wait3A_13 = tpu.memref_squeeze %dma_wait3A_12 : memref<1x10240xf32, #tpu.memory_space<hbm>> -> memref<10240xf32, #tpu.memory_space<hbm>>
      %dma_wait3A_14 = tpu.memref_slice %dma_wait3A_13[%mul3A_2] : memref<10240xf32, #tpu.memory_space<hbm>> -> memref<640xf32, #tpu.memory_space<hbm>>
      %dma_wait3A_15 = tpu.memref_slice %arg15[%mul3A_2] : memref<10240xf32, #tpu.memory_space<vmem_shared>> -> memref<640xf32, #tpu.memory_space<vmem_shared>>
      tpu.wait_dma2 semaphore(%run_scoped3A : memref<!tpu.dma_semaphore, #tpu.memory_space<semaphore_mem>>) src(%dma_wait3A_15 : memref<640xf32, #tpu.memory_space<vmem_shared>>) dst(%dma_wait3A_14 : memref<640xf32, #tpu.memory_space<hbm>>)
      tpu.yield
    }) : () -> ()
    return
  }
}

#map = affine_map<(d0, d1) -> (0)>
#map1 = affine_map<(d0, d1) -> (0, 0)>
#map2 = affine_map<(d0, d1) -> (0, 0, 0)>
module attributes {stable_mosaic.version = 14 : i64} {
  func.func @k(%arg0: i32, %arg1: i32, %arg2: memref<320000xi32, #tpu.memory_space<hbm>>, %arg3: memref<320000xi32, #tpu.memory_space<hbm>>, %arg4: memref<320000xf32, #tpu.memory_space<hbm>>, %arg5: memref<10000x128xf32, #tpu.memory_space<hbm>>, %arg6: memref<10240x128xf32, #tpu.memory_space<hbm>>, %arg7: memref<2x10240x128xf32, #tpu.memory_space<hbm>>, %arg8: memref<128xi32, #tpu.memory_space<vmem>>, %arg9: memref<128xi32, #tpu.memory_space<vmem>>, %arg10: memref<128xf32, #tpu.memory_space<vmem>>, %arg11: memref<128x128xf32, #tpu.memory_space<vmem>>, %arg12: memref<10240x128xf32, #tpu.memory_space<vmem_shared>>) attributes {dimension_semantics = [#tpu.dimension_semantics<core_parallel>, #tpu.dimension_semantics<subcore_parallel>], iteration_bounds = array<i64: 2, 16>, scalar_prefetch = 0 : i64, scratch_operands = 5 : i64, tpu.core_type = #tpu.core_type<sc_vector_subcore>, window_params = [{transform_indices = #map}, {transform_indices = #map}, {transform_indices = #map}, {transform_indices = #map1}, {transform_indices = #map1}, {transform_indices = #map2}]} {
    %mul3A = arith.constant 16 : i32
    %mul3A_0 = arith.muli %arg0, %mul3A : i32
    %add3A = arith.addi %mul3A_0, %arg1 : i32
    %mul3A_1 = arith.constant 640 : i32
    %mul3A_2 = arith.muli %arg1, %mul3A_1 : i32
    "tpu.region"() ({
      %run_scoped3A = tpu.sem_alloc : memref<!tpu.dma_semaphore, #tpu.memory_space<semaphore_mem>>
      %dma_start3A = arith.constant 0 : i32
      %dma_start3A_8 = tpu.memref_slice %arg12[%mul3A_2, %dma_start3A] : memref<10240x128xf32, #tpu.memory_space<vmem_shared>> -> memref<640x128xf32, #tpu.memory_space<vmem_shared>>
      %dma_start3A_9 = arith.constant 0 : i32
      %dma_start3A_10 = tpu.memref_slice %arg6[%mul3A_2, %dma_start3A_9] : memref<10240x128xf32, #tpu.memory_space<hbm>> -> memref<640x128xf32, #tpu.memory_space<hbm>>
      tpu.enqueue_dma source(%dma_start3A_10 : memref<640x128xf32, #tpu.memory_space<hbm>>) target(%dma_start3A_8 : memref<640x128xf32, #tpu.memory_space<vmem_shared>>) target_semaphore(%run_scoped3A : memref<!tpu.dma_semaphore, #tpu.memory_space<semaphore_mem>>)
      %dma_wait3A = arith.constant 0 : i32
      %dma_wait3A_11 = tpu.memref_slice %arg12[%mul3A_2, %dma_wait3A] : memref<10240x128xf32, #tpu.memory_space<vmem_shared>> -> memref<640x128xf32, #tpu.memory_space<vmem_shared>>
      %dma_wait3A_12 = arith.constant 0 : i32
      %dma_wait3A_13 = tpu.memref_slice %arg6[%mul3A_2, %dma_wait3A_12] : memref<10240x128xf32, #tpu.memory_space<hbm>> -> memref<640x128xf32, #tpu.memory_space<hbm>>
      tpu.wait_dma2 semaphore(%run_scoped3A : memref<!tpu.dma_semaphore, #tpu.memory_space<semaphore_mem>>) src(%dma_wait3A_13 : memref<640x128xf32, #tpu.memory_space<hbm>>) dst(%dma_wait3A_11 : memref<640x128xf32, #tpu.memory_space<vmem_shared>>)
      tpu.yield
    }) : () -> ()
    %barrier3A = arith.constant 0 : index
    tpu.barrier barrier_id(%barrier3A)
    %scan3A = arith.constant 0 : i32
    %scan3A_3 = arith.constant 79 : i32
    %scan3A_4 = arith.addi %scan3A, %scan3A_3 : i32
    %scan3A_5 = arith.constant 1 : i32
    scf.for %scan3A_8 = %scan3A to %scan3A_4 step %scan3A_5  : i32 {
      %mul3A_9 = arith.constant 1 : i32
      %mul3A_10 = arith.muli %scan3A_8, %mul3A_9 : i32
      %add3A_11 = arith.constant 0 : i32
      %add3A_12 = arith.addi %add3A_11, %mul3A_10 : i32
      %mul3A_13 = arith.constant 32 : i32
      %mul3A_14 = arith.muli %add3A_12, %mul3A_13 : i32
      %add3A_15 = arith.addi %add3A, %mul3A_14 : i32
      %lt3A = arith.constant 2500 : i32
      %lt3A_16 = arith.cmpi slt, %add3A_15, %lt3A : i32
      %convert_element_type3A = arith.extui %lt3A_16 : i1 to i32
      %cond3A = arith.constant 0 : i32
      %cond3A_17 = arith.cmpi ne, %convert_element_type3A, %cond3A : i32
      scf.if %cond3A_17 {
        %mul3A_18 = arith.constant 128 : i32
        %mul3A_19 = arith.muli %add3A_15, %mul3A_18 : i32
        "tpu.region"() ({
          %run_scoped3A = tpu.sem_alloc : memref<!tpu.dma_semaphore, #tpu.memory_space<semaphore_mem>>
          %dma_start3A = tpu.memref_slice %arg2[%mul3A_19] : memref<320000xi32, #tpu.memory_space<hbm>> -> memref<128xi32, #tpu.memory_space<hbm>>
          %dma_start3A_25 = tpu.memref_slice %arg2[%mul3A_19] : memref<320000xi32, #tpu.memory_space<hbm>> -> memref<128xi32, #tpu.memory_space<hbm>>
          tpu.enqueue_dma source(%dma_start3A_25 : memref<128xi32, #tpu.memory_space<hbm>>) target(%arg8 : memref<128xi32, #tpu.memory_space<vmem>>) target_semaphore(%run_scoped3A : memref<!tpu.dma_semaphore, #tpu.memory_space<semaphore_mem>>)
          %dma_wait3A = tpu.memref_slice %arg2[%mul3A_19] : memref<320000xi32, #tpu.memory_space<hbm>> -> memref<128xi32, #tpu.memory_space<hbm>>
          %dma_wait3A_26 = tpu.memref_slice %arg2[%mul3A_19] : memref<320000xi32, #tpu.memory_space<hbm>> -> memref<128xi32, #tpu.memory_space<hbm>>
          tpu.wait_dma2 semaphore(%run_scoped3A : memref<!tpu.dma_semaphore, #tpu.memory_space<semaphore_mem>>) src(%dma_wait3A_26 : memref<128xi32, #tpu.memory_space<hbm>>) dst(%arg8 : memref<128xi32, #tpu.memory_space<vmem>>)
          tpu.yield
        }) : () -> ()
        "tpu.region"() ({
          %run_scoped3A = tpu.sem_alloc : memref<!tpu.dma_semaphore, #tpu.memory_space<semaphore_mem>>
          %dma_start3A = tpu.memref_slice %arg3[%mul3A_19] : memref<320000xi32, #tpu.memory_space<hbm>> -> memref<128xi32, #tpu.memory_space<hbm>>
          %dma_start3A_25 = tpu.memref_slice %arg3[%mul3A_19] : memref<320000xi32, #tpu.memory_space<hbm>> -> memref<128xi32, #tpu.memory_space<hbm>>
          tpu.enqueue_dma source(%dma_start3A_25 : memref<128xi32, #tpu.memory_space<hbm>>) target(%arg9 : memref<128xi32, #tpu.memory_space<vmem>>) target_semaphore(%run_scoped3A : memref<!tpu.dma_semaphore, #tpu.memory_space<semaphore_mem>>)
          %dma_wait3A = tpu.memref_slice %arg3[%mul3A_19] : memref<320000xi32, #tpu.memory_space<hbm>> -> memref<128xi32, #tpu.memory_space<hbm>>
          %dma_wait3A_26 = tpu.memref_slice %arg3[%mul3A_19] : memref<320000xi32, #tpu.memory_space<hbm>> -> memref<128xi32, #tpu.memory_space<hbm>>
          tpu.wait_dma2 semaphore(%run_scoped3A : memref<!tpu.dma_semaphore, #tpu.memory_space<semaphore_mem>>) src(%dma_wait3A_26 : memref<128xi32, #tpu.memory_space<hbm>>) dst(%arg9 : memref<128xi32, #tpu.memory_space<vmem>>)
          tpu.yield
        }) : () -> ()
        "tpu.region"() ({
          %run_scoped3A = tpu.sem_alloc : memref<!tpu.dma_semaphore, #tpu.memory_space<semaphore_mem>>
          %dma_start3A = tpu.memref_slice %arg4[%mul3A_19] : memref<320000xf32, #tpu.memory_space<hbm>> -> memref<128xf32, #tpu.memory_space<hbm>>
          %dma_start3A_25 = tpu.memref_slice %arg4[%mul3A_19] : memref<320000xf32, #tpu.memory_space<hbm>> -> memref<128xf32, #tpu.memory_space<hbm>>
          tpu.enqueue_dma source(%dma_start3A_25 : memref<128xf32, #tpu.memory_space<hbm>>) target(%arg10 : memref<128xf32, #tpu.memory_space<vmem>>) target_semaphore(%run_scoped3A : memref<!tpu.dma_semaphore, #tpu.memory_space<semaphore_mem>>)
          %dma_wait3A = tpu.memref_slice %arg4[%mul3A_19] : memref<320000xf32, #tpu.memory_space<hbm>> -> memref<128xf32, #tpu.memory_space<hbm>>
          %dma_wait3A_26 = tpu.memref_slice %arg4[%mul3A_19] : memref<320000xf32, #tpu.memory_space<hbm>> -> memref<128xf32, #tpu.memory_space<hbm>>
          tpu.wait_dma2 semaphore(%run_scoped3A : memref<!tpu.dma_semaphore, #tpu.memory_space<semaphore_mem>>) src(%dma_wait3A_26 : memref<128xf32, #tpu.memory_space<hbm>>) dst(%arg10 : memref<128xf32, #tpu.memory_space<vmem>>)
          tpu.yield
        }) : () -> ()
        "tpu.region"() ({
          %run_scoped3A = tpu.sem_alloc : memref<!tpu.dma_semaphore, #tpu.memory_space<semaphore_mem>>
          %dma_start3A = arith.constant 0 : i32
          %dma_start3A_25 = arith.constant 0 : i32
          %dma_start3A_26 = tpu.memref_slice %arg5[%dma_start3A, %dma_start3A_25] : memref<10000x128xf32, #tpu.memory_space<hbm>> -> memref<10000x128xf32, #tpu.memory_space<hbm>>
          tpu.enqueue_indirect_dma source(%dma_start3A_26 : memref<10000x128xf32, #tpu.memory_space<hbm>>) target(%arg11 : memref<128x128xf32, #tpu.memory_space<vmem>>) offsets(%arg8 : memref<128xi32, #tpu.memory_space<vmem>>) semaphore(%run_scoped3A : memref<!tpu.dma_semaphore, #tpu.memory_space<semaphore_mem>>)
          %dma_wait3A = arith.constant 0 : i32
          %dma_wait3A_27 = arith.constant 0 : i32
          %dma_wait3A_28 = tpu.memref_slice %arg5[%dma_wait3A, %dma_wait3A_27] : memref<10000x128xf32, #tpu.memory_space<hbm>> -> memref<10000x128xf32, #tpu.memory_space<hbm>>
          tpu.wait_indirect_dma semaphore(%run_scoped3A : memref<!tpu.dma_semaphore, #tpu.memory_space<semaphore_mem>>) src(%dma_wait3A_28 : memref<10000x128xf32, #tpu.memory_space<hbm>>) dst(%arg11 : memref<128x128xf32, #tpu.memory_space<vmem>>)
          tpu.yield
        }) : () -> ()
        %scan3A_20 = arith.constant 0 : i32
        %scan3A_21 = arith.constant 8 : i32
        %scan3A_22 = arith.addi %scan3A_20, %scan3A_21 : i32
        %scan3A_23 = arith.constant 1 : i32
        scf.for %scan3A_25 = %scan3A_20 to %scan3A_22 step %scan3A_23  : i32 {
          %mul3A_26 = arith.constant 1 : i32
          %mul3A_27 = arith.muli %scan3A_25, %mul3A_26 : i32
          %add3A_28 = arith.constant 0 : i32
          %add3A_29 = arith.addi %add3A_28, %mul3A_27 : i32
          %mul3A_30 = arith.constant 16 : i32
          %mul3A_31 = arith.muli %add3A_29, %mul3A_30 : i32
          %get3A = arith.index_cast %mul3A_31 : i32 to index
          %get3A_32 = tpu.vector_load %arg10[%get3A] {strides = array<i32>} : memref<128xf32, #tpu.memory_space<vmem>>, vector<16xf32>,
          %get3A_33 = vector.shape_cast %get3A_32 : vector<16xf32> to vector<16xf32>
          %slice3A = vector.extract_strided_slice %get3A_33 {offsets = [0], sizes = [1], strides = [1]} : vector<16xf32> to vector<1xf32>
          %squeeze3A = vector.extract %slice3A[0] : f32 from vector<1xf32>
          %mul3A_34 = arith.constant 16 : i32
          %mul3A_35 = arith.muli %add3A_29, %mul3A_34 : i32
          %add3A_36 = arith.constant 0 : i32
          %add3A_37 = arith.addi %mul3A_35, %add3A_36 : i32
          %get3A_38 = arith.index_cast %add3A_37 : i32 to index
          %get3A_39 = arith.constant 0 : index
          %get3A_40 = tpu.vector_load %arg11[%get3A_38, %get3A_39] {strides = array<i32>} : memref<128x128xf32, #tpu.memory_space<vmem>>, vector<1x16xf32>,
          %get3A_41 = vector.shape_cast %get3A_40 : vector<1x16xf32> to vector<16xf32>
          %mul3A_42 = vector.broadcast %squeeze3A : f32 to vector<16xf32>
          %mul3A_43 = arith.mulf %get3A_41, %mul3A_42 : vector<16xf32>
          %swap3A = arith.index_cast %add3A_37 : i32 to index
          %swap3A_44 = arith.constant 0 : index
          %swap3A_45 = tpu.vector_load %arg11[%swap3A, %swap3A_44] {strides = array<i32>} : memref<128x128xf32, #tpu.memory_space<vmem>>, vector<1x16xf32>,
          %swap3A_46 = vector.shape_cast %swap3A_45 : vector<1x16xf32> to vector<16xf32>
          %swap3A_47 = vector.shape_cast %mul3A_43 : vector<16xf32> to vector<1x16xf32>
          tpu.vector_store %arg11[%swap3A, %swap3A_44], %swap3A_47 {strides = array<i32>} : memref<128x128xf32, #tpu.memory_space<vmem>>, vector<1x16xf32>,
          %get3A_48 = arith.index_cast %add3A_37 : i32 to index
          %get3A_49 = arith.constant 16 : index
          %get3A_50 = tpu.vector_load %arg11[%get3A_48, %get3A_49] {strides = array<i32>} : memref<128x128xf32, #tpu.memory_space<vmem>>, vector<1x16xf32>,
          %get3A_51 = vector.shape_cast %get3A_50 : vector<1x16xf32> to vector<16xf32>
          %mul3A_52 = vector.broadcast %squeeze3A : f32 to vector<16xf32>
          %mul3A_53 = arith.mulf %get3A_51, %mul3A_52 : vector<16xf32>
          %swap3A_54 = arith.index_cast %add3A_37 : i32 to index
          %swap3A_55 = arith.constant 16 : index
          %swap3A_56 = tpu.vector_load %arg11[%swap3A_54, %swap3A_55] {strides = array<i32>} : memref<128x128xf32, #tpu.memory_space<vmem>>, vector<1x16xf32>,
          %swap3A_57 = vector.shape_cast %swap3A_56 : vector<1x16xf32> to vector<16xf32>
          %swap3A_58 = vector.shape_cast %mul3A_53 : vector<16xf32> to vector<1x16xf32>
          tpu.vector_store %arg11[%swap3A_54, %swap3A_55], %swap3A_58 {strides = array<i32>} : memref<128x128xf32, #tpu.memory_space<vmem>>, vector<1x16xf32>,
          %get3A_59 = arith.index_cast %add3A_37 : i32 to index
          %get3A_60 = arith.constant 32 : index
          %get3A_61 = tpu.vector_load %arg11[%get3A_59, %get3A_60] {strides = array<i32>} : memref<128x128xf32, #tpu.memory_space<vmem>>, vector<1x16xf32>,
          %get3A_62 = vector.shape_cast %get3A_61 : vector<1x16xf32> to vector<16xf32>
          %mul3A_63 = vector.broadcast %squeeze3A : f32 to vector<16xf32>
          %mul3A_64 = arith.mulf %get3A_62, %mul3A_63 : vector<16xf32>
          %swap3A_65 = arith.index_cast %add3A_37 : i32 to index
          %swap3A_66 = arith.constant 32 : index
          %swap3A_67 = tpu.vector_load %arg11[%swap3A_65, %swap3A_66] {strides = array<i32>} : memref<128x128xf32, #tpu.memory_space<vmem>>, vector<1x16xf32>,
          %swap3A_68 = vector.shape_cast %swap3A_67 : vector<1x16xf32> to vector<16xf32>
          %swap3A_69 = vector.shape_cast %mul3A_64 : vector<16xf32> to vector<1x16xf32>
          tpu.vector_store %arg11[%swap3A_65, %swap3A_66], %swap3A_69 {strides = array<i32>} : memref<128x128xf32, #tpu.memory_space<vmem>>, vector<1x16xf32>,
          %get3A_70 = arith.index_cast %add3A_37 : i32 to index
          %get3A_71 = arith.constant 48 : index
          %get3A_72 = tpu.vector_load %arg11[%get3A_70, %get3A_71] {strides = array<i32>} : memref<128x128xf32, #tpu.memory_space<vmem>>, vector<1x16xf32>,
          %get3A_73 = vector.shape_cast %get3A_72 : vector<1x16xf32> to vector<16xf32>
          %mul3A_74 = vector.broadcast %squeeze3A : f32 to vector<16xf32>
          %mul3A_75 = arith.mulf %get3A_73, %mul3A_74 : vector<16xf32>
          %swap3A_76 = arith.index_cast %add3A_37 : i32 to index
          %swap3A_77 = arith.constant 48 : index
          %swap3A_78 = tpu.vector_load %arg11[%swap3A_76, %swap3A_77] {strides = array<i32>} : memref<128x128xf32, #tpu.memory_space<vmem>>, vector<1x16xf32>,
          %swap3A_79 = vector.shape_cast %swap3A_78 : vector<1x16xf32> to vector<16xf32>
          %swap3A_80 = vector.shape_cast %mul3A_75 : vector<16xf32> to vector<1x16xf32>
          tpu.vector_store %arg11[%swap3A_76, %swap3A_77], %swap3A_80 {strides = array<i32>} : memref<128x128xf32, #tpu.memory_space<vmem>>, vector<1x16xf32>,
          %get3A_81 = arith.index_cast %add3A_37 : i32 to index
          %get3A_82 = arith.constant 64 : index
          %get3A_83 = tpu.vector_load %arg11[%get3A_81, %get3A_82] {strides = array<i32>} : memref<128x128xf32, #tpu.memory_space<vmem>>, vector<1x16xf32>,
          %get3A_84 = vector.shape_cast %get3A_83 : vector<1x16xf32> to vector<16xf32>
          %mul3A_85 = vector.broadcast %squeeze3A : f32 to vector<16xf32>
          %mul3A_86 = arith.mulf %get3A_84, %mul3A_85 : vector<16xf32>
          %swap3A_87 = arith.index_cast %add3A_37 : i32 to index
          %swap3A_88 = arith.constant 64 : index
          %swap3A_89 = tpu.vector_load %arg11[%swap3A_87, %swap3A_88] {strides = array<i32>} : memref<128x128xf32, #tpu.memory_space<vmem>>, vector<1x16xf32>,
          %swap3A_90 = vector.shape_cast %swap3A_89 : vector<1x16xf32> to vector<16xf32>
          %swap3A_91 = vector.shape_cast %mul3A_86 : vector<16xf32> to vector<1x16xf32>
          tpu.vector_store %arg11[%swap3A_87, %swap3A_88], %swap3A_91 {strides = array<i32>} : memref<128x128xf32, #tpu.memory_space<vmem>>, vector<1x16xf32>,
          %get3A_92 = arith.index_cast %add3A_37 : i32 to index
          %get3A_93 = arith.constant 80 : index
          %get3A_94 = tpu.vector_load %arg11[%get3A_92, %get3A_93] {strides = array<i32>} : memref<128x128xf32, #tpu.memory_space<vmem>>, vector<1x16xf32>,
          %get3A_95 = vector.shape_cast %get3A_94 : vector<1x16xf32> to vector<16xf32>
          %mul3A_96 = vector.broadcast %squeeze3A : f32 to vector<16xf32>
          %mul3A_97 = arith.mulf %get3A_95, %mul3A_96 : vector<16xf32>
          %swap3A_98 = arith.index_cast %add3A_37 : i32 to index
          %swap3A_99 = arith.constant 80 : index
          %swap3A_100 = tpu.vector_load %arg11[%swap3A_98, %swap3A_99] {strides = array<i32>} : memref<128x128xf32, #tpu.memory_space<vmem>>, vector<1x16xf32>,
          %swap3A_101 = vector.shape_cast %swap3A_100 : vector<1x16xf32> to vector<16xf32>
          %swap3A_102 = vector.shape_cast %mul3A_97 : vector<16xf32> to vector<1x16xf32>
          tpu.vector_store %arg11[%swap3A_98, %swap3A_99], %swap3A_102 {strides = array<i32>} : memref<128x128xf32, #tpu.memory_space<vmem>>, vector<1x16xf32>,
          %get3A_103 = arith.index_cast %add3A_37 : i32 to index
          %get3A_104 = arith.constant 96 : index
          %get3A_105 = tpu.vector_load %arg11[%get3A_103, %get3A_104] {strides = array<i32>} : memref<128x128xf32, #tpu.memory_space<vmem>>, vector<1x16xf32>,
          %get3A_106 = vector.shape_cast %get3A_105 : vector<1x16xf32> to vector<16xf32>
          %mul3A_107 = vector.broadcast %squeeze3A : f32 to vector<16xf32>
          %mul3A_108 = arith.mulf %get3A_106, %mul3A_107 : vector<16xf32>
          %swap3A_109 = arith.index_cast %add3A_37 : i32 to index
          %swap3A_110 = arith.constant 96 : index
          %swap3A_111 = tpu.vector_load %arg11[%swap3A_109, %swap3A_110] {strides = array<i32>} : memref<128x128xf32, #tpu.memory_space<vmem>>, vector<1x16xf32>,
          %swap3A_112 = vector.shape_cast %swap3A_111 : vector<1x16xf32> to vector<16xf32>
          %swap3A_113 = vector.shape_cast %mul3A_108 : vector<16xf32> to vector<1x16xf32>
          tpu.vector_store %arg11[%swap3A_109, %swap3A_110], %swap3A_113 {strides = array<i32>} : memref<128x128xf32, #tpu.memory_space<vmem>>, vector<1x16xf32>,
          %get3A_114 = arith.index_cast %add3A_37 : i32 to index
          %get3A_115 = arith.constant 112 : index
          %get3A_116 = tpu.vector_load %arg11[%get3A_114, %get3A_115] {strides = array<i32>} : memref<128x128xf32, #tpu.memory_space<vmem>>, vector<1x16xf32>,
          %get3A_117 = vector.shape_cast %get3A_116 : vector<1x16xf32> to vector<16xf32>
          %mul3A_118 = vector.broadcast %squeeze3A : f32 to vector<16xf32>
          %mul3A_119 = arith.mulf %get3A_117, %mul3A_118 : vector<16xf32>
          %swap3A_120 = arith.index_cast %add3A_37 : i32 to index
          %swap3A_121 = arith.constant 112 : index
          %swap3A_122 = tpu.vector_load %arg11[%swap3A_120, %swap3A_121] {strides = array<i32>} : memref<128x128xf32, #tpu.memory_space<vmem>>, vector<1x16xf32>,
          %swap3A_123 = vector.shape_cast %swap3A_122 : vector<1x16xf32> to vector<16xf32>
          %swap3A_124 = vector.shape_cast %mul3A_119 : vector<16xf32> to vector<1x16xf32>
          tpu.vector_store %arg11[%swap3A_120, %swap3A_121], %swap3A_124 {strides = array<i32>} : memref<128x128xf32, #tpu.memory_space<vmem>>, vector<1x16xf32>,
          %slice3A_125 = vector.extract_strided_slice %get3A_33 {offsets = [1], sizes = [1], strides = [1]} : vector<16xf32> to vector<1xf32>
          %squeeze3A_126 = vector.extract %slice3A_125[0] : f32 from vector<1xf32>
          %mul3A_127 = arith.constant 16 : i32
          %mul3A_128 = arith.muli %add3A_29, %mul3A_127 : i32
          %add3A_129 = arith.constant 1 : i32
          %add3A_130 = arith.addi %mul3A_128, %add3A_129 : i32
          %get3A_131 = arith.index_cast %add3A_130 : i32 to index
          %get3A_132 = arith.constant 0 : index
          %get3A_133 = tpu.vector_load %arg11[%get3A_131, %get3A_132] {strides = array<i32>} : memref<128x128xf32, #tpu.memory_space<vmem>>, vector<1x16xf32>,
          %get3A_134 = vector.shape_cast %get3A_133 : vector<1x16xf32> to vector<16xf32>
          %mul3A_135 = vector.broadcast %squeeze3A_126 : f32 to vector<16xf32>
          %mul3A_136 = arith.mulf %get3A_134, %mul3A_135 : vector<16xf32>
          %swap3A_137 = arith.index_cast %add3A_130 : i32 to index
          %swap3A_138 = arith.constant 0 : index
          %swap3A_139 = tpu.vector_load %arg11[%swap3A_137, %swap3A_138] {strides = array<i32>} : memref<128x128xf32, #tpu.memory_space<vmem>>, vector<1x16xf32>,
          %swap3A_140 = vector.shape_cast %swap3A_139 : vector<1x16xf32> to vector<16xf32>
          %swap3A_141 = vector.shape_cast %mul3A_136 : vector<16xf32> to vector<1x16xf32>
          tpu.vector_store %arg11[%swap3A_137, %swap3A_138], %swap3A_141 {strides = array<i32>} : memref<128x128xf32, #tpu.memory_space<vmem>>, vector<1x16xf32>,
          %get3A_142 = arith.index_cast %add3A_130 : i32 to index
          %get3A_143 = arith.constant 16 : index
          %get3A_144 = tpu.vector_load %arg11[%get3A_142, %get3A_143] {strides = array<i32>} : memref<128x128xf32, #tpu.memory_space<vmem>>, vector<1x16xf32>,
          %get3A_145 = vector.shape_cast %get3A_144 : vector<1x16xf32> to vector<16xf32>
          %mul3A_146 = vector.broadcast %squeeze3A_126 : f32 to vector<16xf32>
          %mul3A_147 = arith.mulf %get3A_145, %mul3A_146 : vector<16xf32>
          %swap3A_148 = arith.index_cast %add3A_130 : i32 to index
          %swap3A_149 = arith.constant 16 : index
          %swap3A_150 = tpu.vector_load %arg11[%swap3A_148, %swap3A_149] {strides = array<i32>} : memref<128x128xf32, #tpu.memory_space<vmem>>, vector<1x16xf32>,
          %swap3A_151 = vector.shape_cast %swap3A_150 : vector<1x16xf32> to vector<16xf32>
          %swap3A_152 = vector.shape_cast %mul3A_147 : vector<16xf32> to vector<1x16xf32>
          tpu.vector_store %arg11[%swap3A_148, %swap3A_149], %swap3A_152 {strides = array<i32>} : memref<128x128xf32, #tpu.memory_space<vmem>>, vector<1x16xf32>,
          %get3A_153 = arith.index_cast %add3A_130 : i32 to index
          %get3A_154 = arith.constant 32 : index
          %get3A_155 = tpu.vector_load %arg11[%get3A_153, %get3A_154] {strides = array<i32>} : memref<128x128xf32, #tpu.memory_space<vmem>>, vector<1x16xf32>,
          %get3A_156 = vector.shape_cast %get3A_155 : vector<1x16xf32> to vector<16xf32>
          %mul3A_157 = vector.broadcast %squeeze3A_126 : f32 to vector<16xf32>
          %mul3A_158 = arith.mulf %get3A_156, %mul3A_157 : vector<16xf32>
          %swap3A_159 = arith.index_cast %add3A_130 : i32 to index
          %swap3A_160 = arith.constant 32 : index
          %swap3A_161 = tpu.vector_load %arg11[%swap3A_159, %swap3A_160] {strides = array<i32>} : memref<128x128xf32, #tpu.memory_space<vmem>>, vector<1x16xf32>,
          %swap3A_162 = vector.shape_cast %swap3A_161 : vector<1x16xf32> to vector<16xf32>
          %swap3A_163 = vector.shape_cast %mul3A_158 : vector<16xf32> to vector<1x16xf32>
          tpu.vector_store %arg11[%swap3A_159, %swap3A_160], %swap3A_163 {strides = array<i32>} : memref<128x128xf32, #tpu.memory_space<vmem>>, vector<1x16xf32>,
          %get3A_164 = arith.index_cast %add3A_130 : i32 to index
          %get3A_165 = arith.constant 48 : index
          %get3A_166 = tpu.vector_load %arg11[%get3A_164, %get3A_165] {strides = array<i32>} : memref<128x128xf32, #tpu.memory_space<vmem>>, vector<1x16xf32>,
          %get3A_167 = vector.shape_cast %get3A_166 : vector<1x16xf32> to vector<16xf32>
          %mul3A_168 = vector.broadcast %squeeze3A_126 : f32 to vector<16xf32>
          %mul3A_169 = arith.mulf %get3A_167, %mul3A_168 : vector<16xf32>
          %swap3A_170 = arith.index_cast %add3A_130 : i32 to index
          %swap3A_171 = arith.constant 48 : index
          %swap3A_172 = tpu.vector_load %arg11[%swap3A_170, %swap3A_171] {strides = array<i32>} : memref<128x128xf32, #tpu.memory_space<vmem>>, vector<1x16xf32>,
          %swap3A_173 = vector.shape_cast %swap3A_172 : vector<1x16xf32> to vector<16xf32>
          %swap3A_174 = vector.shape_cast %mul3A_169 : vector<16xf32> to vector<1x16xf32>
          tpu.vector_store %arg11[%swap3A_170, %swap3A_171], %swap3A_174 {strides = array<i32>} : memref<128x128xf32, #tpu.memory_space<vmem>>, vector<1x16xf32>,
          %get3A_175 = arith.index_cast %add3A_130 : i32 to index
          %get3A_176 = arith.constant 64 : index
          %get3A_177 = tpu.vector_load %arg11[%get3A_175, %get3A_176] {strides = array<i32>} : memref<128x128xf32, #tpu.memory_space<vmem>>, vector<1x16xf32>,
          %get3A_178 = vector.shape_cast %get3A_177 : vector<1x16xf32> to vector<16xf32>
          %mul3A_179 = vector.broadcast %squeeze3A_126 : f32 to vector<16xf32>
          %mul3A_180 = arith.mulf %get3A_178, %mul3A_179 : vector<16xf32>
          %swap3A_181 = arith.index_cast %add3A_130 : i32 to index
          %swap3A_182 = arith.constant 64 : index
          %swap3A_183 = tpu.vector_load %arg11[%swap3A_181, %swap3A_182] {strides = array<i32>} : memref<128x128xf32, #tpu.memory_space<vmem>>, vector<1x16xf32>,
          %swap3A_184 = vector.shape_cast %swap3A_183 : vector<1x16xf32> to vector<16xf32>
          %swap3A_185 = vector.shape_cast %mul3A_180 : vector<16xf32> to vector<1x16xf32>
          tpu.vector_store %arg11[%swap3A_181, %swap3A_182], %swap3A_185 {strides = array<i32>} : memref<128x128xf32, #tpu.memory_space<vmem>>, vector<1x16xf32>,
          %get3A_186 = arith.index_cast %add3A_130 : i32 to index
          %get3A_187 = arith.constant 80 : index
          %get3A_188 = tpu.vector_load %arg11[%get3A_186, %get3A_187] {strides = array<i32>} : memref<128x128xf32, #tpu.memory_space<vmem>>, vector<1x16xf32>,
          %get3A_189 = vector.shape_cast %get3A_188 : vector<1x16xf32> to vector<16xf32>
          %mul3A_190 = vector.broadcast %squeeze3A_126 : f32 to vector<16xf32>
          %mul3A_191 = arith.mulf %get3A_189, %mul3A_190 : vector<16xf32>
          %swap3A_192 = arith.index_cast %add3A_130 : i32 to index
          %swap3A_193 = arith.constant 80 : index
          %swap3A_194 = tpu.vector_load %arg11[%swap3A_192, %swap3A_193] {strides = array<i32>} : memref<128x128xf32, #tpu.memory_space<vmem>>, vector<1x16xf32>,
          %swap3A_195 = vector.shape_cast %swap3A_194 : vector<1x16xf32> to vector<16xf32>
          %swap3A_196 = vector.shape_cast %mul3A_191 : vector<16xf32> to vector<1x16xf32>
          tpu.vector_store %arg11[%swap3A_192, %swap3A_193], %swap3A_196 {strides = array<i32>} : memref<128x128xf32, #tpu.memory_space<vmem>>, vector<1x16xf32>,
          %get3A_197 = arith.index_cast %add3A_130 : i32 to index
          %get3A_198 = arith.constant 96 : index
          %get3A_199 = tpu.vector_load %arg11[%get3A_197, %get3A_198] {strides = array<i32>} : memref<128x128xf32, #tpu.memory_space<vmem>>, vector<1x16xf32>,
          %get3A_200 = vector.shape_cast %get3A_199 : vector<1x16xf32> to vector<16xf32>
          %mul3A_201 = vector.broadcast %squeeze3A_126 : f32 to vector<16xf32>
          %mul3A_202 = arith.mulf %get3A_200, %mul3A_201 : vector<16xf32>
          %swap3A_203 = arith.index_cast %add3A_130 : i32 to index
          %swap3A_204 = arith.constant 96 : index
          %swap3A_205 = tpu.vector_load %arg11[%swap3A_203, %swap3A_204] {strides = array<i32>} : memref<128x128xf32, #tpu.memory_space<vmem>>, vector<1x16xf32>,
          %swap3A_206 = vector.shape_cast %swap3A_205 : vector<1x16xf32> to vector<16xf32>
          %swap3A_207 = vector.shape_cast %mul3A_202 : vector<16xf32> to vector<1x16xf32>
          tpu.vector_store %arg11[%swap3A_203, %swap3A_204], %swap3A_207 {strides = array<i32>} : memref<128x128xf32, #tpu.memory_space<vmem>>, vector<1x16xf32>,
          %get3A_208 = arith.index_cast %add3A_130 : i32 to index
          %get3A_209 = arith.constant 112 : index
          %get3A_210 = tpu.vector_load %arg11[%get3A_208, %get3A_209] {strides = array<i32>} : memref<128x128xf32, #tpu.memory_space<vmem>>, vector<1x16xf32>,
          %get3A_211 = vector.shape_cast %get3A_210 : vector<1x16xf32> to vector<16xf32>
          %mul3A_212 = vector.broadcast %squeeze3A_126 : f32 to vector<16xf32>
          %mul3A_213 = arith.mulf %get3A_211, %mul3A_212 : vector<16xf32>
          %swap3A_214 = arith.index_cast %add3A_130 : i32 to index
          %swap3A_215 = arith.constant 112 : index
          %swap3A_216 = tpu.vector_load %arg11[%swap3A_214, %swap3A_215] {strides = array<i32>} : memref<128x128xf32, #tpu.memory_space<vmem>>, vector<1x16xf32>,
          %swap3A_217 = vector.shape_cast %swap3A_216 : vector<1x16xf32> to vector<16xf32>
          %swap3A_218 = vector.shape_cast %mul3A_213 : vector<16xf32> to vector<1x16xf32>
          tpu.vector_store %arg11[%swap3A_214, %swap3A_215], %swap3A_218 {strides = array<i32>} : memref<128x128xf32, #tpu.memory_space<vmem>>, vector<1x16xf32>,
          %slice3A_219 = vector.extract_strided_slice %get3A_33 {offsets = [2], sizes = [1], strides = [1]} : vector<16xf32> to vector<1xf32>
          %squeeze3A_220 = vector.extract %slice3A_219[0] : f32 from vector<1xf32>
          %mul3A_221 = arith.constant 16 : i32
          %mul3A_222 = arith.muli %add3A_29, %mul3A_221 : i32
          %add3A_223 = arith.constant 2 : i32
          %add3A_224 = arith.addi %mul3A_222, %add3A_223 : i32
          %get3A_225 = arith.index_cast %add3A_224 : i32 to index
          %get3A_226 = arith.constant 0 : index
          %get3A_227 = tpu.vector_load %arg11[%get3A_225, %get3A_226] {strides = array<i32>} : memref<128x128xf32, #tpu.memory_space<vmem>>, vector<1x16xf32>,
          %get3A_228 = vector.shape_cast %get3A_227 : vector<1x16xf32> to vector<16xf32>
          %mul3A_229 = vector.broadcast %squeeze3A_220 : f32 to vector<16xf32>
          %mul3A_230 = arith.mulf %get3A_228, %mul3A_229 : vector<16xf32>
          %swap3A_231 = arith.index_cast %add3A_224 : i32 to index
          %swap3A_232 = arith.constant 0 : index
          %swap3A_233 = tpu.vector_load %arg11[%swap3A_231, %swap3A_232] {strides = array<i32>} : memref<128x128xf32, #tpu.memory_space<vmem>>, vector<1x16xf32>,
          %swap3A_234 = vector.shape_cast %swap3A_233 : vector<1x16xf32> to vector<16xf32>
          %swap3A_235 = vector.shape_cast %mul3A_230 : vector<16xf32> to vector<1x16xf32>
          tpu.vector_store %arg11[%swap3A_231, %swap3A_232], %swap3A_235 {strides = array<i32>} : memref<128x128xf32, #tpu.memory_space<vmem>>, vector<1x16xf32>,
          %get3A_236 = arith.index_cast %add3A_224 : i32 to index
          %get3A_237 = arith.constant 16 : index
          %get3A_238 = tpu.vector_load %arg11[%get3A_236, %get3A_237] {strides = array<i32>} : memref<128x128xf32, #tpu.memory_space<vmem>>, vector<1x16xf32>,
          %get3A_239 = vector.shape_cast %get3A_238 : vector<1x16xf32> to vector<16xf32>
          %mul3A_240 = vector.broadcast %squeeze3A_220 : f32 to vector<16xf32>
          %mul3A_241 = arith.mulf %get3A_239, %mul3A_240 : vector<16xf32>
          %swap3A_242 = arith.index_cast %add3A_224 : i32 to index
          %swap3A_243 = arith.constant 16 : index
          %swap3A_244 = tpu.vector_load %arg11[%swap3A_242, %swap3A_243] {strides = array<i32>} : memref<128x128xf32, #tpu.memory_space<vmem>>, vector<1x16xf32>,
          %swap3A_245 = vector.shape_cast %swap3A_244 : vector<1x16xf32> to vector<16xf32>
          %swap3A_246 = vector.shape_cast %mul3A_241 : vector<16xf32> to vector<1x16xf32>
          tpu.vector_store %arg11[%swap3A_242, %swap3A_243], %swap3A_246 {strides = array<i32>} : memref<128x128xf32, #tpu.memory_space<vmem>>, vector<1x16xf32>,
          %get3A_247 = arith.index_cast %add3A_224 : i32 to index
          %get3A_248 = arith.constant 32 : index
          %get3A_249 = tpu.vector_load %arg11[%get3A_247, %get3A_248] {strides = array<i32>} : memref<128x128xf32, #tpu.memory_space<vmem>>, vector<1x16xf32>,
          %get3A_250 = vector.shape_cast %get3A_249 : vector<1x16xf32> to vector<16xf32>
          %mul3A_251 = vector.broadcast %squeeze3A_220 : f32 to vector<16xf32>
          %mul3A_252 = arith.mulf %get3A_250, %mul3A_251 : vector<16xf32>
          %swap3A_253 = arith.index_cast %add3A_224 : i32 to index
          %swap3A_254 = arith.constant 32 : index
          %swap3A_255 = tpu.vector_load %arg11[%swap3A_253, %swap3A_254] {strides = array<i32>} : memref<128x128xf32, #tpu.memory_space<vmem>>, vector<1x16xf32>,
          %swap3A_256 = vector.shape_cast %swap3A_255 : vector<1x16xf32> to vector<16xf32>
          %swap3A_257 = vector.shape_cast %mul3A_252 : vector<16xf32> to vector<1x16xf32>
          tpu.vector_store %arg11[%swap3A_253, %swap3A_254], %swap3A_257 {strides = array<i32>} : memref<128x128xf32, #tpu.memory_space<vmem>>, vector<1x16xf32>,
          %get3A_258 = arith.index_cast %add3A_224 : i32 to index
          %get3A_259 = arith.constant 48 : index
          %get3A_260 = tpu.vector_load %arg11[%get3A_258, %get3A_259] {strides = array<i32>} : memref<128x128xf32, #tpu.memory_space<vmem>>, vector<1x16xf32>,
          %get3A_261 = vector.shape_cast %get3A_260 : vector<1x16xf32> to vector<16xf32>
          %mul3A_262 = vector.broadcast %squeeze3A_220 : f32 to vector<16xf32>
          %mul3A_263 = arith.mulf %get3A_261, %mul3A_262 : vector<16xf32>
          %swap3A_264 = arith.index_cast %add3A_224 : i32 to index
          %swap3A_265 = arith.constant 48 : index
          %swap3A_266 = tpu.vector_load %arg11[%swap3A_264, %swap3A_265] {strides = array<i32>} : memref<128x128xf32, #tpu.memory_space<vmem>>, vector<1x16xf32>,
          %swap3A_267 = vector.shape_cast %swap3A_266 : vector<1x16xf32> to vector<16xf32>
          %swap3A_268 = vector.shape_cast %mul3A_263 : vector<16xf32> to vector<1x16xf32>
          tpu.vector_store %arg11[%swap3A_264, %swap3A_265], %swap3A_268 {strides = array<i32>} : memref<128x128xf32, #tpu.memory_space<vmem>>, vector<1x16xf32>,
          %get3A_269 = arith.index_cast %add3A_224 : i32 to index
          %get3A_270 = arith.constant 64 : index
          %get3A_271 = tpu.vector_load %arg11[%get3A_269, %get3A_270] {strides = array<i32>} : memref<128x128xf32, #tpu.memory_space<vmem>>, vector<1x16xf32>,
          %get3A_272 = vector.shape_cast %get3A_271 : vector<1x16xf32> to vector<16xf32>
          %mul3A_273 = vector.broadcast %squeeze3A_220 : f32 to vector<16xf32>
          %mul3A_274 = arith.mulf %get3A_272, %mul3A_273 : vector<16xf32>
          %swap3A_275 = arith.index_cast %add3A_224 : i32 to index
          %swap3A_276 = arith.constant 64 : index
          %swap3A_277 = tpu.vector_load %arg11[%swap3A_275, %swap3A_276] {strides = array<i32>} : memref<128x128xf32, #tpu.memory_space<vmem>>, vector<1x16xf32>,
          %swap3A_278 = vector.shape_cast %swap3A_277 : vector<1x16xf32> to vector<16xf32>
          %swap3A_279 = vector.shape_cast %mul3A_274 : vector<16xf32> to vector<1x16xf32>
          tpu.vector_store %arg11[%swap3A_275, %swap3A_276], %swap3A_279 {strides = array<i32>} : memref<128x128xf32, #tpu.memory_space<vmem>>, vector<1x16xf32>,
          %get3A_280 = arith.index_cast %add3A_224 : i32 to index
          %get3A_281 = arith.constant 80 : index
          %get3A_282 = tpu.vector_load %arg11[%get3A_280, %get3A_281] {strides = array<i32>} : memref<128x128xf32, #tpu.memory_space<vmem>>, vector<1x16xf32>,
          %get3A_283 = vector.shape_cast %get3A_282 : vector<1x16xf32> to vector<16xf32>
          %mul3A_284 = vector.broadcast %squeeze3A_220 : f32 to vector<16xf32>
          %mul3A_285 = arith.mulf %get3A_283, %mul3A_284 : vector<16xf32>
          %swap3A_286 = arith.index_cast %add3A_224 : i32 to index
          %swap3A_287 = arith.constant 80 : index
          %swap3A_288 = tpu.vector_load %arg11[%swap3A_286, %swap3A_287] {strides = array<i32>} : memref<128x128xf32, #tpu.memory_space<vmem>>, vector<1x16xf32>,
          %swap3A_289 = vector.shape_cast %swap3A_288 : vector<1x16xf32> to vector<16xf32>
          %swap3A_290 = vector.shape_cast %mul3A_285 : vector<16xf32> to vector<1x16xf32>
          tpu.vector_store %arg11[%swap3A_286, %swap3A_287], %swap3A_290 {strides = array<i32>} : memref<128x128xf32, #tpu.memory_space<vmem>>, vector<1x16xf32>,
          %get3A_291 = arith.index_cast %add3A_224 : i32 to index
          %get3A_292 = arith.constant 96 : index
          %get3A_293 = tpu.vector_load %arg11[%get3A_291, %get3A_292] {strides = array<i32>} : memref<128x128xf32, #tpu.memory_space<vmem>>, vector<1x16xf32>,
          %get3A_294 = vector.shape_cast %get3A_293 : vector<1x16xf32> to vector<16xf32>
          %mul3A_295 = vector.broadcast %squeeze3A_220 : f32 to vector<16xf32>
          %mul3A_296 = arith.mulf %get3A_294, %mul3A_295 : vector<16xf32>
          %swap3A_297 = arith.index_cast %add3A_224 : i32 to index
          %swap3A_298 = arith.constant 96 : index
          %swap3A_299 = tpu.vector_load %arg11[%swap3A_297, %swap3A_298] {strides = array<i32>} : memref<128x128xf32, #tpu.memory_space<vmem>>, vector<1x16xf32>,
          %swap3A_300 = vector.shape_cast %swap3A_299 : vector<1x16xf32> to vector<16xf32>
          %swap3A_301 = vector.shape_cast %mul3A_296 : vector<16xf32> to vector<1x16xf32>
          tpu.vector_store %arg11[%swap3A_297, %swap3A_298], %swap3A_301 {strides = array<i32>} : memref<128x128xf32, #tpu.memory_space<vmem>>, vector<1x16xf32>,
          %get3A_302 = arith.index_cast %add3A_224 : i32 to index
          %get3A_303 = arith.constant 112 : index
          %get3A_304 = tpu.vector_load %arg11[%get3A_302, %get3A_303] {strides = array<i32>} : memref<128x128xf32, #tpu.memory_space<vmem>>, vector<1x16xf32>,
          %get3A_305 = vector.shape_cast %get3A_304 : vector<1x16xf32> to vector<16xf32>
          %mul3A_306 = vector.broadcast %squeeze3A_220 : f32 to vector<16xf32>
          %mul3A_307 = arith.mulf %get3A_305, %mul3A_306 : vector<16xf32>
          %swap3A_308 = arith.index_cast %add3A_224 : i32 to index
          %swap3A_309 = arith.constant 112 : index
          %swap3A_310 = tpu.vector_load %arg11[%swap3A_308, %swap3A_309] {strides = array<i32>} : memref<128x128xf32, #tpu.memory_space<vmem>>, vector<1x16xf32>,
          %swap3A_311 = vector.shape_cast %swap3A_310 : vector<1x16xf32> to vector<16xf32>
          %swap3A_312 = vector.shape_cast %mul3A_307 : vector<16xf32> to vector<1x16xf32>
          tpu.vector_store %arg11[%swap3A_308, %swap3A_309], %swap3A_312 {strides = array<i32>} : memref<128x128xf32, #tpu.memory_space<vmem>>, vector<1x16xf32>,
          %slice3A_313 = vector.extract_strided_slice %get3A_33 {offsets = [3], sizes = [1], strides = [1]} : vector<16xf32> to vector<1xf32>
          %squeeze3A_314 = vector.extract %slice3A_313[0] : f32 from vector<1xf32>
          %mul3A_315 = arith.constant 16 : i32
          %mul3A_316 = arith.muli %add3A_29, %mul3A_315 : i32
          %add3A_317 = arith.constant 3 : i32
          %add3A_318 = arith.addi %mul3A_316, %add3A_317 : i32
          %get3A_319 = arith.index_cast %add3A_318 : i32 to index
          %get3A_320 = arith.constant 0 : index
          %get3A_321 = tpu.vector_load %arg11[%get3A_319, %get3A_320] {strides = array<i32>} : memref<128x128xf32, #tpu.memory_space<vmem>>, vector<1x16xf32>,
          %get3A_322 = vector.shape_cast %get3A_321 : vector<1x16xf32> to vector<16xf32>
          %mul3A_323 = vector.broadcast %squeeze3A_314 : f32 to vector<16xf32>
          %mul3A_324 = arith.mulf %get3A_322, %mul3A_323 : vector<16xf32>
          %swap3A_325 = arith.index_cast %add3A_318 : i32 to index
          %swap3A_326 = arith.constant 0 : index
          %swap3A_327 = tpu.vector_load %arg11[%swap3A_325, %swap3A_326] {strides = array<i32>} : memref<128x128xf32, #tpu.memory_space<vmem>>, vector<1x16xf32>,
          %swap3A_328 = vector.shape_cast %swap3A_327 : vector<1x16xf32> to vector<16xf32>
          %swap3A_329 = vector.shape_cast %mul3A_324 : vector<16xf32> to vector<1x16xf32>
          tpu.vector_store %arg11[%swap3A_325, %swap3A_326], %swap3A_329 {strides = array<i32>} : memref<128x128xf32, #tpu.memory_space<vmem>>, vector<1x16xf32>,
          %get3A_330 = arith.index_cast %add3A_318 : i32 to index
          %get3A_331 = arith.constant 16 : index
          %get3A_332 = tpu.vector_load %arg11[%get3A_330, %get3A_331] {strides = array<i32>} : memref<128x128xf32, #tpu.memory_space<vmem>>, vector<1x16xf32>,
          %get3A_333 = vector.shape_cast %get3A_332 : vector<1x16xf32> to vector<16xf32>
          %mul3A_334 = vector.broadcast %squeeze3A_314 : f32 to vector<16xf32>
          %mul3A_335 = arith.mulf %get3A_333, %mul3A_334 : vector<16xf32>
          %swap3A_336 = arith.index_cast %add3A_318 : i32 to index
          %swap3A_337 = arith.constant 16 : index
          %swap3A_338 = tpu.vector_load %arg11[%swap3A_336, %swap3A_337] {strides = array<i32>} : memref<128x128xf32, #tpu.memory_space<vmem>>, vector<1x16xf32>,
          %swap3A_339 = vector.shape_cast %swap3A_338 : vector<1x16xf32> to vector<16xf32>
          %swap3A_340 = vector.shape_cast %mul3A_335 : vector<16xf32> to vector<1x16xf32>
          tpu.vector_store %arg11[%swap3A_336, %swap3A_337], %swap3A_340 {strides = array<i32>} : memref<128x128xf32, #tpu.memory_space<vmem>>, vector<1x16xf32>,
          %get3A_341 = arith.index_cast %add3A_318 : i32 to index
          %get3A_342 = arith.constant 32 : index
          %get3A_343 = tpu.vector_load %arg11[%get3A_341, %get3A_342] {strides = array<i32>} : memref<128x128xf32, #tpu.memory_space<vmem>>, vector<1x16xf32>,
          %get3A_344 = vector.shape_cast %get3A_343 : vector<1x16xf32> to vector<16xf32>
          %mul3A_345 = vector.broadcast %squeeze3A_314 : f32 to vector<16xf32>
          %mul3A_346 = arith.mulf %get3A_344, %mul3A_345 : vector<16xf32>
          %swap3A_347 = arith.index_cast %add3A_318 : i32 to index
          %swap3A_348 = arith.constant 32 : index
          %swap3A_349 = tpu.vector_load %arg11[%swap3A_347, %swap3A_348] {strides = array<i32>} : memref<128x128xf32, #tpu.memory_space<vmem>>, vector<1x16xf32>,
          %swap3A_350 = vector.shape_cast %swap3A_349 : vector<1x16xf32> to vector<16xf32>
          %swap3A_351 = vector.shape_cast %mul3A_346 : vector<16xf32> to vector<1x16xf32>
          tpu.vector_store %arg11[%swap3A_347, %swap3A_348], %swap3A_351 {strides = array<i32>} : memref<128x128xf32, #tpu.memory_space<vmem>>, vector<1x16xf32>,
          %get3A_352 = arith.index_cast %add3A_318 : i32 to index
          %get3A_353 = arith.constant 48 : index
          %get3A_354 = tpu.vector_load %arg11[%get3A_352, %get3A_353] {strides = array<i32>} : memref<128x128xf32, #tpu.memory_space<vmem>>, vector<1x16xf32>,
          %get3A_355 = vector.shape_cast %get3A_354 : vector<1x16xf32> to vector<16xf32>
          %mul3A_356 = vector.broadcast %squeeze3A_314 : f32 to vector<16xf32>
          %mul3A_357 = arith.mulf %get3A_355, %mul3A_356 : vector<16xf32>
          %swap3A_358 = arith.index_cast %add3A_318 : i32 to index
          %swap3A_359 = arith.constant 48 : index
          %swap3A_360 = tpu.vector_load %arg11[%swap3A_358, %swap3A_359] {strides = array<i32>} : memref<128x128xf32, #tpu.memory_space<vmem>>, vector<1x16xf32>,
          %swap3A_361 = vector.shape_cast %swap3A_360 : vector<1x16xf32> to vector<16xf32>
          %swap3A_362 = vector.shape_cast %mul3A_357 : vector<16xf32> to vector<1x16xf32>
          tpu.vector_store %arg11[%swap3A_358, %swap3A_359], %swap3A_362 {strides = array<i32>} : memref<128x128xf32, #tpu.memory_space<vmem>>, vector<1x16xf32>,
          %get3A_363 = arith.index_cast %add3A_318 : i32 to index
          %get3A_364 = arith.constant 64 : index
          %get3A_365 = tpu.vector_load %arg11[%get3A_363, %get3A_364] {strides = array<i32>} : memref<128x128xf32, #tpu.memory_space<vmem>>, vector<1x16xf32>,
          %get3A_366 = vector.shape_cast %get3A_365 : vector<1x16xf32> to vector<16xf32>
          %mul3A_367 = vector.broadcast %squeeze3A_314 : f32 to vector<16xf32>
          %mul3A_368 = arith.mulf %get3A_366, %mul3A_367 : vector<16xf32>
          %swap3A_369 = arith.index_cast %add3A_318 : i32 to index
          %swap3A_370 = arith.constant 64 : index
          %swap3A_371 = tpu.vector_load %arg11[%swap3A_369, %swap3A_370] {strides = array<i32>} : memref<128x128xf32, #tpu.memory_space<vmem>>, vector<1x16xf32>,
          %swap3A_372 = vector.shape_cast %swap3A_371 : vector<1x16xf32> to vector<16xf32>
          %swap3A_373 = vector.shape_cast %mul3A_368 : vector<16xf32> to vector<1x16xf32>
          tpu.vector_store %arg11[%swap3A_369, %swap3A_370], %swap3A_373 {strides = array<i32>} : memref<128x128xf32, #tpu.memory_space<vmem>>, vector<1x16xf32>,
          %get3A_374 = arith.index_cast %add3A_318 : i32 to index
          %get3A_375 = arith.constant 80 : index
          %get3A_376 = tpu.vector_load %arg11[%get3A_374, %get3A_375] {strides = array<i32>} : memref<128x128xf32, #tpu.memory_space<vmem>>, vector<1x16xf32>,
          %get3A_377 = vector.shape_cast %get3A_376 : vector<1x16xf32> to vector<16xf32>
          %mul3A_378 = vector.broadcast %squeeze3A_314 : f32 to vector<16xf32>
          %mul3A_379 = arith.mulf %get3A_377, %mul3A_378 : vector<16xf32>
          %swap3A_380 = arith.index_cast %add3A_318 : i32 to index
          %swap3A_381 = arith.constant 80 : index
          %swap3A_382 = tpu.vector_load %arg11[%swap3A_380, %swap3A_381] {strides = array<i32>} : memref<128x128xf32, #tpu.memory_space<vmem>>, vector<1x16xf32>,
          %swap3A_383 = vector.shape_cast %swap3A_382 : vector<1x16xf32> to vector<16xf32>
          %swap3A_384 = vector.shape_cast %mul3A_379 : vector<16xf32> to vector<1x16xf32>
          tpu.vector_store %arg11[%swap3A_380, %swap3A_381], %swap3A_384 {strides = array<i32>} : memref<128x128xf32, #tpu.memory_space<vmem>>, vector<1x16xf32>,
          %get3A_385 = arith.index_cast %add3A_318 : i32 to index
          %get3A_386 = arith.constant 96 : index
          %get3A_387 = tpu.vector_load %arg11[%get3A_385, %get3A_386] {strides = array<i32>} : memref<128x128xf32, #tpu.memory_space<vmem>>, vector<1x16xf32>,
          %get3A_388 = vector.shape_cast %get3A_387 : vector<1x16xf32> to vector<16xf32>
          %mul3A_389 = vector.broadcast %squeeze3A_314 : f32 to vector<16xf32>
          %mul3A_390 = arith.mulf %get3A_388, %mul3A_389 : vector<16xf32>
          %swap3A_391 = arith.index_cast %add3A_318 : i32 to index
          %swap3A_392 = arith.constant 96 : index
          %swap3A_393 = tpu.vector_load %arg11[%swap3A_391, %swap3A_392] {strides = array<i32>} : memref<128x128xf32, #tpu.memory_space<vmem>>, vector<1x16xf32>,
          %swap3A_394 = vector.shape_cast %swap3A_393 : vector<1x16xf32> to vector<16xf32>
          %swap3A_395 = vector.shape_cast %mul3A_390 : vector<16xf32> to vector<1x16xf32>
          tpu.vector_store %arg11[%swap3A_391, %swap3A_392], %swap3A_395 {strides = array<i32>} : memref<128x128xf32, #tpu.memory_space<vmem>>, vector<1x16xf32>,
          %get3A_396 = arith.index_cast %add3A_318 : i32 to index
          %get3A_397 = arith.constant 112 : index
          %get3A_398 = tpu.vector_load %arg11[%get3A_396, %get3A_397] {strides = array<i32>} : memref<128x128xf32, #tpu.memory_space<vmem>>, vector<1x16xf32>,
          %get3A_399 = vector.shape_cast %get3A_398 : vector<1x16xf32> to vector<16xf32>
          %mul3A_400 = vector.broadcast %squeeze3A_314 : f32 to vector<16xf32>
          %mul3A_401 = arith.mulf %get3A_399, %mul3A_400 : vector<16xf32>
          %swap3A_402 = arith.index_cast %add3A_318 : i32 to index
          %swap3A_403 = arith.constant 112 : index
          %swap3A_404 = tpu.vector_load %arg11[%swap3A_402, %swap3A_403] {strides = array<i32>} : memref<128x128xf32, #tpu.memory_space<vmem>>, vector<1x16xf32>,
          %swap3A_405 = vector.shape_cast %swap3A_404 : vector<1x16xf32> to vector<16xf32>
          %swap3A_406 = vector.shape_cast %mul3A_401 : vector<16xf32> to vector<1x16xf32>
          tpu.vector_store %arg11[%swap3A_402, %swap3A_403], %swap3A_406 {strides = array<i32>} : memref<128x128xf32, #tpu.memory_space<vmem>>, vector<1x16xf32>,
          %slice3A_407 = vector.extract_strided_slice %get3A_33 {offsets = [4], sizes = [1], strides = [1]} : vector<16xf32> to vector<1xf32>
          %squeeze3A_408 = vector.extract %slice3A_407[0] : f32 from vector<1xf32>
          %mul3A_409 = arith.constant 16 : i32
          %mul3A_410 = arith.muli %add3A_29, %mul3A_409 : i32
          %add3A_411 = arith.constant 4 : i32
          %add3A_412 = arith.addi %mul3A_410, %add3A_411 : i32
          %get3A_413 = arith.index_cast %add3A_412 : i32 to index
          %get3A_414 = arith.constant 0 : index
          %get3A_415 = tpu.vector_load %arg11[%get3A_413, %get3A_414] {strides = array<i32>} : memref<128x128xf32, #tpu.memory_space<vmem>>, vector<1x16xf32>,
          %get3A_416 = vector.shape_cast %get3A_415 : vector<1x16xf32> to vector<16xf32>
          %mul3A_417 = vector.broadcast %squeeze3A_408 : f32 to vector<16xf32>
          %mul3A_418 = arith.mulf %get3A_416, %mul3A_417 : vector<16xf32>
          %swap3A_419 = arith.index_cast %add3A_412 : i32 to index
          %swap3A_420 = arith.constant 0 : index
          %swap3A_421 = tpu.vector_load %arg11[%swap3A_419, %swap3A_420] {strides = array<i32>} : memref<128x128xf32, #tpu.memory_space<vmem>>, vector<1x16xf32>,
          %swap3A_422 = vector.shape_cast %swap3A_421 : vector<1x16xf32> to vector<16xf32>
          %swap3A_423 = vector.shape_cast %mul3A_418 : vector<16xf32> to vector<1x16xf32>
          tpu.vector_store %arg11[%swap3A_419, %swap3A_420], %swap3A_423 {strides = array<i32>} : memref<128x128xf32, #tpu.memory_space<vmem>>, vector<1x16xf32>,
          %get3A_424 = arith.index_cast %add3A_412 : i32 to index
          %get3A_425 = arith.constant 16 : index
          %get3A_426 = tpu.vector_load %arg11[%get3A_424, %get3A_425] {strides = array<i32>} : memref<128x128xf32, #tpu.memory_space<vmem>>, vector<1x16xf32>,
          %get3A_427 = vector.shape_cast %get3A_426 : vector<1x16xf32> to vector<16xf32>
          %mul3A_428 = vector.broadcast %squeeze3A_408 : f32 to vector<16xf32>
          %mul3A_429 = arith.mulf %get3A_427, %mul3A_428 : vector<16xf32>
          %swap3A_430 = arith.index_cast %add3A_412 : i32 to index
          %swap3A_431 = arith.constant 16 : index
          %swap3A_432 = tpu.vector_load %arg11[%swap3A_430, %swap3A_431] {strides = array<i32>} : memref<128x128xf32, #tpu.memory_space<vmem>>, vector<1x16xf32>,
          %swap3A_433 = vector.shape_cast %swap3A_432 : vector<1x16xf32> to vector<16xf32>
          %swap3A_434 = vector.shape_cast %mul3A_429 : vector<16xf32> to vector<1x16xf32>
          tpu.vector_store %arg11[%swap3A_430, %swap3A_431], %swap3A_434 {strides = array<i32>} : memref<128x128xf32, #tpu.memory_space<vmem>>, vector<1x16xf32>,
          %get3A_435 = arith.index_cast %add3A_412 : i32 to index
          %get3A_436 = arith.constant 32 : index
          %get3A_437 = tpu.vector_load %arg11[%get3A_435, %get3A_436] {strides = array<i32>} : memref<128x128xf32, #tpu.memory_space<vmem>>, vector<1x16xf32>,
          %get3A_438 = vector.shape_cast %get3A_437 : vector<1x16xf32> to vector<16xf32>
          %mul3A_439 = vector.broadcast %squeeze3A_408 : f32 to vector<16xf32>
          %mul3A_440 = arith.mulf %get3A_438, %mul3A_439 : vector<16xf32>
          %swap3A_441 = arith.index_cast %add3A_412 : i32 to index
          %swap3A_442 = arith.constant 32 : index
          %swap3A_443 = tpu.vector_load %arg11[%swap3A_441, %swap3A_442] {strides = array<i32>} : memref<128x128xf32, #tpu.memory_space<vmem>>, vector<1x16xf32>,
          %swap3A_444 = vector.shape_cast %swap3A_443 : vector<1x16xf32> to vector<16xf32>
          %swap3A_445 = vector.shape_cast %mul3A_440 : vector<16xf32> to vector<1x16xf32>
          tpu.vector_store %arg11[%swap3A_441, %swap3A_442], %swap3A_445 {strides = array<i32>} : memref<128x128xf32, #tpu.memory_space<vmem>>, vector<1x16xf32>,
          %get3A_446 = arith.index_cast %add3A_412 : i32 to index
          %get3A_447 = arith.constant 48 : index
          %get3A_448 = tpu.vector_load %arg11[%get3A_446, %get3A_447] {strides = array<i32>} : memref<128x128xf32, #tpu.memory_space<vmem>>, vector<1x16xf32>,
          %get3A_449 = vector.shape_cast %get3A_448 : vector<1x16xf32> to vector<16xf32>
          %mul3A_450 = vector.broadcast %squeeze3A_408 : f32 to vector<16xf32>
          %mul3A_451 = arith.mulf %get3A_449, %mul3A_450 : vector<16xf32>
          %swap3A_452 = arith.index_cast %add3A_412 : i32 to index
          %swap3A_453 = arith.constant 48 : index
          %swap3A_454 = tpu.vector_load %arg11[%swap3A_452, %swap3A_453] {strides = array<i32>} : memref<128x128xf32, #tpu.memory_space<vmem>>, vector<1x16xf32>,
          %swap3A_455 = vector.shape_cast %swap3A_454 : vector<1x16xf32> to vector<16xf32>
          %swap3A_456 = vector.shape_cast %mul3A_451 : vector<16xf32> to vector<1x16xf32>
          tpu.vector_store %arg11[%swap3A_452, %swap3A_453], %swap3A_456 {strides = array<i32>} : memref<128x128xf32, #tpu.memory_space<vmem>>, vector<1x16xf32>,
          %get3A_457 = arith.index_cast %add3A_412 : i32 to index
          %get3A_458 = arith.constant 64 : index
          %get3A_459 = tpu.vector_load %arg11[%get3A_457, %get3A_458] {strides = array<i32>} : memref<128x128xf32, #tpu.memory_space<vmem>>, vector<1x16xf32>,
          %get3A_460 = vector.shape_cast %get3A_459 : vector<1x16xf32> to vector<16xf32>
          %mul3A_461 = vector.broadcast %squeeze3A_408 : f32 to vector<16xf32>
          %mul3A_462 = arith.mulf %get3A_460, %mul3A_461 : vector<16xf32>
          %swap3A_463 = arith.index_cast %add3A_412 : i32 to index
          %swap3A_464 = arith.constant 64 : index
          %swap3A_465 = tpu.vector_load %arg11[%swap3A_463, %swap3A_464] {strides = array<i32>} : memref<128x128xf32, #tpu.memory_space<vmem>>, vector<1x16xf32>,
          %swap3A_466 = vector.shape_cast %swap3A_465 : vector<1x16xf32> to vector<16xf32>
          %swap3A_467 = vector.shape_cast %mul3A_462 : vector<16xf32> to vector<1x16xf32>
          tpu.vector_store %arg11[%swap3A_463, %swap3A_464], %swap3A_467 {strides = array<i32>} : memref<128x128xf32, #tpu.memory_space<vmem>>, vector<1x16xf32>,
          %get3A_468 = arith.index_cast %add3A_412 : i32 to index
          %get3A_469 = arith.constant 80 : index
          %get3A_470 = tpu.vector_load %arg11[%get3A_468, %get3A_469] {strides = array<i32>} : memref<128x128xf32, #tpu.memory_space<vmem>>, vector<1x16xf32>,
          %get3A_471 = vector.shape_cast %get3A_470 : vector<1x16xf32> to vector<16xf32>
          %mul3A_472 = vector.broadcast %squeeze3A_408 : f32 to vector<16xf32>
          %mul3A_473 = arith.mulf %get3A_471, %mul3A_472 : vector<16xf32>
          %swap3A_474 = arith.index_cast %add3A_412 : i32 to index
          %swap3A_475 = arith.constant 80 : index
          %swap3A_476 = tpu.vector_load %arg11[%swap3A_474, %swap3A_475] {strides = array<i32>} : memref<128x128xf32, #tpu.memory_space<vmem>>, vector<1x16xf32>,
          %swap3A_477 = vector.shape_cast %swap3A_476 : vector<1x16xf32> to vector<16xf32>
          %swap3A_478 = vector.shape_cast %mul3A_473 : vector<16xf32> to vector<1x16xf32>
          tpu.vector_store %arg11[%swap3A_474, %swap3A_475], %swap3A_478 {strides = array<i32>} : memref<128x128xf32, #tpu.memory_space<vmem>>, vector<1x16xf32>,
          %get3A_479 = arith.index_cast %add3A_412 : i32 to index
          %get3A_480 = arith.constant 96 : index
          %get3A_481 = tpu.vector_load %arg11[%get3A_479, %get3A_480] {strides = array<i32>} : memref<128x128xf32, #tpu.memory_space<vmem>>, vector<1x16xf32>,
          %get3A_482 = vector.shape_cast %get3A_481 : vector<1x16xf32> to vector<16xf32>
          %mul3A_483 = vector.broadcast %squeeze3A_408 : f32 to vector<16xf32>
          %mul3A_484 = arith.mulf %get3A_482, %mul3A_483 : vector<16xf32>
          %swap3A_485 = arith.index_cast %add3A_412 : i32 to index
          %swap3A_486 = arith.constant 96 : index
          %swap3A_487 = tpu.vector_load %arg11[%swap3A_485, %swap3A_486] {strides = array<i32>} : memref<128x128xf32, #tpu.memory_space<vmem>>, vector<1x16xf32>,
          %swap3A_488 = vector.shape_cast %swap3A_487 : vector<1x16xf32> to vector<16xf32>
          %swap3A_489 = vector.shape_cast %mul3A_484 : vector<16xf32> to vector<1x16xf32>
          tpu.vector_store %arg11[%swap3A_485, %swap3A_486], %swap3A_489 {strides = array<i32>} : memref<128x128xf32, #tpu.memory_space<vmem>>, vector<1x16xf32>,
          %get3A_490 = arith.index_cast %add3A_412 : i32 to index
          %get3A_491 = arith.constant 112 : index
          %get3A_492 = tpu.vector_load %arg11[%get3A_490, %get3A_491] {strides = array<i32>} : memref<128x128xf32, #tpu.memory_space<vmem>>, vector<1x16xf32>,
          %get3A_493 = vector.shape_cast %get3A_492 : vector<1x16xf32> to vector<16xf32>
          %mul3A_494 = vector.broadcast %squeeze3A_408 : f32 to vector<16xf32>
          %mul3A_495 = arith.mulf %get3A_493, %mul3A_494 : vector<16xf32>
          %swap3A_496 = arith.index_cast %add3A_412 : i32 to index
          %swap3A_497 = arith.constant 112 : index
          %swap3A_498 = tpu.vector_load %arg11[%swap3A_496, %swap3A_497] {strides = array<i32>} : memref<128x128xf32, #tpu.memory_space<vmem>>, vector<1x16xf32>,
          %swap3A_499 = vector.shape_cast %swap3A_498 : vector<1x16xf32> to vector<16xf32>
          %swap3A_500 = vector.shape_cast %mul3A_495 : vector<16xf32> to vector<1x16xf32>
          tpu.vector_store %arg11[%swap3A_496, %swap3A_497], %swap3A_500 {strides = array<i32>} : memref<128x128xf32, #tpu.memory_space<vmem>>, vector<1x16xf32>,
          %slice3A_501 = vector.extract_strided_slice %get3A_33 {offsets = [5], sizes = [1], strides = [1]} : vector<16xf32> to vector<1xf32>
          %squeeze3A_502 = vector.extract %slice3A_501[0] : f32 from vector<1xf32>
          %mul3A_503 = arith.constant 16 : i32
          %mul3A_504 = arith.muli %add3A_29, %mul3A_503 : i32
          %add3A_505 = arith.constant 5 : i32
          %add3A_506 = arith.addi %mul3A_504, %add3A_505 : i32
          %get3A_507 = arith.index_cast %add3A_506 : i32 to index
          %get3A_508 = arith.constant 0 : index
          %get3A_509 = tpu.vector_load %arg11[%get3A_507, %get3A_508] {strides = array<i32>} : memref<128x128xf32, #tpu.memory_space<vmem>>, vector<1x16xf32>,
          %get3A_510 = vector.shape_cast %get3A_509 : vector<1x16xf32> to vector<16xf32>
          %mul3A_511 = vector.broadcast %squeeze3A_502 : f32 to vector<16xf32>
          %mul3A_512 = arith.mulf %get3A_510, %mul3A_511 : vector<16xf32>
          %swap3A_513 = arith.index_cast %add3A_506 : i32 to index
          %swap3A_514 = arith.constant 0 : index
          %swap3A_515 = tpu.vector_load %arg11[%swap3A_513, %swap3A_514] {strides = array<i32>} : memref<128x128xf32, #tpu.memory_space<vmem>>, vector<1x16xf32>,
          %swap3A_516 = vector.shape_cast %swap3A_515 : vector<1x16xf32> to vector<16xf32>
          %swap3A_517 = vector.shape_cast %mul3A_512 : vector<16xf32> to vector<1x16xf32>
          tpu.vector_store %arg11[%swap3A_513, %swap3A_514], %swap3A_517 {strides = array<i32>} : memref<128x128xf32, #tpu.memory_space<vmem>>, vector<1x16xf32>,
          %get3A_518 = arith.index_cast %add3A_506 : i32 to index
          %get3A_519 = arith.constant 16 : index
          %get3A_520 = tpu.vector_load %arg11[%get3A_518, %get3A_519] {strides = array<i32>} : memref<128x128xf32, #tpu.memory_space<vmem>>, vector<1x16xf32>,
          %get3A_521 = vector.shape_cast %get3A_520 : vector<1x16xf32> to vector<16xf32>
          %mul3A_522 = vector.broadcast %squeeze3A_502 : f32 to vector<16xf32>
          %mul3A_523 = arith.mulf %get3A_521, %mul3A_522 : vector<16xf32>
          %swap3A_524 = arith.index_cast %add3A_506 : i32 to index
          %swap3A_525 = arith.constant 16 : index
          %swap3A_526 = tpu.vector_load %arg11[%swap3A_524, %swap3A_525] {strides = array<i32>} : memref<128x128xf32, #tpu.memory_space<vmem>>, vector<1x16xf32>,
          %swap3A_527 = vector.shape_cast %swap3A_526 : vector<1x16xf32> to vector<16xf32>
          %swap3A_528 = vector.shape_cast %mul3A_523 : vector<16xf32> to vector<1x16xf32>
          tpu.vector_store %arg11[%swap3A_524, %swap3A_525], %swap3A_528 {strides = array<i32>} : memref<128x128xf32, #tpu.memory_space<vmem>>, vector<1x16xf32>,
          %get3A_529 = arith.index_cast %add3A_506 : i32 to index
          %get3A_530 = arith.constant 32 : index
          %get3A_531 = tpu.vector_load %arg11[%get3A_529, %get3A_530] {strides = array<i32>} : memref<128x128xf32, #tpu.memory_space<vmem>>, vector<1x16xf32>,
          %get3A_532 = vector.shape_cast %get3A_531 : vector<1x16xf32> to vector<16xf32>
          %mul3A_533 = vector.broadcast %squeeze3A_502 : f32 to vector<16xf32>
          %mul3A_534 = arith.mulf %get3A_532, %mul3A_533 : vector<16xf32>
          %swap3A_535 = arith.index_cast %add3A_506 : i32 to index
          %swap3A_536 = arith.constant 32 : index
          %swap3A_537 = tpu.vector_load %arg11[%swap3A_535, %swap3A_536] {strides = array<i32>} : memref<128x128xf32, #tpu.memory_space<vmem>>, vector<1x16xf32>,
          %swap3A_538 = vector.shape_cast %swap3A_537 : vector<1x16xf32> to vector<16xf32>
          %swap3A_539 = vector.shape_cast %mul3A_534 : vector<16xf32> to vector<1x16xf32>
          tpu.vector_store %arg11[%swap3A_535, %swap3A_536], %swap3A_539 {strides = array<i32>} : memref<128x128xf32, #tpu.memory_space<vmem>>, vector<1x16xf32>,
          %get3A_540 = arith.index_cast %add3A_506 : i32 to index
          %get3A_541 = arith.constant 48 : index
          %get3A_542 = tpu.vector_load %arg11[%get3A_540, %get3A_541] {strides = array<i32>} : memref<128x128xf32, #tpu.memory_space<vmem>>, vector<1x16xf32>,
          %get3A_543 = vector.shape_cast %get3A_542 : vector<1x16xf32> to vector<16xf32>
          %mul3A_544 = vector.broadcast %squeeze3A_502 : f32 to vector<16xf32>
          %mul3A_545 = arith.mulf %get3A_543, %mul3A_544 : vector<16xf32>
          %swap3A_546 = arith.index_cast %add3A_506 : i32 to index
          %swap3A_547 = arith.constant 48 : index
          %swap3A_548 = tpu.vector_load %arg11[%swap3A_546, %swap3A_547] {strides = array<i32>} : memref<128x128xf32, #tpu.memory_space<vmem>>, vector<1x16xf32>,
          %swap3A_549 = vector.shape_cast %swap3A_548 : vector<1x16xf32> to vector<16xf32>
          %swap3A_550 = vector.shape_cast %mul3A_545 : vector<16xf32> to vector<1x16xf32>
          tpu.vector_store %arg11[%swap3A_546, %swap3A_547], %swap3A_550 {strides = array<i32>} : memref<128x128xf32, #tpu.memory_space<vmem>>, vector<1x16xf32>,
          %get3A_551 = arith.index_cast %add3A_506 : i32 to index
          %get3A_552 = arith.constant 64 : index
          %get3A_553 = tpu.vector_load %arg11[%get3A_551, %get3A_552] {strides = array<i32>} : memref<128x128xf32, #tpu.memory_space<vmem>>, vector<1x16xf32>,
          %get3A_554 = vector.shape_cast %get3A_553 : vector<1x16xf32> to vector<16xf32>
          %mul3A_555 = vector.broadcast %squeeze3A_502 : f32 to vector<16xf32>
          %mul3A_556 = arith.mulf %get3A_554, %mul3A_555 : vector<16xf32>
          %swap3A_557 = arith.index_cast %add3A_506 : i32 to index
          %swap3A_558 = arith.constant 64 : index
          %swap3A_559 = tpu.vector_load %arg11[%swap3A_557, %swap3A_558] {strides = array<i32>} : memref<128x128xf32, #tpu.memory_space<vmem>>, vector<1x16xf32>,
          %swap3A_560 = vector.shape_cast %swap3A_559 : vector<1x16xf32> to vector<16xf32>
          %swap3A_561 = vector.shape_cast %mul3A_556 : vector<16xf32> to vector<1x16xf32>
          tpu.vector_store %arg11[%swap3A_557, %swap3A_558], %swap3A_561 {strides = array<i32>} : memref<128x128xf32, #tpu.memory_space<vmem>>, vector<1x16xf32>,
          %get3A_562 = arith.index_cast %add3A_506 : i32 to index
          %get3A_563 = arith.constant 80 : index
          %get3A_564 = tpu.vector_load %arg11[%get3A_562, %get3A_563] {strides = array<i32>} : memref<128x128xf32, #tpu.memory_space<vmem>>, vector<1x16xf32>,
          %get3A_565 = vector.shape_cast %get3A_564 : vector<1x16xf32> to vector<16xf32>
          %mul3A_566 = vector.broadcast %squeeze3A_502 : f32 to vector<16xf32>
          %mul3A_567 = arith.mulf %get3A_565, %mul3A_566 : vector<16xf32>
          %swap3A_568 = arith.index_cast %add3A_506 : i32 to index
          %swap3A_569 = arith.constant 80 : index
          %swap3A_570 = tpu.vector_load %arg11[%swap3A_568, %swap3A_569] {strides = array<i32>} : memref<128x128xf32, #tpu.memory_space<vmem>>, vector<1x16xf32>,
          %swap3A_571 = vector.shape_cast %swap3A_570 : vector<1x16xf32> to vector<16xf32>
          %swap3A_572 = vector.shape_cast %mul3A_567 : vector<16xf32> to vector<1x16xf32>
          tpu.vector_store %arg11[%swap3A_568, %swap3A_569], %swap3A_572 {strides = array<i32>} : memref<128x128xf32, #tpu.memory_space<vmem>>, vector<1x16xf32>,
          %get3A_573 = arith.index_cast %add3A_506 : i32 to index
          %get3A_574 = arith.constant 96 : index
          %get3A_575 = tpu.vector_load %arg11[%get3A_573, %get3A_574] {strides = array<i32>} : memref<128x128xf32, #tpu.memory_space<vmem>>, vector<1x16xf32>,
          %get3A_576 = vector.shape_cast %get3A_575 : vector<1x16xf32> to vector<16xf32>
          %mul3A_577 = vector.broadcast %squeeze3A_502 : f32 to vector<16xf32>
          %mul3A_578 = arith.mulf %get3A_576, %mul3A_577 : vector<16xf32>
          %swap3A_579 = arith.index_cast %add3A_506 : i32 to index
          %swap3A_580 = arith.constant 96 : index
          %swap3A_581 = tpu.vector_load %arg11[%swap3A_579, %swap3A_580] {strides = array<i32>} : memref<128x128xf32, #tpu.memory_space<vmem>>, vector<1x16xf32>,
          %swap3A_582 = vector.shape_cast %swap3A_581 : vector<1x16xf32> to vector<16xf32>
          %swap3A_583 = vector.shape_cast %mul3A_578 : vector<16xf32> to vector<1x16xf32>
          tpu.vector_store %arg11[%swap3A_579, %swap3A_580], %swap3A_583 {strides = array<i32>} : memref<128x128xf32, #tpu.memory_space<vmem>>, vector<1x16xf32>,
          %get3A_584 = arith.index_cast %add3A_506 : i32 to index
          %get3A_585 = arith.constant 112 : index
          %get3A_586 = tpu.vector_load %arg11[%get3A_584, %get3A_585] {strides = array<i32>} : memref<128x128xf32, #tpu.memory_space<vmem>>, vector<1x16xf32>,
          %get3A_587 = vector.shape_cast %get3A_586 : vector<1x16xf32> to vector<16xf32>
          %mul3A_588 = vector.broadcast %squeeze3A_502 : f32 to vector<16xf32>
          %mul3A_589 = arith.mulf %get3A_587, %mul3A_588 : vector<16xf32>
          %swap3A_590 = arith.index_cast %add3A_506 : i32 to index
          %swap3A_591 = arith.constant 112 : index
          %swap3A_592 = tpu.vector_load %arg11[%swap3A_590, %swap3A_591] {strides = array<i32>} : memref<128x128xf32, #tpu.memory_space<vmem>>, vector<1x16xf32>,
          %swap3A_593 = vector.shape_cast %swap3A_592 : vector<1x16xf32> to vector<16xf32>
          %swap3A_594 = vector.shape_cast %mul3A_589 : vector<16xf32> to vector<1x16xf32>
          tpu.vector_store %arg11[%swap3A_590, %swap3A_591], %swap3A_594 {strides = array<i32>} : memref<128x128xf32, #tpu.memory_space<vmem>>, vector<1x16xf32>,
          %slice3A_595 = vector.extract_strided_slice %get3A_33 {offsets = [6], sizes = [1], strides = [1]} : vector<16xf32> to vector<1xf32>
          %squeeze3A_596 = vector.extract %slice3A_595[0] : f32 from vector<1xf32>
          %mul3A_597 = arith.constant 16 : i32
          %mul3A_598 = arith.muli %add3A_29, %mul3A_597 : i32
          %add3A_599 = arith.constant 6 : i32
          %add3A_600 = arith.addi %mul3A_598, %add3A_599 : i32
          %get3A_601 = arith.index_cast %add3A_600 : i32 to index
          %get3A_602 = arith.constant 0 : index
          %get3A_603 = tpu.vector_load %arg11[%get3A_601, %get3A_602] {strides = array<i32>} : memref<128x128xf32, #tpu.memory_space<vmem>>, vector<1x16xf32>,
          %get3A_604 = vector.shape_cast %get3A_603 : vector<1x16xf32> to vector<16xf32>
          %mul3A_605 = vector.broadcast %squeeze3A_596 : f32 to vector<16xf32>
          %mul3A_606 = arith.mulf %get3A_604, %mul3A_605 : vector<16xf32>
          %swap3A_607 = arith.index_cast %add3A_600 : i32 to index
          %swap3A_608 = arith.constant 0 : index
          %swap3A_609 = tpu.vector_load %arg11[%swap3A_607, %swap3A_608] {strides = array<i32>} : memref<128x128xf32, #tpu.memory_space<vmem>>, vector<1x16xf32>,
          %swap3A_610 = vector.shape_cast %swap3A_609 : vector<1x16xf32> to vector<16xf32>
          %swap3A_611 = vector.shape_cast %mul3A_606 : vector<16xf32> to vector<1x16xf32>
          tpu.vector_store %arg11[%swap3A_607, %swap3A_608], %swap3A_611 {strides = array<i32>} : memref<128x128xf32, #tpu.memory_space<vmem>>, vector<1x16xf32>,
          %get3A_612 = arith.index_cast %add3A_600 : i32 to index
          %get3A_613 = arith.constant 16 : index
          %get3A_614 = tpu.vector_load %arg11[%get3A_612, %get3A_613] {strides = array<i32>} : memref<128x128xf32, #tpu.memory_space<vmem>>, vector<1x16xf32>,
          %get3A_615 = vector.shape_cast %get3A_614 : vector<1x16xf32> to vector<16xf32>
          %mul3A_616 = vector.broadcast %squeeze3A_596 : f32 to vector<16xf32>
          %mul3A_617 = arith.mulf %get3A_615, %mul3A_616 : vector<16xf32>
          %swap3A_618 = arith.index_cast %add3A_600 : i32 to index
          %swap3A_619 = arith.constant 16 : index
          %swap3A_620 = tpu.vector_load %arg11[%swap3A_618, %swap3A_619] {strides = array<i32>} : memref<128x128xf32, #tpu.memory_space<vmem>>, vector<1x16xf32>,
          %swap3A_621 = vector.shape_cast %swap3A_620 : vector<1x16xf32> to vector<16xf32>
          %swap3A_622 = vector.shape_cast %mul3A_617 : vector<16xf32> to vector<1x16xf32>
          tpu.vector_store %arg11[%swap3A_618, %swap3A_619], %swap3A_622 {strides = array<i32>} : memref<128x128xf32, #tpu.memory_space<vmem>>, vector<1x16xf32>,
          %get3A_623 = arith.index_cast %add3A_600 : i32 to index
          %get3A_624 = arith.constant 32 : index
          %get3A_625 = tpu.vector_load %arg11[%get3A_623, %get3A_624] {strides = array<i32>} : memref<128x128xf32, #tpu.memory_space<vmem>>, vector<1x16xf32>,
          %get3A_626 = vector.shape_cast %get3A_625 : vector<1x16xf32> to vector<16xf32>
          %mul3A_627 = vector.broadcast %squeeze3A_596 : f32 to vector<16xf32>
          %mul3A_628 = arith.mulf %get3A_626, %mul3A_627 : vector<16xf32>
          %swap3A_629 = arith.index_cast %add3A_600 : i32 to index
          %swap3A_630 = arith.constant 32 : index
          %swap3A_631 = tpu.vector_load %arg11[%swap3A_629, %swap3A_630] {strides = array<i32>} : memref<128x128xf32, #tpu.memory_space<vmem>>, vector<1x16xf32>,
          %swap3A_632 = vector.shape_cast %swap3A_631 : vector<1x16xf32> to vector<16xf32>
          %swap3A_633 = vector.shape_cast %mul3A_628 : vector<16xf32> to vector<1x16xf32>
          tpu.vector_store %arg11[%swap3A_629, %swap3A_630], %swap3A_633 {strides = array<i32>} : memref<128x128xf32, #tpu.memory_space<vmem>>, vector<1x16xf32>,
          %get3A_634 = arith.index_cast %add3A_600 : i32 to index
          %get3A_635 = arith.constant 48 : index
          %get3A_636 = tpu.vector_load %arg11[%get3A_634, %get3A_635] {strides = array<i32>} : memref<128x128xf32, #tpu.memory_space<vmem>>, vector<1x16xf32>,
          %get3A_637 = vector.shape_cast %get3A_636 : vector<1x16xf32> to vector<16xf32>
          %mul3A_638 = vector.broadcast %squeeze3A_596 : f32 to vector<16xf32>
          %mul3A_639 = arith.mulf %get3A_637, %mul3A_638 : vector<16xf32>
          %swap3A_640 = arith.index_cast %add3A_600 : i32 to index
          %swap3A_641 = arith.constant 48 : index
          %swap3A_642 = tpu.vector_load %arg11[%swap3A_640, %swap3A_641] {strides = array<i32>} : memref<128x128xf32, #tpu.memory_space<vmem>>, vector<1x16xf32>,
          %swap3A_643 = vector.shape_cast %swap3A_642 : vector<1x16xf32> to vector<16xf32>
          %swap3A_644 = vector.shape_cast %mul3A_639 : vector<16xf32> to vector<1x16xf32>
          tpu.vector_store %arg11[%swap3A_640, %swap3A_641], %swap3A_644 {strides = array<i32>} : memref<128x128xf32, #tpu.memory_space<vmem>>, vector<1x16xf32>,
          %get3A_645 = arith.index_cast %add3A_600 : i32 to index
          %get3A_646 = arith.constant 64 : index
          %get3A_647 = tpu.vector_load %arg11[%get3A_645, %get3A_646] {strides = array<i32>} : memref<128x128xf32, #tpu.memory_space<vmem>>, vector<1x16xf32>,
          %get3A_648 = vector.shape_cast %get3A_647 : vector<1x16xf32> to vector<16xf32>
          %mul3A_649 = vector.broadcast %squeeze3A_596 : f32 to vector<16xf32>
          %mul3A_650 = arith.mulf %get3A_648, %mul3A_649 : vector<16xf32>
          %swap3A_651 = arith.index_cast %add3A_600 : i32 to index
          %swap3A_652 = arith.constant 64 : index
          %swap3A_653 = tpu.vector_load %arg11[%swap3A_651, %swap3A_652] {strides = array<i32>} : memref<128x128xf32, #tpu.memory_space<vmem>>, vector<1x16xf32>,
          %swap3A_654 = vector.shape_cast %swap3A_653 : vector<1x16xf32> to vector<16xf32>
          %swap3A_655 = vector.shape_cast %mul3A_650 : vector<16xf32> to vector<1x16xf32>
          tpu.vector_store %arg11[%swap3A_651, %swap3A_652], %swap3A_655 {strides = array<i32>} : memref<128x128xf32, #tpu.memory_space<vmem>>, vector<1x16xf32>,
          %get3A_656 = arith.index_cast %add3A_600 : i32 to index
          %get3A_657 = arith.constant 80 : index
          %get3A_658 = tpu.vector_load %arg11[%get3A_656, %get3A_657] {strides = array<i32>} : memref<128x128xf32, #tpu.memory_space<vmem>>, vector<1x16xf32>,
          %get3A_659 = vector.shape_cast %get3A_658 : vector<1x16xf32> to vector<16xf32>
          %mul3A_660 = vector.broadcast %squeeze3A_596 : f32 to vector<16xf32>
          %mul3A_661 = arith.mulf %get3A_659, %mul3A_660 : vector<16xf32>
          %swap3A_662 = arith.index_cast %add3A_600 : i32 to index
          %swap3A_663 = arith.constant 80 : index
          %swap3A_664 = tpu.vector_load %arg11[%swap3A_662, %swap3A_663] {strides = array<i32>} : memref<128x128xf32, #tpu.memory_space<vmem>>, vector<1x16xf32>,
          %swap3A_665 = vector.shape_cast %swap3A_664 : vector<1x16xf32> to vector<16xf32>
          %swap3A_666 = vector.shape_cast %mul3A_661 : vector<16xf32> to vector<1x16xf32>
          tpu.vector_store %arg11[%swap3A_662, %swap3A_663], %swap3A_666 {strides = array<i32>} : memref<128x128xf32, #tpu.memory_space<vmem>>, vector<1x16xf32>,
          %get3A_667 = arith.index_cast %add3A_600 : i32 to index
          %get3A_668 = arith.constant 96 : index
          %get3A_669 = tpu.vector_load %arg11[%get3A_667, %get3A_668] {strides = array<i32>} : memref<128x128xf32, #tpu.memory_space<vmem>>, vector<1x16xf32>,
          %get3A_670 = vector.shape_cast %get3A_669 : vector<1x16xf32> to vector<16xf32>
          %mul3A_671 = vector.broadcast %squeeze3A_596 : f32 to vector<16xf32>
          %mul3A_672 = arith.mulf %get3A_670, %mul3A_671 : vector<16xf32>
          %swap3A_673 = arith.index_cast %add3A_600 : i32 to index
          %swap3A_674 = arith.constant 96 : index
          %swap3A_675 = tpu.vector_load %arg11[%swap3A_673, %swap3A_674] {strides = array<i32>} : memref<128x128xf32, #tpu.memory_space<vmem>>, vector<1x16xf32>,
          %swap3A_676 = vector.shape_cast %swap3A_675 : vector<1x16xf32> to vector<16xf32>
          %swap3A_677 = vector.shape_cast %mul3A_672 : vector<16xf32> to vector<1x16xf32>
          tpu.vector_store %arg11[%swap3A_673, %swap3A_674], %swap3A_677 {strides = array<i32>} : memref<128x128xf32, #tpu.memory_space<vmem>>, vector<1x16xf32>,
          %get3A_678 = arith.index_cast %add3A_600 : i32 to index
          %get3A_679 = arith.constant 112 : index
          %get3A_680 = tpu.vector_load %arg11[%get3A_678, %get3A_679] {strides = array<i32>} : memref<128x128xf32, #tpu.memory_space<vmem>>, vector<1x16xf32>,
          %get3A_681 = vector.shape_cast %get3A_680 : vector<1x16xf32> to vector<16xf32>
          %mul3A_682 = vector.broadcast %squeeze3A_596 : f32 to vector<16xf32>
          %mul3A_683 = arith.mulf %get3A_681, %mul3A_682 : vector<16xf32>
          %swap3A_684 = arith.index_cast %add3A_600 : i32 to index
          %swap3A_685 = arith.constant 112 : index
          %swap3A_686 = tpu.vector_load %arg11[%swap3A_684, %swap3A_685] {strides = array<i32>} : memref<128x128xf32, #tpu.memory_space<vmem>>, vector<1x16xf32>,
          %swap3A_687 = vector.shape_cast %swap3A_686 : vector<1x16xf32> to vector<16xf32>
          %swap3A_688 = vector.shape_cast %mul3A_683 : vector<16xf32> to vector<1x16xf32>
          tpu.vector_store %arg11[%swap3A_684, %swap3A_685], %swap3A_688 {strides = array<i32>} : memref<128x128xf32, #tpu.memory_space<vmem>>, vector<1x16xf32>,
          %slice3A_689 = vector.extract_strided_slice %get3A_33 {offsets = [7], sizes = [1], strides = [1]} : vector<16xf32> to vector<1xf32>
          %squeeze3A_690 = vector.extract %slice3A_689[0] : f32 from vector<1xf32>
          %mul3A_691 = arith.constant 16 : i32
          %mul3A_692 = arith.muli %add3A_29, %mul3A_691 : i32
          %add3A_693 = arith.constant 7 : i32
          %add3A_694 = arith.addi %mul3A_692, %add3A_693 : i32
          %get3A_695 = arith.index_cast %add3A_694 : i32 to index
          %get3A_696 = arith.constant 0 : index
          %get3A_697 = tpu.vector_load %arg11[%get3A_695, %get3A_696] {strides = array<i32>} : memref<128x128xf32, #tpu.memory_space<vmem>>, vector<1x16xf32>,
          %get3A_698 = vector.shape_cast %get3A_697 : vector<1x16xf32> to vector<16xf32>
          %mul3A_699 = vector.broadcast %squeeze3A_690 : f32 to vector<16xf32>
          %mul3A_700 = arith.mulf %get3A_698, %mul3A_699 : vector<16xf32>
          %swap3A_701 = arith.index_cast %add3A_694 : i32 to index
          %swap3A_702 = arith.constant 0 : index
          %swap3A_703 = tpu.vector_load %arg11[%swap3A_701, %swap3A_702] {strides = array<i32>} : memref<128x128xf32, #tpu.memory_space<vmem>>, vector<1x16xf32>,
          %swap3A_704 = vector.shape_cast %swap3A_703 : vector<1x16xf32> to vector<16xf32>
          %swap3A_705 = vector.shape_cast %mul3A_700 : vector<16xf32> to vector<1x16xf32>
          tpu.vector_store %arg11[%swap3A_701, %swap3A_702], %swap3A_705 {strides = array<i32>} : memref<128x128xf32, #tpu.memory_space<vmem>>, vector<1x16xf32>,
          %get3A_706 = arith.index_cast %add3A_694 : i32 to index
          %get3A_707 = arith.constant 16 : index
          %get3A_708 = tpu.vector_load %arg11[%get3A_706, %get3A_707] {strides = array<i32>} : memref<128x128xf32, #tpu.memory_space<vmem>>, vector<1x16xf32>,
          %get3A_709 = vector.shape_cast %get3A_708 : vector<1x16xf32> to vector<16xf32>
          %mul3A_710 = vector.broadcast %squeeze3A_690 : f32 to vector<16xf32>
          %mul3A_711 = arith.mulf %get3A_709, %mul3A_710 : vector<16xf32>
          %swap3A_712 = arith.index_cast %add3A_694 : i32 to index
          %swap3A_713 = arith.constant 16 : index
          %swap3A_714 = tpu.vector_load %arg11[%swap3A_712, %swap3A_713] {strides = array<i32>} : memref<128x128xf32, #tpu.memory_space<vmem>>, vector<1x16xf32>,
          %swap3A_715 = vector.shape_cast %swap3A_714 : vector<1x16xf32> to vector<16xf32>
          %swap3A_716 = vector.shape_cast %mul3A_711 : vector<16xf32> to vector<1x16xf32>
          tpu.vector_store %arg11[%swap3A_712, %swap3A_713], %swap3A_716 {strides = array<i32>} : memref<128x128xf32, #tpu.memory_space<vmem>>, vector<1x16xf32>,
          %get3A_717 = arith.index_cast %add3A_694 : i32 to index
          %get3A_718 = arith.constant 32 : index
          %get3A_719 = tpu.vector_load %arg11[%get3A_717, %get3A_718] {strides = array<i32>} : memref<128x128xf32, #tpu.memory_space<vmem>>, vector<1x16xf32>,
          %get3A_720 = vector.shape_cast %get3A_719 : vector<1x16xf32> to vector<16xf32>
          %mul3A_721 = vector.broadcast %squeeze3A_690 : f32 to vector<16xf32>
          %mul3A_722 = arith.mulf %get3A_720, %mul3A_721 : vector<16xf32>
          %swap3A_723 = arith.index_cast %add3A_694 : i32 to index
          %swap3A_724 = arith.constant 32 : index
          %swap3A_725 = tpu.vector_load %arg11[%swap3A_723, %swap3A_724] {strides = array<i32>} : memref<128x128xf32, #tpu.memory_space<vmem>>, vector<1x16xf32>,
          %swap3A_726 = vector.shape_cast %swap3A_725 : vector<1x16xf32> to vector<16xf32>
          %swap3A_727 = vector.shape_cast %mul3A_722 : vector<16xf32> to vector<1x16xf32>
          tpu.vector_store %arg11[%swap3A_723, %swap3A_724], %swap3A_727 {strides = array<i32>} : memref<128x128xf32, #tpu.memory_space<vmem>>, vector<1x16xf32>,
          %get3A_728 = arith.index_cast %add3A_694 : i32 to index
          %get3A_729 = arith.constant 48 : index
          %get3A_730 = tpu.vector_load %arg11[%get3A_728, %get3A_729] {strides = array<i32>} : memref<128x128xf32, #tpu.memory_space<vmem>>, vector<1x16xf32>,
          %get3A_731 = vector.shape_cast %get3A_730 : vector<1x16xf32> to vector<16xf32>
          %mul3A_732 = vector.broadcast %squeeze3A_690 : f32 to vector<16xf32>
          %mul3A_733 = arith.mulf %get3A_731, %mul3A_732 : vector<16xf32>
          %swap3A_734 = arith.index_cast %add3A_694 : i32 to index
          %swap3A_735 = arith.constant 48 : index
          %swap3A_736 = tpu.vector_load %arg11[%swap3A_734, %swap3A_735] {strides = array<i32>} : memref<128x128xf32, #tpu.memory_space<vmem>>, vector<1x16xf32>,
          %swap3A_737 = vector.shape_cast %swap3A_736 : vector<1x16xf32> to vector<16xf32>
          %swap3A_738 = vector.shape_cast %mul3A_733 : vector<16xf32> to vector<1x16xf32>
          tpu.vector_store %arg11[%swap3A_734, %swap3A_735], %swap3A_738 {strides = array<i32>} : memref<128x128xf32, #tpu.memory_space<vmem>>, vector<1x16xf32>,
          %get3A_739 = arith.index_cast %add3A_694 : i32 to index
          %get3A_740 = arith.constant 64 : index
          %get3A_741 = tpu.vector_load %arg11[%get3A_739, %get3A_740] {strides = array<i32>} : memref<128x128xf32, #tpu.memory_space<vmem>>, vector<1x16xf32>,
          %get3A_742 = vector.shape_cast %get3A_741 : vector<1x16xf32> to vector<16xf32>
          %mul3A_743 = vector.broadcast %squeeze3A_690 : f32 to vector<16xf32>
          %mul3A_744 = arith.mulf %get3A_742, %mul3A_743 : vector<16xf32>
          %swap3A_745 = arith.index_cast %add3A_694 : i32 to index
          %swap3A_746 = arith.constant 64 : index
          %swap3A_747 = tpu.vector_load %arg11[%swap3A_745, %swap3A_746] {strides = array<i32>} : memref<128x128xf32, #tpu.memory_space<vmem>>, vector<1x16xf32>,
          %swap3A_748 = vector.shape_cast %swap3A_747 : vector<1x16xf32> to vector<16xf32>
          %swap3A_749 = vector.shape_cast %mul3A_744 : vector<16xf32> to vector<1x16xf32>
          tpu.vector_store %arg11[%swap3A_745, %swap3A_746], %swap3A_749 {strides = array<i32>} : memref<128x128xf32, #tpu.memory_space<vmem>>, vector<1x16xf32>,
          %get3A_750 = arith.index_cast %add3A_694 : i32 to index
          %get3A_751 = arith.constant 80 : index
          %get3A_752 = tpu.vector_load %arg11[%get3A_750, %get3A_751] {strides = array<i32>} : memref<128x128xf32, #tpu.memory_space<vmem>>, vector<1x16xf32>,
          %get3A_753 = vector.shape_cast %get3A_752 : vector<1x16xf32> to vector<16xf32>
          %mul3A_754 = vector.broadcast %squeeze3A_690 : f32 to vector<16xf32>
          %mul3A_755 = arith.mulf %get3A_753, %mul3A_754 : vector<16xf32>
          %swap3A_756 = arith.index_cast %add3A_694 : i32 to index
          %swap3A_757 = arith.constant 80 : index
          %swap3A_758 = tpu.vector_load %arg11[%swap3A_756, %swap3A_757] {strides = array<i32>} : memref<128x128xf32, #tpu.memory_space<vmem>>, vector<1x16xf32>,
          %swap3A_759 = vector.shape_cast %swap3A_758 : vector<1x16xf32> to vector<16xf32>
          %swap3A_760 = vector.shape_cast %mul3A_755 : vector<16xf32> to vector<1x16xf32>
          tpu.vector_store %arg11[%swap3A_756, %swap3A_757], %swap3A_760 {strides = array<i32>} : memref<128x128xf32, #tpu.memory_space<vmem>>, vector<1x16xf32>,
          %get3A_761 = arith.index_cast %add3A_694 : i32 to index
          %get3A_762 = arith.constant 96 : index
          %get3A_763 = tpu.vector_load %arg11[%get3A_761, %get3A_762] {strides = array<i32>} : memref<128x128xf32, #tpu.memory_space<vmem>>, vector<1x16xf32>,
          %get3A_764 = vector.shape_cast %get3A_763 : vector<1x16xf32> to vector<16xf32>
          %mul3A_765 = vector.broadcast %squeeze3A_690 : f32 to vector<16xf32>
          %mul3A_766 = arith.mulf %get3A_764, %mul3A_765 : vector<16xf32>
          %swap3A_767 = arith.index_cast %add3A_694 : i32 to index
          %swap3A_768 = arith.constant 96 : index
          %swap3A_769 = tpu.vector_load %arg11[%swap3A_767, %swap3A_768] {strides = array<i32>} : memref<128x128xf32, #tpu.memory_space<vmem>>, vector<1x16xf32>,
          %swap3A_770 = vector.shape_cast %swap3A_769 : vector<1x16xf32> to vector<16xf32>
          %swap3A_771 = vector.shape_cast %mul3A_766 : vector<16xf32> to vector<1x16xf32>
          tpu.vector_store %arg11[%swap3A_767, %swap3A_768], %swap3A_771 {strides = array<i32>} : memref<128x128xf32, #tpu.memory_space<vmem>>, vector<1x16xf32>,
          %get3A_772 = arith.index_cast %add3A_694 : i32 to index
          %get3A_773 = arith.constant 112 : index
          %get3A_774 = tpu.vector_load %arg11[%get3A_772, %get3A_773] {strides = array<i32>} : memref<128x128xf32, #tpu.memory_space<vmem>>, vector<1x16xf32>,
          %get3A_775 = vector.shape_cast %get3A_774 : vector<1x16xf32> to vector<16xf32>
          %mul3A_776 = vector.broadcast %squeeze3A_690 : f32 to vector<16xf32>
          %mul3A_777 = arith.mulf %get3A_775, %mul3A_776 : vector<16xf32>
          %swap3A_778 = arith.index_cast %add3A_694 : i32 to index
          %swap3A_779 = arith.constant 112 : index
          %swap3A_780 = tpu.vector_load %arg11[%swap3A_778, %swap3A_779] {strides = array<i32>} : memref<128x128xf32, #tpu.memory_space<vmem>>, vector<1x16xf32>,
          %swap3A_781 = vector.shape_cast %swap3A_780 : vector<1x16xf32> to vector<16xf32>
          %swap3A_782 = vector.shape_cast %mul3A_777 : vector<16xf32> to vector<1x16xf32>
          tpu.vector_store %arg11[%swap3A_778, %swap3A_779], %swap3A_782 {strides = array<i32>} : memref<128x128xf32, #tpu.memory_space<vmem>>, vector<1x16xf32>,
          %slice3A_783 = vector.extract_strided_slice %get3A_33 {offsets = [8], sizes = [1], strides = [1]} : vector<16xf32> to vector<1xf32>
          %squeeze3A_784 = vector.extract %slice3A_783[0] : f32 from vector<1xf32>
          %mul3A_785 = arith.constant 16 : i32
          %mul3A_786 = arith.muli %add3A_29, %mul3A_785 : i32
          %add3A_787 = arith.constant 8 : i32
          %add3A_788 = arith.addi %mul3A_786, %add3A_787 : i32
          %get3A_789 = arith.index_cast %add3A_788 : i32 to index
          %get3A_790 = arith.constant 0 : index
          %get3A_791 = tpu.vector_load %arg11[%get3A_789, %get3A_790] {strides = array<i32>} : memref<128x128xf32, #tpu.memory_space<vmem>>, vector<1x16xf32>,
          %get3A_792 = vector.shape_cast %get3A_791 : vector<1x16xf32> to vector<16xf32>
          %mul3A_793 = vector.broadcast %squeeze3A_784 : f32 to vector<16xf32>
          %mul3A_794 = arith.mulf %get3A_792, %mul3A_793 : vector<16xf32>
          %swap3A_795 = arith.index_cast %add3A_788 : i32 to index
          %swap3A_796 = arith.constant 0 : index
          %swap3A_797 = tpu.vector_load %arg11[%swap3A_795, %swap3A_796] {strides = array<i32>} : memref<128x128xf32, #tpu.memory_space<vmem>>, vector<1x16xf32>,
          %swap3A_798 = vector.shape_cast %swap3A_797 : vector<1x16xf32> to vector<16xf32>
          %swap3A_799 = vector.shape_cast %mul3A_794 : vector<16xf32> to vector<1x16xf32>
          tpu.vector_store %arg11[%swap3A_795, %swap3A_796], %swap3A_799 {strides = array<i32>} : memref<128x128xf32, #tpu.memory_space<vmem>>, vector<1x16xf32>,
          %get3A_800 = arith.index_cast %add3A_788 : i32 to index
          %get3A_801 = arith.constant 16 : index
          %get3A_802 = tpu.vector_load %arg11[%get3A_800, %get3A_801] {strides = array<i32>} : memref<128x128xf32, #tpu.memory_space<vmem>>, vector<1x16xf32>,
          %get3A_803 = vector.shape_cast %get3A_802 : vector<1x16xf32> to vector<16xf32>
          %mul3A_804 = vector.broadcast %squeeze3A_784 : f32 to vector<16xf32>
          %mul3A_805 = arith.mulf %get3A_803, %mul3A_804 : vector<16xf32>
          %swap3A_806 = arith.index_cast %add3A_788 : i32 to index
          %swap3A_807 = arith.constant 16 : index
          %swap3A_808 = tpu.vector_load %arg11[%swap3A_806, %swap3A_807] {strides = array<i32>} : memref<128x128xf32, #tpu.memory_space<vmem>>, vector<1x16xf32>,
          %swap3A_809 = vector.shape_cast %swap3A_808 : vector<1x16xf32> to vector<16xf32>
          %swap3A_810 = vector.shape_cast %mul3A_805 : vector<16xf32> to vector<1x16xf32>
          tpu.vector_store %arg11[%swap3A_806, %swap3A_807], %swap3A_810 {strides = array<i32>} : memref<128x128xf32, #tpu.memory_space<vmem>>, vector<1x16xf32>,
          %get3A_811 = arith.index_cast %add3A_788 : i32 to index
          %get3A_812 = arith.constant 32 : index
          %get3A_813 = tpu.vector_load %arg11[%get3A_811, %get3A_812] {strides = array<i32>} : memref<128x128xf32, #tpu.memory_space<vmem>>, vector<1x16xf32>,
          %get3A_814 = vector.shape_cast %get3A_813 : vector<1x16xf32> to vector<16xf32>
          %mul3A_815 = vector.broadcast %squeeze3A_784 : f32 to vector<16xf32>
          %mul3A_816 = arith.mulf %get3A_814, %mul3A_815 : vector<16xf32>
          %swap3A_817 = arith.index_cast %add3A_788 : i32 to index
          %swap3A_818 = arith.constant 32 : index
          %swap3A_819 = tpu.vector_load %arg11[%swap3A_817, %swap3A_818] {strides = array<i32>} : memref<128x128xf32, #tpu.memory_space<vmem>>, vector<1x16xf32>,
          %swap3A_820 = vector.shape_cast %swap3A_819 : vector<1x16xf32> to vector<16xf32>
          %swap3A_821 = vector.shape_cast %mul3A_816 : vector<16xf32> to vector<1x16xf32>
          tpu.vector_store %arg11[%swap3A_817, %swap3A_818], %swap3A_821 {strides = array<i32>} : memref<128x128xf32, #tpu.memory_space<vmem>>, vector<1x16xf32>,
          %get3A_822 = arith.index_cast %add3A_788 : i32 to index
          %get3A_823 = arith.constant 48 : index
          %get3A_824 = tpu.vector_load %arg11[%get3A_822, %get3A_823] {strides = array<i32>} : memref<128x128xf32, #tpu.memory_space<vmem>>, vector<1x16xf32>,
          %get3A_825 = vector.shape_cast %get3A_824 : vector<1x16xf32> to vector<16xf32>
          %mul3A_826 = vector.broadcast %squeeze3A_784 : f32 to vector<16xf32>
          %mul3A_827 = arith.mulf %get3A_825, %mul3A_826 : vector<16xf32>
          %swap3A_828 = arith.index_cast %add3A_788 : i32 to index
          %swap3A_829 = arith.constant 48 : index
          %swap3A_830 = tpu.vector_load %arg11[%swap3A_828, %swap3A_829] {strides = array<i32>} : memref<128x128xf32, #tpu.memory_space<vmem>>, vector<1x16xf32>,
          %swap3A_831 = vector.shape_cast %swap3A_830 : vector<1x16xf32> to vector<16xf32>
          %swap3A_832 = vector.shape_cast %mul3A_827 : vector<16xf32> to vector<1x16xf32>
          tpu.vector_store %arg11[%swap3A_828, %swap3A_829], %swap3A_832 {strides = array<i32>} : memref<128x128xf32, #tpu.memory_space<vmem>>, vector<1x16xf32>,
          %get3A_833 = arith.index_cast %add3A_788 : i32 to index
          %get3A_834 = arith.constant 64 : index
          %get3A_835 = tpu.vector_load %arg11[%get3A_833, %get3A_834] {strides = array<i32>} : memref<128x128xf32, #tpu.memory_space<vmem>>, vector<1x16xf32>,
          %get3A_836 = vector.shape_cast %get3A_835 : vector<1x16xf32> to vector<16xf32>
          %mul3A_837 = vector.broadcast %squeeze3A_784 : f32 to vector<16xf32>
          %mul3A_838 = arith.mulf %get3A_836, %mul3A_837 : vector<16xf32>
          %swap3A_839 = arith.index_cast %add3A_788 : i32 to index
          %swap3A_840 = arith.constant 64 : index
          %swap3A_841 = tpu.vector_load %arg11[%swap3A_839, %swap3A_840] {strides = array<i32>} : memref<128x128xf32, #tpu.memory_space<vmem>>, vector<1x16xf32>,
          %swap3A_842 = vector.shape_cast %swap3A_841 : vector<1x16xf32> to vector<16xf32>
          %swap3A_843 = vector.shape_cast %mul3A_838 : vector<16xf32> to vector<1x16xf32>
          tpu.vector_store %arg11[%swap3A_839, %swap3A_840], %swap3A_843 {strides = array<i32>} : memref<128x128xf32, #tpu.memory_space<vmem>>, vector<1x16xf32>,
          %get3A_844 = arith.index_cast %add3A_788 : i32 to index
          %get3A_845 = arith.constant 80 : index
          %get3A_846 = tpu.vector_load %arg11[%get3A_844, %get3A_845] {strides = array<i32>} : memref<128x128xf32, #tpu.memory_space<vmem>>, vector<1x16xf32>,
          %get3A_847 = vector.shape_cast %get3A_846 : vector<1x16xf32> to vector<16xf32>
          %mul3A_848 = vector.broadcast %squeeze3A_784 : f32 to vector<16xf32>
          %mul3A_849 = arith.mulf %get3A_847, %mul3A_848 : vector<16xf32>
          %swap3A_850 = arith.index_cast %add3A_788 : i32 to index
          %swap3A_851 = arith.constant 80 : index
          %swap3A_852 = tpu.vector_load %arg11[%swap3A_850, %swap3A_851] {strides = array<i32>} : memref<128x128xf32, #tpu.memory_space<vmem>>, vector<1x16xf32>,
          %swap3A_853 = vector.shape_cast %swap3A_852 : vector<1x16xf32> to vector<16xf32>
          %swap3A_854 = vector.shape_cast %mul3A_849 : vector<16xf32> to vector<1x16xf32>
          tpu.vector_store %arg11[%swap3A_850, %swap3A_851], %swap3A_854 {strides = array<i32>} : memref<128x128xf32, #tpu.memory_space<vmem>>, vector<1x16xf32>,
          %get3A_855 = arith.index_cast %add3A_788 : i32 to index
          %get3A_856 = arith.constant 96 : index
          %get3A_857 = tpu.vector_load %arg11[%get3A_855, %get3A_856] {strides = array<i32>} : memref<128x128xf32, #tpu.memory_space<vmem>>, vector<1x16xf32>,
          %get3A_858 = vector.shape_cast %get3A_857 : vector<1x16xf32> to vector<16xf32>
          %mul3A_859 = vector.broadcast %squeeze3A_784 : f32 to vector<16xf32>
          %mul3A_860 = arith.mulf %get3A_858, %mul3A_859 : vector<16xf32>
          %swap3A_861 = arith.index_cast %add3A_788 : i32 to index
          %swap3A_862 = arith.constant 96 : index
          %swap3A_863 = tpu.vector_load %arg11[%swap3A_861, %swap3A_862] {strides = array<i32>} : memref<128x128xf32, #tpu.memory_space<vmem>>, vector<1x16xf32>,
          %swap3A_864 = vector.shape_cast %swap3A_863 : vector<1x16xf32> to vector<16xf32>
          %swap3A_865 = vector.shape_cast %mul3A_860 : vector<16xf32> to vector<1x16xf32>
          tpu.vector_store %arg11[%swap3A_861, %swap3A_862], %swap3A_865 {strides = array<i32>} : memref<128x128xf32, #tpu.memory_space<vmem>>, vector<1x16xf32>,
          %get3A_866 = arith.index_cast %add3A_788 : i32 to index
          %get3A_867 = arith.constant 112 : index
          %get3A_868 = tpu.vector_load %arg11[%get3A_866, %get3A_867] {strides = array<i32>} : memref<128x128xf32, #tpu.memory_space<vmem>>, vector<1x16xf32>,
          %get3A_869 = vector.shape_cast %get3A_868 : vector<1x16xf32> to vector<16xf32>
          %mul3A_870 = vector.broadcast %squeeze3A_784 : f32 to vector<16xf32>
          %mul3A_871 = arith.mulf %get3A_869, %mul3A_870 : vector<16xf32>
          %swap3A_872 = arith.index_cast %add3A_788 : i32 to index
          %swap3A_873 = arith.constant 112 : index
          %swap3A_874 = tpu.vector_load %arg11[%swap3A_872, %swap3A_873] {strides = array<i32>} : memref<128x128xf32, #tpu.memory_space<vmem>>, vector<1x16xf32>,
          %swap3A_875 = vector.shape_cast %swap3A_874 : vector<1x16xf32> to vector<16xf32>
          %swap3A_876 = vector.shape_cast %mul3A_871 : vector<16xf32> to vector<1x16xf32>
          tpu.vector_store %arg11[%swap3A_872, %swap3A_873], %swap3A_876 {strides = array<i32>} : memref<128x128xf32, #tpu.memory_space<vmem>>, vector<1x16xf32>,
          %slice3A_877 = vector.extract_strided_slice %get3A_33 {offsets = [9], sizes = [1], strides = [1]} : vector<16xf32> to vector<1xf32>
          %squeeze3A_878 = vector.extract %slice3A_877[0] : f32 from vector<1xf32>
          %mul3A_879 = arith.constant 16 : i32
          %mul3A_880 = arith.muli %add3A_29, %mul3A_879 : i32
          %add3A_881 = arith.constant 9 : i32
          %add3A_882 = arith.addi %mul3A_880, %add3A_881 : i32
          %get3A_883 = arith.index_cast %add3A_882 : i32 to index
          %get3A_884 = arith.constant 0 : index
          %get3A_885 = tpu.vector_load %arg11[%get3A_883, %get3A_884] {strides = array<i32>} : memref<128x128xf32, #tpu.memory_space<vmem>>, vector<1x16xf32>,
          %get3A_886 = vector.shape_cast %get3A_885 : vector<1x16xf32> to vector<16xf32>
          %mul3A_887 = vector.broadcast %squeeze3A_878 : f32 to vector<16xf32>
          %mul3A_888 = arith.mulf %get3A_886, %mul3A_887 : vector<16xf32>
          %swap3A_889 = arith.index_cast %add3A_882 : i32 to index
          %swap3A_890 = arith.constant 0 : index
          %swap3A_891 = tpu.vector_load %arg11[%swap3A_889, %swap3A_890] {strides = array<i32>} : memref<128x128xf32, #tpu.memory_space<vmem>>, vector<1x16xf32>,
          %swap3A_892 = vector.shape_cast %swap3A_891 : vector<1x16xf32> to vector<16xf32>
          %swap3A_893 = vector.shape_cast %mul3A_888 : vector<16xf32> to vector<1x16xf32>
          tpu.vector_store %arg11[%swap3A_889, %swap3A_890], %swap3A_893 {strides = array<i32>} : memref<128x128xf32, #tpu.memory_space<vmem>>, vector<1x16xf32>,
          %get3A_894 = arith.index_cast %add3A_882 : i32 to index
          %get3A_895 = arith.constant 16 : index
          %get3A_896 = tpu.vector_load %arg11[%get3A_894, %get3A_895] {strides = array<i32>} : memref<128x128xf32, #tpu.memory_space<vmem>>, vector<1x16xf32>,
          %get3A_897 = vector.shape_cast %get3A_896 : vector<1x16xf32> to vector<16xf32>
          %mul3A_898 = vector.broadcast %squeeze3A_878 : f32 to vector<16xf32>
          %mul3A_899 = arith.mulf %get3A_897, %mul3A_898 : vector<16xf32>
          %swap3A_900 = arith.index_cast %add3A_882 : i32 to index
          %swap3A_901 = arith.constant 16 : index
          %swap3A_902 = tpu.vector_load %arg11[%swap3A_900, %swap3A_901] {strides = array<i32>} : memref<128x128xf32, #tpu.memory_space<vmem>>, vector<1x16xf32>,
          %swap3A_903 = vector.shape_cast %swap3A_902 : vector<1x16xf32> to vector<16xf32>
          %swap3A_904 = vector.shape_cast %mul3A_899 : vector<16xf32> to vector<1x16xf32>
          tpu.vector_store %arg11[%swap3A_900, %swap3A_901], %swap3A_904 {strides = array<i32>} : memref<128x128xf32, #tpu.memory_space<vmem>>, vector<1x16xf32>,
          %get3A_905 = arith.index_cast %add3A_882 : i32 to index
          %get3A_906 = arith.constant 32 : index
          %get3A_907 = tpu.vector_load %arg11[%get3A_905, %get3A_906] {strides = array<i32>} : memref<128x128xf32, #tpu.memory_space<vmem>>, vector<1x16xf32>,
          %get3A_908 = vector.shape_cast %get3A_907 : vector<1x16xf32> to vector<16xf32>
          %mul3A_909 = vector.broadcast %squeeze3A_878 : f32 to vector<16xf32>
          %mul3A_910 = arith.mulf %get3A_908, %mul3A_909 : vector<16xf32>
          %swap3A_911 = arith.index_cast %add3A_882 : i32 to index
          %swap3A_912 = arith.constant 32 : index
          %swap3A_913 = tpu.vector_load %arg11[%swap3A_911, %swap3A_912] {strides = array<i32>} : memref<128x128xf32, #tpu.memory_space<vmem>>, vector<1x16xf32>,
          %swap3A_914 = vector.shape_cast %swap3A_913 : vector<1x16xf32> to vector<16xf32>
          %swap3A_915 = vector.shape_cast %mul3A_910 : vector<16xf32> to vector<1x16xf32>
          tpu.vector_store %arg11[%swap3A_911, %swap3A_912], %swap3A_915 {strides = array<i32>} : memref<128x128xf32, #tpu.memory_space<vmem>>, vector<1x16xf32>,
          %get3A_916 = arith.index_cast %add3A_882 : i32 to index
          %get3A_917 = arith.constant 48 : index
          %get3A_918 = tpu.vector_load %arg11[%get3A_916, %get3A_917] {strides = array<i32>} : memref<128x128xf32, #tpu.memory_space<vmem>>, vector<1x16xf32>,
          %get3A_919 = vector.shape_cast %get3A_918 : vector<1x16xf32> to vector<16xf32>
          %mul3A_920 = vector.broadcast %squeeze3A_878 : f32 to vector<16xf32>
          %mul3A_921 = arith.mulf %get3A_919, %mul3A_920 : vector<16xf32>
          %swap3A_922 = arith.index_cast %add3A_882 : i32 to index
          %swap3A_923 = arith.constant 48 : index
          %swap3A_924 = tpu.vector_load %arg11[%swap3A_922, %swap3A_923] {strides = array<i32>} : memref<128x128xf32, #tpu.memory_space<vmem>>, vector<1x16xf32>,
          %swap3A_925 = vector.shape_cast %swap3A_924 : vector<1x16xf32> to vector<16xf32>
          %swap3A_926 = vector.shape_cast %mul3A_921 : vector<16xf32> to vector<1x16xf32>
          tpu.vector_store %arg11[%swap3A_922, %swap3A_923], %swap3A_926 {strides = array<i32>} : memref<128x128xf32, #tpu.memory_space<vmem>>, vector<1x16xf32>,
          %get3A_927 = arith.index_cast %add3A_882 : i32 to index
          %get3A_928 = arith.constant 64 : index
          %get3A_929 = tpu.vector_load %arg11[%get3A_927, %get3A_928] {strides = array<i32>} : memref<128x128xf32, #tpu.memory_space<vmem>>, vector<1x16xf32>,
          %get3A_930 = vector.shape_cast %get3A_929 : vector<1x16xf32> to vector<16xf32>
          %mul3A_931 = vector.broadcast %squeeze3A_878 : f32 to vector<16xf32>
          %mul3A_932 = arith.mulf %get3A_930, %mul3A_931 : vector<16xf32>
          %swap3A_933 = arith.index_cast %add3A_882 : i32 to index
          %swap3A_934 = arith.constant 64 : index
          %swap3A_935 = tpu.vector_load %arg11[%swap3A_933, %swap3A_934] {strides = array<i32>} : memref<128x128xf32, #tpu.memory_space<vmem>>, vector<1x16xf32>,
          %swap3A_936 = vector.shape_cast %swap3A_935 : vector<1x16xf32> to vector<16xf32>
          %swap3A_937 = vector.shape_cast %mul3A_932 : vector<16xf32> to vector<1x16xf32>
          tpu.vector_store %arg11[%swap3A_933, %swap3A_934], %swap3A_937 {strides = array<i32>} : memref<128x128xf32, #tpu.memory_space<vmem>>, vector<1x16xf32>,
          %get3A_938 = arith.index_cast %add3A_882 : i32 to index
          %get3A_939 = arith.constant 80 : index
          %get3A_940 = tpu.vector_load %arg11[%get3A_938, %get3A_939] {strides = array<i32>} : memref<128x128xf32, #tpu.memory_space<vmem>>, vector<1x16xf32>,
          %get3A_941 = vector.shape_cast %get3A_940 : vector<1x16xf32> to vector<16xf32>
          %mul3A_942 = vector.broadcast %squeeze3A_878 : f32 to vector<16xf32>
          %mul3A_943 = arith.mulf %get3A_941, %mul3A_942 : vector<16xf32>
          %swap3A_944 = arith.index_cast %add3A_882 : i32 to index
          %swap3A_945 = arith.constant 80 : index
          %swap3A_946 = tpu.vector_load %arg11[%swap3A_944, %swap3A_945] {strides = array<i32>} : memref<128x128xf32, #tpu.memory_space<vmem>>, vector<1x16xf32>,
          %swap3A_947 = vector.shape_cast %swap3A_946 : vector<1x16xf32> to vector<16xf32>
          %swap3A_948 = vector.shape_cast %mul3A_943 : vector<16xf32> to vector<1x16xf32>
          tpu.vector_store %arg11[%swap3A_944, %swap3A_945], %swap3A_948 {strides = array<i32>} : memref<128x128xf32, #tpu.memory_space<vmem>>, vector<1x16xf32>,
          %get3A_949 = arith.index_cast %add3A_882 : i32 to index
          %get3A_950 = arith.constant 96 : index
          %get3A_951 = tpu.vector_load %arg11[%get3A_949, %get3A_950] {strides = array<i32>} : memref<128x128xf32, #tpu.memory_space<vmem>>, vector<1x16xf32>,
          %get3A_952 = vector.shape_cast %get3A_951 : vector<1x16xf32> to vector<16xf32>
          %mul3A_953 = vector.broadcast %squeeze3A_878 : f32 to vector<16xf32>
          %mul3A_954 = arith.mulf %get3A_952, %mul3A_953 : vector<16xf32>
          %swap3A_955 = arith.index_cast %add3A_882 : i32 to index
          %swap3A_956 = arith.constant 96 : index
          %swap3A_957 = tpu.vector_load %arg11[%swap3A_955, %swap3A_956] {strides = array<i32>} : memref<128x128xf32, #tpu.memory_space<vmem>>, vector<1x16xf32>,
          %swap3A_958 = vector.shape_cast %swap3A_957 : vector<1x16xf32> to vector<16xf32>
          %swap3A_959 = vector.shape_cast %mul3A_954 : vector<16xf32> to vector<1x16xf32>
          tpu.vector_store %arg11[%swap3A_955, %swap3A_956], %swap3A_959 {strides = array<i32>} : memref<128x128xf32, #tpu.memory_space<vmem>>, vector<1x16xf32>,
          %get3A_960 = arith.index_cast %add3A_882 : i32 to index
          %get3A_961 = arith.constant 112 : index
          %get3A_962 = tpu.vector_load %arg11[%get3A_960, %get3A_961] {strides = array<i32>} : memref<128x128xf32, #tpu.memory_space<vmem>>, vector<1x16xf32>,
          %get3A_963 = vector.shape_cast %get3A_962 : vector<1x16xf32> to vector<16xf32>
          %mul3A_964 = vector.broadcast %squeeze3A_878 : f32 to vector<16xf32>
          %mul3A_965 = arith.mulf %get3A_963, %mul3A_964 : vector<16xf32>
          %swap3A_966 = arith.index_cast %add3A_882 : i32 to index
          %swap3A_967 = arith.constant 112 : index
          %swap3A_968 = tpu.vector_load %arg11[%swap3A_966, %swap3A_967] {strides = array<i32>} : memref<128x128xf32, #tpu.memory_space<vmem>>, vector<1x16xf32>,
          %swap3A_969 = vector.shape_cast %swap3A_968 : vector<1x16xf32> to vector<16xf32>
          %swap3A_970 = vector.shape_cast %mul3A_965 : vector<16xf32> to vector<1x16xf32>
          tpu.vector_store %arg11[%swap3A_966, %swap3A_967], %swap3A_970 {strides = array<i32>} : memref<128x128xf32, #tpu.memory_space<vmem>>, vector<1x16xf32>,
          %slice3A_971 = vector.extract_strided_slice %get3A_33 {offsets = [10], sizes = [1], strides = [1]} : vector<16xf32> to vector<1xf32>
          %squeeze3A_972 = vector.extract %slice3A_971[0] : f32 from vector<1xf32>
          %mul3A_973 = arith.constant 16 : i32
          %mul3A_974 = arith.muli %add3A_29, %mul3A_973 : i32
          %add3A_975 = arith.constant 10 : i32
          %add3A_976 = arith.addi %mul3A_974, %add3A_975 : i32
          %get3A_977 = arith.index_cast %add3A_976 : i32 to index
          %get3A_978 = arith.constant 0 : index
          %get3A_979 = tpu.vector_load %arg11[%get3A_977, %get3A_978] {strides = array<i32>} : memref<128x128xf32, #tpu.memory_space<vmem>>, vector<1x16xf32>,
          %get3A_980 = vector.shape_cast %get3A_979 : vector<1x16xf32> to vector<16xf32>
          %mul3A_981 = vector.broadcast %squeeze3A_972 : f32 to vector<16xf32>
          %mul3A_982 = arith.mulf %get3A_980, %mul3A_981 : vector<16xf32>
          %swap3A_983 = arith.index_cast %add3A_976 : i32 to index
          %swap3A_984 = arith.constant 0 : index
          %swap3A_985 = tpu.vector_load %arg11[%swap3A_983, %swap3A_984] {strides = array<i32>} : memref<128x128xf32, #tpu.memory_space<vmem>>, vector<1x16xf32>,
          %swap3A_986 = vector.shape_cast %swap3A_985 : vector<1x16xf32> to vector<16xf32>
          %swap3A_987 = vector.shape_cast %mul3A_982 : vector<16xf32> to vector<1x16xf32>
          tpu.vector_store %arg11[%swap3A_983, %swap3A_984], %swap3A_987 {strides = array<i32>} : memref<128x128xf32, #tpu.memory_space<vmem>>, vector<1x16xf32>,
          %get3A_988 = arith.index_cast %add3A_976 : i32 to index
          %get3A_989 = arith.constant 16 : index
          %get3A_990 = tpu.vector_load %arg11[%get3A_988, %get3A_989] {strides = array<i32>} : memref<128x128xf32, #tpu.memory_space<vmem>>, vector<1x16xf32>,
          %get3A_991 = vector.shape_cast %get3A_990 : vector<1x16xf32> to vector<16xf32>
          %mul3A_992 = vector.broadcast %squeeze3A_972 : f32 to vector<16xf32>
          %mul3A_993 = arith.mulf %get3A_991, %mul3A_992 : vector<16xf32>
          %swap3A_994 = arith.index_cast %add3A_976 : i32 to index
          %swap3A_995 = arith.constant 16 : index
          %swap3A_996 = tpu.vector_load %arg11[%swap3A_994, %swap3A_995] {strides = array<i32>} : memref<128x128xf32, #tpu.memory_space<vmem>>, vector<1x16xf32>,
          %swap3A_997 = vector.shape_cast %swap3A_996 : vector<1x16xf32> to vector<16xf32>
          %swap3A_998 = vector.shape_cast %mul3A_993 : vector<16xf32> to vector<1x16xf32>
          tpu.vector_store %arg11[%swap3A_994, %swap3A_995], %swap3A_998 {strides = array<i32>} : memref<128x128xf32, #tpu.memory_space<vmem>>, vector<1x16xf32>,
          %get3A_999 = arith.index_cast %add3A_976 : i32 to index
          %get3A_1000 = arith.constant 32 : index
          %get3A_1001 = tpu.vector_load %arg11[%get3A_999, %get3A_1000] {strides = array<i32>} : memref<128x128xf32, #tpu.memory_space<vmem>>, vector<1x16xf32>,
          %get3A_1002 = vector.shape_cast %get3A_1001 : vector<1x16xf32> to vector<16xf32>
          %mul3A_1003 = vector.broadcast %squeeze3A_972 : f32 to vector<16xf32>
          %mul3A_1004 = arith.mulf %get3A_1002, %mul3A_1003 : vector<16xf32>
          %swap3A_1005 = arith.index_cast %add3A_976 : i32 to index
          %swap3A_1006 = arith.constant 32 : index
          %swap3A_1007 = tpu.vector_load %arg11[%swap3A_1005, %swap3A_1006] {strides = array<i32>} : memref<128x128xf32, #tpu.memory_space<vmem>>, vector<1x16xf32>,
          %swap3A_1008 = vector.shape_cast %swap3A_1007 : vector<1x16xf32> to vector<16xf32>
          %swap3A_1009 = vector.shape_cast %mul3A_1004 : vector<16xf32> to vector<1x16xf32>
          tpu.vector_store %arg11[%swap3A_1005, %swap3A_1006], %swap3A_1009 {strides = array<i32>} : memref<128x128xf32, #tpu.memory_space<vmem>>, vector<1x16xf32>,
          %get3A_1010 = arith.index_cast %add3A_976 : i32 to index
          %get3A_1011 = arith.constant 48 : index
          %get3A_1012 = tpu.vector_load %arg11[%get3A_1010, %get3A_1011] {strides = array<i32>} : memref<128x128xf32, #tpu.memory_space<vmem>>, vector<1x16xf32>,
          %get3A_1013 = vector.shape_cast %get3A_1012 : vector<1x16xf32> to vector<16xf32>
          %mul3A_1014 = vector.broadcast %squeeze3A_972 : f32 to vector<16xf32>
          %mul3A_1015 = arith.mulf %get3A_1013, %mul3A_1014 : vector<16xf32>
          %swap3A_1016 = arith.index_cast %add3A_976 : i32 to index
          %swap3A_1017 = arith.constant 48 : index
          %swap3A_1018 = tpu.vector_load %arg11[%swap3A_1016, %swap3A_1017] {strides = array<i32>} : memref<128x128xf32, #tpu.memory_space<vmem>>, vector<1x16xf32>,
          %swap3A_1019 = vector.shape_cast %swap3A_1018 : vector<1x16xf32> to vector<16xf32>
          %swap3A_1020 = vector.shape_cast %mul3A_1015 : vector<16xf32> to vector<1x16xf32>
          tpu.vector_store %arg11[%swap3A_1016, %swap3A_1017], %swap3A_1020 {strides = array<i32>} : memref<128x128xf32, #tpu.memory_space<vmem>>, vector<1x16xf32>,
          %get3A_1021 = arith.index_cast %add3A_976 : i32 to index
          %get3A_1022 = arith.constant 64 : index
          %get3A_1023 = tpu.vector_load %arg11[%get3A_1021, %get3A_1022] {strides = array<i32>} : memref<128x128xf32, #tpu.memory_space<vmem>>, vector<1x16xf32>,
          %get3A_1024 = vector.shape_cast %get3A_1023 : vector<1x16xf32> to vector<16xf32>
          %mul3A_1025 = vector.broadcast %squeeze3A_972 : f32 to vector<16xf32>
          %mul3A_1026 = arith.mulf %get3A_1024, %mul3A_1025 : vector<16xf32>
          %swap3A_1027 = arith.index_cast %add3A_976 : i32 to index
          %swap3A_1028 = arith.constant 64 : index
          %swap3A_1029 = tpu.vector_load %arg11[%swap3A_1027, %swap3A_1028] {strides = array<i32>} : memref<128x128xf32, #tpu.memory_space<vmem>>, vector<1x16xf32>,
          %swap3A_1030 = vector.shape_cast %swap3A_1029 : vector<1x16xf32> to vector<16xf32>
          %swap3A_1031 = vector.shape_cast %mul3A_1026 : vector<16xf32> to vector<1x16xf32>
          tpu.vector_store %arg11[%swap3A_1027, %swap3A_1028], %swap3A_1031 {strides = array<i32>} : memref<128x128xf32, #tpu.memory_space<vmem>>, vector<1x16xf32>,
          %get3A_1032 = arith.index_cast %add3A_976 : i32 to index
          %get3A_1033 = arith.constant 80 : index
          %get3A_1034 = tpu.vector_load %arg11[%get3A_1032, %get3A_1033] {strides = array<i32>} : memref<128x128xf32, #tpu.memory_space<vmem>>, vector<1x16xf32>,
          %get3A_1035 = vector.shape_cast %get3A_1034 : vector<1x16xf32> to vector<16xf32>
          %mul3A_1036 = vector.broadcast %squeeze3A_972 : f32 to vector<16xf32>
          %mul3A_1037 = arith.mulf %get3A_1035, %mul3A_1036 : vector<16xf32>
          %swap3A_1038 = arith.index_cast %add3A_976 : i32 to index
          %swap3A_1039 = arith.constant 80 : index
          %swap3A_1040 = tpu.vector_load %arg11[%swap3A_1038, %swap3A_1039] {strides = array<i32>} : memref<128x128xf32, #tpu.memory_space<vmem>>, vector<1x16xf32>,
          %swap3A_1041 = vector.shape_cast %swap3A_1040 : vector<1x16xf32> to vector<16xf32>
          %swap3A_1042 = vector.shape_cast %mul3A_1037 : vector<16xf32> to vector<1x16xf32>
          tpu.vector_store %arg11[%swap3A_1038, %swap3A_1039], %swap3A_1042 {strides = array<i32>} : memref<128x128xf32, #tpu.memory_space<vmem>>, vector<1x16xf32>,
          %get3A_1043 = arith.index_cast %add3A_976 : i32 to index
          %get3A_1044 = arith.constant 96 : index
          %get3A_1045 = tpu.vector_load %arg11[%get3A_1043, %get3A_1044] {strides = array<i32>} : memref<128x128xf32, #tpu.memory_space<vmem>>, vector<1x16xf32>,
          %get3A_1046 = vector.shape_cast %get3A_1045 : vector<1x16xf32> to vector<16xf32>
          %mul3A_1047 = vector.broadcast %squeeze3A_972 : f32 to vector<16xf32>
          %mul3A_1048 = arith.mulf %get3A_1046, %mul3A_1047 : vector<16xf32>
          %swap3A_1049 = arith.index_cast %add3A_976 : i32 to index
          %swap3A_1050 = arith.constant 96 : index
          %swap3A_1051 = tpu.vector_load %arg11[%swap3A_1049, %swap3A_1050] {strides = array<i32>} : memref<128x128xf32, #tpu.memory_space<vmem>>, vector<1x16xf32>,
          %swap3A_1052 = vector.shape_cast %swap3A_1051 : vector<1x16xf32> to vector<16xf32>
          %swap3A_1053 = vector.shape_cast %mul3A_1048 : vector<16xf32> to vector<1x16xf32>
          tpu.vector_store %arg11[%swap3A_1049, %swap3A_1050], %swap3A_1053 {strides = array<i32>} : memref<128x128xf32, #tpu.memory_space<vmem>>, vector<1x16xf32>,
          %get3A_1054 = arith.index_cast %add3A_976 : i32 to index
          %get3A_1055 = arith.constant 112 : index
          %get3A_1056 = tpu.vector_load %arg11[%get3A_1054, %get3A_1055] {strides = array<i32>} : memref<128x128xf32, #tpu.memory_space<vmem>>, vector<1x16xf32>,
          %get3A_1057 = vector.shape_cast %get3A_1056 : vector<1x16xf32> to vector<16xf32>
          %mul3A_1058 = vector.broadcast %squeeze3A_972 : f32 to vector<16xf32>
          %mul3A_1059 = arith.mulf %get3A_1057, %mul3A_1058 : vector<16xf32>
          %swap3A_1060 = arith.index_cast %add3A_976 : i32 to index
          %swap3A_1061 = arith.constant 112 : index
          %swap3A_1062 = tpu.vector_load %arg11[%swap3A_1060, %swap3A_1061] {strides = array<i32>} : memref<128x128xf32, #tpu.memory_space<vmem>>, vector<1x16xf32>,
          %swap3A_1063 = vector.shape_cast %swap3A_1062 : vector<1x16xf32> to vector<16xf32>
          %swap3A_1064 = vector.shape_cast %mul3A_1059 : vector<16xf32> to vector<1x16xf32>
          tpu.vector_store %arg11[%swap3A_1060, %swap3A_1061], %swap3A_1064 {strides = array<i32>} : memref<128x128xf32, #tpu.memory_space<vmem>>, vector<1x16xf32>,
          %slice3A_1065 = vector.extract_strided_slice %get3A_33 {offsets = [11], sizes = [1], strides = [1]} : vector<16xf32> to vector<1xf32>
          %squeeze3A_1066 = vector.extract %slice3A_1065[0] : f32 from vector<1xf32>
          %mul3A_1067 = arith.constant 16 : i32
          %mul3A_1068 = arith.muli %add3A_29, %mul3A_1067 : i32
          %add3A_1069 = arith.constant 11 : i32
          %add3A_1070 = arith.addi %mul3A_1068, %add3A_1069 : i32
          %get3A_1071 = arith.index_cast %add3A_1070 : i32 to index
          %get3A_1072 = arith.constant 0 : index
          %get3A_1073 = tpu.vector_load %arg11[%get3A_1071, %get3A_1072] {strides = array<i32>} : memref<128x128xf32, #tpu.memory_space<vmem>>, vector<1x16xf32>,
          %get3A_1074 = vector.shape_cast %get3A_1073 : vector<1x16xf32> to vector<16xf32>
          %mul3A_1075 = vector.broadcast %squeeze3A_1066 : f32 to vector<16xf32>
          %mul3A_1076 = arith.mulf %get3A_1074, %mul3A_1075 : vector<16xf32>
          %swap3A_1077 = arith.index_cast %add3A_1070 : i32 to index
          %swap3A_1078 = arith.constant 0 : index
          %swap3A_1079 = tpu.vector_load %arg11[%swap3A_1077, %swap3A_1078] {strides = array<i32>} : memref<128x128xf32, #tpu.memory_space<vmem>>, vector<1x16xf32>,
          %swap3A_1080 = vector.shape_cast %swap3A_1079 : vector<1x16xf32> to vector<16xf32>
          %swap3A_1081 = vector.shape_cast %mul3A_1076 : vector<16xf32> to vector<1x16xf32>
          tpu.vector_store %arg11[%swap3A_1077, %swap3A_1078], %swap3A_1081 {strides = array<i32>} : memref<128x128xf32, #tpu.memory_space<vmem>>, vector<1x16xf32>,
          %get3A_1082 = arith.index_cast %add3A_1070 : i32 to index
          %get3A_1083 = arith.constant 16 : index
          %get3A_1084 = tpu.vector_load %arg11[%get3A_1082, %get3A_1083] {strides = array<i32>} : memref<128x128xf32, #tpu.memory_space<vmem>>, vector<1x16xf32>,
          %get3A_1085 = vector.shape_cast %get3A_1084 : vector<1x16xf32> to vector<16xf32>
          %mul3A_1086 = vector.broadcast %squeeze3A_1066 : f32 to vector<16xf32>
          %mul3A_1087 = arith.mulf %get3A_1085, %mul3A_1086 : vector<16xf32>
          %swap3A_1088 = arith.index_cast %add3A_1070 : i32 to index
          %swap3A_1089 = arith.constant 16 : index
          %swap3A_1090 = tpu.vector_load %arg11[%swap3A_1088, %swap3A_1089] {strides = array<i32>} : memref<128x128xf32, #tpu.memory_space<vmem>>, vector<1x16xf32>,
          %swap3A_1091 = vector.shape_cast %swap3A_1090 : vector<1x16xf32> to vector<16xf32>
          %swap3A_1092 = vector.shape_cast %mul3A_1087 : vector<16xf32> to vector<1x16xf32>
          tpu.vector_store %arg11[%swap3A_1088, %swap3A_1089], %swap3A_1092 {strides = array<i32>} : memref<128x128xf32, #tpu.memory_space<vmem>>, vector<1x16xf32>,
          %get3A_1093 = arith.index_cast %add3A_1070 : i32 to index
          %get3A_1094 = arith.constant 32 : index
          %get3A_1095 = tpu.vector_load %arg11[%get3A_1093, %get3A_1094] {strides = array<i32>} : memref<128x128xf32, #tpu.memory_space<vmem>>, vector<1x16xf32>,
          %get3A_1096 = vector.shape_cast %get3A_1095 : vector<1x16xf32> to vector<16xf32>
          %mul3A_1097 = vector.broadcast %squeeze3A_1066 : f32 to vector<16xf32>
          %mul3A_1098 = arith.mulf %get3A_1096, %mul3A_1097 : vector<16xf32>
          %swap3A_1099 = arith.index_cast %add3A_1070 : i32 to index
          %swap3A_1100 = arith.constant 32 : index
          %swap3A_1101 = tpu.vector_load %arg11[%swap3A_1099, %swap3A_1100] {strides = array<i32>} : memref<128x128xf32, #tpu.memory_space<vmem>>, vector<1x16xf32>,
          %swap3A_1102 = vector.shape_cast %swap3A_1101 : vector<1x16xf32> to vector<16xf32>
          %swap3A_1103 = vector.shape_cast %mul3A_1098 : vector<16xf32> to vector<1x16xf32>
          tpu.vector_store %arg11[%swap3A_1099, %swap3A_1100], %swap3A_1103 {strides = array<i32>} : memref<128x128xf32, #tpu.memory_space<vmem>>, vector<1x16xf32>,
          %get3A_1104 = arith.index_cast %add3A_1070 : i32 to index
          %get3A_1105 = arith.constant 48 : index
          %get3A_1106 = tpu.vector_load %arg11[%get3A_1104, %get3A_1105] {strides = array<i32>} : memref<128x128xf32, #tpu.memory_space<vmem>>, vector<1x16xf32>,
          %get3A_1107 = vector.shape_cast %get3A_1106 : vector<1x16xf32> to vector<16xf32>
          %mul3A_1108 = vector.broadcast %squeeze3A_1066 : f32 to vector<16xf32>
          %mul3A_1109 = arith.mulf %get3A_1107, %mul3A_1108 : vector<16xf32>
          %swap3A_1110 = arith.index_cast %add3A_1070 : i32 to index
          %swap3A_1111 = arith.constant 48 : index
          %swap3A_1112 = tpu.vector_load %arg11[%swap3A_1110, %swap3A_1111] {strides = array<i32>} : memref<128x128xf32, #tpu.memory_space<vmem>>, vector<1x16xf32>,
          %swap3A_1113 = vector.shape_cast %swap3A_1112 : vector<1x16xf32> to vector<16xf32>
          %swap3A_1114 = vector.shape_cast %mul3A_1109 : vector<16xf32> to vector<1x16xf32>
          tpu.vector_store %arg11[%swap3A_1110, %swap3A_1111], %swap3A_1114 {strides = array<i32>} : memref<128x128xf32, #tpu.memory_space<vmem>>, vector<1x16xf32>,
          %get3A_1115 = arith.index_cast %add3A_1070 : i32 to index
          %get3A_1116 = arith.constant 64 : index
          %get3A_1117 = tpu.vector_load %arg11[%get3A_1115, %get3A_1116] {strides = array<i32>} : memref<128x128xf32, #tpu.memory_space<vmem>>, vector<1x16xf32>,
          %get3A_1118 = vector.shape_cast %get3A_1117 : vector<1x16xf32> to vector<16xf32>
          %mul3A_1119 = vector.broadcast %squeeze3A_1066 : f32 to vector<16xf32>
          %mul3A_1120 = arith.mulf %get3A_1118, %mul3A_1119 : vector<16xf32>
          %swap3A_1121 = arith.index_cast %add3A_1070 : i32 to index
          %swap3A_1122 = arith.constant 64 : index
          %swap3A_1123 = tpu.vector_load %arg11[%swap3A_1121, %swap3A_1122] {strides = array<i32>} : memref<128x128xf32, #tpu.memory_space<vmem>>, vector<1x16xf32>,
          %swap3A_1124 = vector.shape_cast %swap3A_1123 : vector<1x16xf32> to vector<16xf32>
          %swap3A_1125 = vector.shape_cast %mul3A_1120 : vector<16xf32> to vector<1x16xf32>
          tpu.vector_store %arg11[%swap3A_1121, %swap3A_1122], %swap3A_1125 {strides = array<i32>} : memref<128x128xf32, #tpu.memory_space<vmem>>, vector<1x16xf32>,
          %get3A_1126 = arith.index_cast %add3A_1070 : i32 to index
          %get3A_1127 = arith.constant 80 : index
          %get3A_1128 = tpu.vector_load %arg11[%get3A_1126, %get3A_1127] {strides = array<i32>} : memref<128x128xf32, #tpu.memory_space<vmem>>, vector<1x16xf32>,
          %get3A_1129 = vector.shape_cast %get3A_1128 : vector<1x16xf32> to vector<16xf32>
          %mul3A_1130 = vector.broadcast %squeeze3A_1066 : f32 to vector<16xf32>
          %mul3A_1131 = arith.mulf %get3A_1129, %mul3A_1130 : vector<16xf32>
          %swap3A_1132 = arith.index_cast %add3A_1070 : i32 to index
          %swap3A_1133 = arith.constant 80 : index
          %swap3A_1134 = tpu.vector_load %arg11[%swap3A_1132, %swap3A_1133] {strides = array<i32>} : memref<128x128xf32, #tpu.memory_space<vmem>>, vector<1x16xf32>,
          %swap3A_1135 = vector.shape_cast %swap3A_1134 : vector<1x16xf32> to vector<16xf32>
          %swap3A_1136 = vector.shape_cast %mul3A_1131 : vector<16xf32> to vector<1x16xf32>
          tpu.vector_store %arg11[%swap3A_1132, %swap3A_1133], %swap3A_1136 {strides = array<i32>} : memref<128x128xf32, #tpu.memory_space<vmem>>, vector<1x16xf32>,
          %get3A_1137 = arith.index_cast %add3A_1070 : i32 to index
          %get3A_1138 = arith.constant 96 : index
          %get3A_1139 = tpu.vector_load %arg11[%get3A_1137, %get3A_1138] {strides = array<i32>} : memref<128x128xf32, #tpu.memory_space<vmem>>, vector<1x16xf32>,
          %get3A_1140 = vector.shape_cast %get3A_1139 : vector<1x16xf32> to vector<16xf32>
          %mul3A_1141 = vector.broadcast %squeeze3A_1066 : f32 to vector<16xf32>
          %mul3A_1142 = arith.mulf %get3A_1140, %mul3A_1141 : vector<16xf32>
          %swap3A_1143 = arith.index_cast %add3A_1070 : i32 to index
          %swap3A_1144 = arith.constant 96 : index
          %swap3A_1145 = tpu.vector_load %arg11[%swap3A_1143, %swap3A_1144] {strides = array<i32>} : memref<128x128xf32, #tpu.memory_space<vmem>>, vector<1x16xf32>,
          %swap3A_1146 = vector.shape_cast %swap3A_1145 : vector<1x16xf32> to vector<16xf32>
          %swap3A_1147 = vector.shape_cast %mul3A_1142 : vector<16xf32> to vector<1x16xf32>
          tpu.vector_store %arg11[%swap3A_1143, %swap3A_1144], %swap3A_1147 {strides = array<i32>} : memref<128x128xf32, #tpu.memory_space<vmem>>, vector<1x16xf32>,
          %get3A_1148 = arith.index_cast %add3A_1070 : i32 to index
          %get3A_1149 = arith.constant 112 : index
          %get3A_1150 = tpu.vector_load %arg11[%get3A_1148, %get3A_1149] {strides = array<i32>} : memref<128x128xf32, #tpu.memory_space<vmem>>, vector<1x16xf32>,
          %get3A_1151 = vector.shape_cast %get3A_1150 : vector<1x16xf32> to vector<16xf32>
          %mul3A_1152 = vector.broadcast %squeeze3A_1066 : f32 to vector<16xf32>
          %mul3A_1153 = arith.mulf %get3A_1151, %mul3A_1152 : vector<16xf32>
          %swap3A_1154 = arith.index_cast %add3A_1070 : i32 to index
          %swap3A_1155 = arith.constant 112 : index
          %swap3A_1156 = tpu.vector_load %arg11[%swap3A_1154, %swap3A_1155] {strides = array<i32>} : memref<128x128xf32, #tpu.memory_space<vmem>>, vector<1x16xf32>,
          %swap3A_1157 = vector.shape_cast %swap3A_1156 : vector<1x16xf32> to vector<16xf32>
          %swap3A_1158 = vector.shape_cast %mul3A_1153 : vector<16xf32> to vector<1x16xf32>
          tpu.vector_store %arg11[%swap3A_1154, %swap3A_1155], %swap3A_1158 {strides = array<i32>} : memref<128x128xf32, #tpu.memory_space<vmem>>, vector<1x16xf32>,
          %slice3A_1159 = vector.extract_strided_slice %get3A_33 {offsets = [12], sizes = [1], strides = [1]} : vector<16xf32> to vector<1xf32>
          %squeeze3A_1160 = vector.extract %slice3A_1159[0] : f32 from vector<1xf32>
          %mul3A_1161 = arith.constant 16 : i32
          %mul3A_1162 = arith.muli %add3A_29, %mul3A_1161 : i32
          %add3A_1163 = arith.constant 12 : i32
          %add3A_1164 = arith.addi %mul3A_1162, %add3A_1163 : i32
          %get3A_1165 = arith.index_cast %add3A_1164 : i32 to index
          %get3A_1166 = arith.constant 0 : index
          %get3A_1167 = tpu.vector_load %arg11[%get3A_1165, %get3A_1166] {strides = array<i32>} : memref<128x128xf32, #tpu.memory_space<vmem>>, vector<1x16xf32>,
          %get3A_1168 = vector.shape_cast %get3A_1167 : vector<1x16xf32> to vector<16xf32>
          %mul3A_1169 = vector.broadcast %squeeze3A_1160 : f32 to vector<16xf32>
          %mul3A_1170 = arith.mulf %get3A_1168, %mul3A_1169 : vector<16xf32>
          %swap3A_1171 = arith.index_cast %add3A_1164 : i32 to index
          %swap3A_1172 = arith.constant 0 : index
          %swap3A_1173 = tpu.vector_load %arg11[%swap3A_1171, %swap3A_1172] {strides = array<i32>} : memref<128x128xf32, #tpu.memory_space<vmem>>, vector<1x16xf32>,
          %swap3A_1174 = vector.shape_cast %swap3A_1173 : vector<1x16xf32> to vector<16xf32>
          %swap3A_1175 = vector.shape_cast %mul3A_1170 : vector<16xf32> to vector<1x16xf32>
          tpu.vector_store %arg11[%swap3A_1171, %swap3A_1172], %swap3A_1175 {strides = array<i32>} : memref<128x128xf32, #tpu.memory_space<vmem>>, vector<1x16xf32>,
          %get3A_1176 = arith.index_cast %add3A_1164 : i32 to index
          %get3A_1177 = arith.constant 16 : index
          %get3A_1178 = tpu.vector_load %arg11[%get3A_1176, %get3A_1177] {strides = array<i32>} : memref<128x128xf32, #tpu.memory_space<vmem>>, vector<1x16xf32>,
          %get3A_1179 = vector.shape_cast %get3A_1178 : vector<1x16xf32> to vector<16xf32>
          %mul3A_1180 = vector.broadcast %squeeze3A_1160 : f32 to vector<16xf32>
          %mul3A_1181 = arith.mulf %get3A_1179, %mul3A_1180 : vector<16xf32>
          %swap3A_1182 = arith.index_cast %add3A_1164 : i32 to index
          %swap3A_1183 = arith.constant 16 : index
          %swap3A_1184 = tpu.vector_load %arg11[%swap3A_1182, %swap3A_1183] {strides = array<i32>} : memref<128x128xf32, #tpu.memory_space<vmem>>, vector<1x16xf32>,
          %swap3A_1185 = vector.shape_cast %swap3A_1184 : vector<1x16xf32> to vector<16xf32>
          %swap3A_1186 = vector.shape_cast %mul3A_1181 : vector<16xf32> to vector<1x16xf32>
          tpu.vector_store %arg11[%swap3A_1182, %swap3A_1183], %swap3A_1186 {strides = array<i32>} : memref<128x128xf32, #tpu.memory_space<vmem>>, vector<1x16xf32>,
          %get3A_1187 = arith.index_cast %add3A_1164 : i32 to index
          %get3A_1188 = arith.constant 32 : index
          %get3A_1189 = tpu.vector_load %arg11[%get3A_1187, %get3A_1188] {strides = array<i32>} : memref<128x128xf32, #tpu.memory_space<vmem>>, vector<1x16xf32>,
          %get3A_1190 = vector.shape_cast %get3A_1189 : vector<1x16xf32> to vector<16xf32>
          %mul3A_1191 = vector.broadcast %squeeze3A_1160 : f32 to vector<16xf32>
          %mul3A_1192 = arith.mulf %get3A_1190, %mul3A_1191 : vector<16xf32>
          %swap3A_1193 = arith.index_cast %add3A_1164 : i32 to index
          %swap3A_1194 = arith.constant 32 : index
          %swap3A_1195 = tpu.vector_load %arg11[%swap3A_1193, %swap3A_1194] {strides = array<i32>} : memref<128x128xf32, #tpu.memory_space<vmem>>, vector<1x16xf32>,
          %swap3A_1196 = vector.shape_cast %swap3A_1195 : vector<1x16xf32> to vector<16xf32>
          %swap3A_1197 = vector.shape_cast %mul3A_1192 : vector<16xf32> to vector<1x16xf32>
          tpu.vector_store %arg11[%swap3A_1193, %swap3A_1194], %swap3A_1197 {strides = array<i32>} : memref<128x128xf32, #tpu.memory_space<vmem>>, vector<1x16xf32>,
          %get3A_1198 = arith.index_cast %add3A_1164 : i32 to index
          %get3A_1199 = arith.constant 48 : index
          %get3A_1200 = tpu.vector_load %arg11[%get3A_1198, %get3A_1199] {strides = array<i32>} : memref<128x128xf32, #tpu.memory_space<vmem>>, vector<1x16xf32>,
          %get3A_1201 = vector.shape_cast %get3A_1200 : vector<1x16xf32> to vector<16xf32>
          %mul3A_1202 = vector.broadcast %squeeze3A_1160 : f32 to vector<16xf32>
          %mul3A_1203 = arith.mulf %get3A_1201, %mul3A_1202 : vector<16xf32>
          %swap3A_1204 = arith.index_cast %add3A_1164 : i32 to index
          %swap3A_1205 = arith.constant 48 : index
          %swap3A_1206 = tpu.vector_load %arg11[%swap3A_1204, %swap3A_1205] {strides = array<i32>} : memref<128x128xf32, #tpu.memory_space<vmem>>, vector<1x16xf32>,
          %swap3A_1207 = vector.shape_cast %swap3A_1206 : vector<1x16xf32> to vector<16xf32>
          %swap3A_1208 = vector.shape_cast %mul3A_1203 : vector<16xf32> to vector<1x16xf32>
          tpu.vector_store %arg11[%swap3A_1204, %swap3A_1205], %swap3A_1208 {strides = array<i32>} : memref<128x128xf32, #tpu.memory_space<vmem>>, vector<1x16xf32>,
          %get3A_1209 = arith.index_cast %add3A_1164 : i32 to index
          %get3A_1210 = arith.constant 64 : index
          %get3A_1211 = tpu.vector_load %arg11[%get3A_1209, %get3A_1210] {strides = array<i32>} : memref<128x128xf32, #tpu.memory_space<vmem>>, vector<1x16xf32>,
          %get3A_1212 = vector.shape_cast %get3A_1211 : vector<1x16xf32> to vector<16xf32>
          %mul3A_1213 = vector.broadcast %squeeze3A_1160 : f32 to vector<16xf32>
          %mul3A_1214 = arith.mulf %get3A_1212, %mul3A_1213 : vector<16xf32>
          %swap3A_1215 = arith.index_cast %add3A_1164 : i32 to index
          %swap3A_1216 = arith.constant 64 : index
          %swap3A_1217 = tpu.vector_load %arg11[%swap3A_1215, %swap3A_1216] {strides = array<i32>} : memref<128x128xf32, #tpu.memory_space<vmem>>, vector<1x16xf32>,
          %swap3A_1218 = vector.shape_cast %swap3A_1217 : vector<1x16xf32> to vector<16xf32>
          %swap3A_1219 = vector.shape_cast %mul3A_1214 : vector<16xf32> to vector<1x16xf32>
          tpu.vector_store %arg11[%swap3A_1215, %swap3A_1216], %swap3A_1219 {strides = array<i32>} : memref<128x128xf32, #tpu.memory_space<vmem>>, vector<1x16xf32>,
          %get3A_1220 = arith.index_cast %add3A_1164 : i32 to index
          %get3A_1221 = arith.constant 80 : index
          %get3A_1222 = tpu.vector_load %arg11[%get3A_1220, %get3A_1221] {strides = array<i32>} : memref<128x128xf32, #tpu.memory_space<vmem>>, vector<1x16xf32>,
          %get3A_1223 = vector.shape_cast %get3A_1222 : vector<1x16xf32> to vector<16xf32>
          %mul3A_1224 = vector.broadcast %squeeze3A_1160 : f32 to vector<16xf32>
          %mul3A_1225 = arith.mulf %get3A_1223, %mul3A_1224 : vector<16xf32>
          %swap3A_1226 = arith.index_cast %add3A_1164 : i32 to index
          %swap3A_1227 = arith.constant 80 : index
          %swap3A_1228 = tpu.vector_load %arg11[%swap3A_1226, %swap3A_1227] {strides = array<i32>} : memref<128x128xf32, #tpu.memory_space<vmem>>, vector<1x16xf32>,
          %swap3A_1229 = vector.shape_cast %swap3A_1228 : vector<1x16xf32> to vector<16xf32>
          %swap3A_1230 = vector.shape_cast %mul3A_1225 : vector<16xf32> to vector<1x16xf32>
          tpu.vector_store %arg11[%swap3A_1226, %swap3A_1227], %swap3A_1230 {strides = array<i32>} : memref<128x128xf32, #tpu.memory_space<vmem>>, vector<1x16xf32>,
          %get3A_1231 = arith.index_cast %add3A_1164 : i32 to index
          %get3A_1232 = arith.constant 96 : index
          %get3A_1233 = tpu.vector_load %arg11[%get3A_1231, %get3A_1232] {strides = array<i32>} : memref<128x128xf32, #tpu.memory_space<vmem>>, vector<1x16xf32>,
          %get3A_1234 = vector.shape_cast %get3A_1233 : vector<1x16xf32> to vector<16xf32>
          %mul3A_1235 = vector.broadcast %squeeze3A_1160 : f32 to vector<16xf32>
          %mul3A_1236 = arith.mulf %get3A_1234, %mul3A_1235 : vector<16xf32>
          %swap3A_1237 = arith.index_cast %add3A_1164 : i32 to index
          %swap3A_1238 = arith.constant 96 : index
          %swap3A_1239 = tpu.vector_load %arg11[%swap3A_1237, %swap3A_1238] {strides = array<i32>} : memref<128x128xf32, #tpu.memory_space<vmem>>, vector<1x16xf32>,
          %swap3A_1240 = vector.shape_cast %swap3A_1239 : vector<1x16xf32> to vector<16xf32>
          %swap3A_1241 = vector.shape_cast %mul3A_1236 : vector<16xf32> to vector<1x16xf32>
          tpu.vector_store %arg11[%swap3A_1237, %swap3A_1238], %swap3A_1241 {strides = array<i32>} : memref<128x128xf32, #tpu.memory_space<vmem>>, vector<1x16xf32>,
          %get3A_1242 = arith.index_cast %add3A_1164 : i32 to index
          %get3A_1243 = arith.constant 112 : index
          %get3A_1244 = tpu.vector_load %arg11[%get3A_1242, %get3A_1243] {strides = array<i32>} : memref<128x128xf32, #tpu.memory_space<vmem>>, vector<1x16xf32>,
          %get3A_1245 = vector.shape_cast %get3A_1244 : vector<1x16xf32> to vector<16xf32>
          %mul3A_1246 = vector.broadcast %squeeze3A_1160 : f32 to vector<16xf32>
          %mul3A_1247 = arith.mulf %get3A_1245, %mul3A_1246 : vector<16xf32>
          %swap3A_1248 = arith.index_cast %add3A_1164 : i32 to index
          %swap3A_1249 = arith.constant 112 : index
          %swap3A_1250 = tpu.vector_load %arg11[%swap3A_1248, %swap3A_1249] {strides = array<i32>} : memref<128x128xf32, #tpu.memory_space<vmem>>, vector<1x16xf32>,
          %swap3A_1251 = vector.shape_cast %swap3A_1250 : vector<1x16xf32> to vector<16xf32>
          %swap3A_1252 = vector.shape_cast %mul3A_1247 : vector<16xf32> to vector<1x16xf32>
          tpu.vector_store %arg11[%swap3A_1248, %swap3A_1249], %swap3A_1252 {strides = array<i32>} : memref<128x128xf32, #tpu.memory_space<vmem>>, vector<1x16xf32>,
          %slice3A_1253 = vector.extract_strided_slice %get3A_33 {offsets = [13], sizes = [1], strides = [1]} : vector<16xf32> to vector<1xf32>
          %squeeze3A_1254 = vector.extract %slice3A_1253[0] : f32 from vector<1xf32>
          %mul3A_1255 = arith.constant 16 : i32
          %mul3A_1256 = arith.muli %add3A_29, %mul3A_1255 : i32
          %add3A_1257 = arith.constant 13 : i32
          %add3A_1258 = arith.addi %mul3A_1256, %add3A_1257 : i32
          %get3A_1259 = arith.index_cast %add3A_1258 : i32 to index
          %get3A_1260 = arith.constant 0 : index
          %get3A_1261 = tpu.vector_load %arg11[%get3A_1259, %get3A_1260] {strides = array<i32>} : memref<128x128xf32, #tpu.memory_space<vmem>>, vector<1x16xf32>,
          %get3A_1262 = vector.shape_cast %get3A_1261 : vector<1x16xf32> to vector<16xf32>
          %mul3A_1263 = vector.broadcast %squeeze3A_1254 : f32 to vector<16xf32>
          %mul3A_1264 = arith.mulf %get3A_1262, %mul3A_1263 : vector<16xf32>
          %swap3A_1265 = arith.index_cast %add3A_1258 : i32 to index
          %swap3A_1266 = arith.constant 0 : index
          %swap3A_1267 = tpu.vector_load %arg11[%swap3A_1265, %swap3A_1266] {strides = array<i32>} : memref<128x128xf32, #tpu.memory_space<vmem>>, vector<1x16xf32>,
          %swap3A_1268 = vector.shape_cast %swap3A_1267 : vector<1x16xf32> to vector<16xf32>
          %swap3A_1269 = vector.shape_cast %mul3A_1264 : vector<16xf32> to vector<1x16xf32>
          tpu.vector_store %arg11[%swap3A_1265, %swap3A_1266], %swap3A_1269 {strides = array<i32>} : memref<128x128xf32, #tpu.memory_space<vmem>>, vector<1x16xf32>,
          %get3A_1270 = arith.index_cast %add3A_1258 : i32 to index
          %get3A_1271 = arith.constant 16 : index
          %get3A_1272 = tpu.vector_load %arg11[%get3A_1270, %get3A_1271] {strides = array<i32>} : memref<128x128xf32, #tpu.memory_space<vmem>>, vector<1x16xf32>,
          %get3A_1273 = vector.shape_cast %get3A_1272 : vector<1x16xf32> to vector<16xf32>
          %mul3A_1274 = vector.broadcast %squeeze3A_1254 : f32 to vector<16xf32>
          %mul3A_1275 = arith.mulf %get3A_1273, %mul3A_1274 : vector<16xf32>
          %swap3A_1276 = arith.index_cast %add3A_1258 : i32 to index
          %swap3A_1277 = arith.constant 16 : index
          %swap3A_1278 = tpu.vector_load %arg11[%swap3A_1276, %swap3A_1277] {strides = array<i32>} : memref<128x128xf32, #tpu.memory_space<vmem>>, vector<1x16xf32>,
          %swap3A_1279 = vector.shape_cast %swap3A_1278 : vector<1x16xf32> to vector<16xf32>
          %swap3A_1280 = vector.shape_cast %mul3A_1275 : vector<16xf32> to vector<1x16xf32>
          tpu.vector_store %arg11[%swap3A_1276, %swap3A_1277], %swap3A_1280 {strides = array<i32>} : memref<128x128xf32, #tpu.memory_space<vmem>>, vector<1x16xf32>,
          %get3A_1281 = arith.index_cast %add3A_1258 : i32 to index
          %get3A_1282 = arith.constant 32 : index
          %get3A_1283 = tpu.vector_load %arg11[%get3A_1281, %get3A_1282] {strides = array<i32>} : memref<128x128xf32, #tpu.memory_space<vmem>>, vector<1x16xf32>,
          %get3A_1284 = vector.shape_cast %get3A_1283 : vector<1x16xf32> to vector<16xf32>
          %mul3A_1285 = vector.broadcast %squeeze3A_1254 : f32 to vector<16xf32>
          %mul3A_1286 = arith.mulf %get3A_1284, %mul3A_1285 : vector<16xf32>
          %swap3A_1287 = arith.index_cast %add3A_1258 : i32 to index
          %swap3A_1288 = arith.constant 32 : index
          %swap3A_1289 = tpu.vector_load %arg11[%swap3A_1287, %swap3A_1288] {strides = array<i32>} : memref<128x128xf32, #tpu.memory_space<vmem>>, vector<1x16xf32>,
          %swap3A_1290 = vector.shape_cast %swap3A_1289 : vector<1x16xf32> to vector<16xf32>
          %swap3A_1291 = vector.shape_cast %mul3A_1286 : vector<16xf32> to vector<1x16xf32>
          tpu.vector_store %arg11[%swap3A_1287, %swap3A_1288], %swap3A_1291 {strides = array<i32>} : memref<128x128xf32, #tpu.memory_space<vmem>>, vector<1x16xf32>,
          %get3A_1292 = arith.index_cast %add3A_1258 : i32 to index
          %get3A_1293 = arith.constant 48 : index
          %get3A_1294 = tpu.vector_load %arg11[%get3A_1292, %get3A_1293] {strides = array<i32>} : memref<128x128xf32, #tpu.memory_space<vmem>>, vector<1x16xf32>,
          %get3A_1295 = vector.shape_cast %get3A_1294 : vector<1x16xf32> to vector<16xf32>
          %mul3A_1296 = vector.broadcast %squeeze3A_1254 : f32 to vector<16xf32>
          %mul3A_1297 = arith.mulf %get3A_1295, %mul3A_1296 : vector<16xf32>
          %swap3A_1298 = arith.index_cast %add3A_1258 : i32 to index
          %swap3A_1299 = arith.constant 48 : index
          %swap3A_1300 = tpu.vector_load %arg11[%swap3A_1298, %swap3A_1299] {strides = array<i32>} : memref<128x128xf32, #tpu.memory_space<vmem>>, vector<1x16xf32>,
          %swap3A_1301 = vector.shape_cast %swap3A_1300 : vector<1x16xf32> to vector<16xf32>
          %swap3A_1302 = vector.shape_cast %mul3A_1297 : vector<16xf32> to vector<1x16xf32>
          tpu.vector_store %arg11[%swap3A_1298, %swap3A_1299], %swap3A_1302 {strides = array<i32>} : memref<128x128xf32, #tpu.memory_space<vmem>>, vector<1x16xf32>,
          %get3A_1303 = arith.index_cast %add3A_1258 : i32 to index
          %get3A_1304 = arith.constant 64 : index
          %get3A_1305 = tpu.vector_load %arg11[%get3A_1303, %get3A_1304] {strides = array<i32>} : memref<128x128xf32, #tpu.memory_space<vmem>>, vector<1x16xf32>,
          %get3A_1306 = vector.shape_cast %get3A_1305 : vector<1x16xf32> to vector<16xf32>
          %mul3A_1307 = vector.broadcast %squeeze3A_1254 : f32 to vector<16xf32>
          %mul3A_1308 = arith.mulf %get3A_1306, %mul3A_1307 : vector<16xf32>
          %swap3A_1309 = arith.index_cast %add3A_1258 : i32 to index
          %swap3A_1310 = arith.constant 64 : index
          %swap3A_1311 = tpu.vector_load %arg11[%swap3A_1309, %swap3A_1310] {strides = array<i32>} : memref<128x128xf32, #tpu.memory_space<vmem>>, vector<1x16xf32>,
          %swap3A_1312 = vector.shape_cast %swap3A_1311 : vector<1x16xf32> to vector<16xf32>
          %swap3A_1313 = vector.shape_cast %mul3A_1308 : vector<16xf32> to vector<1x16xf32>
          tpu.vector_store %arg11[%swap3A_1309, %swap3A_1310], %swap3A_1313 {strides = array<i32>} : memref<128x128xf32, #tpu.memory_space<vmem>>, vector<1x16xf32>,
          %get3A_1314 = arith.index_cast %add3A_1258 : i32 to index
          %get3A_1315 = arith.constant 80 : index
          %get3A_1316 = tpu.vector_load %arg11[%get3A_1314, %get3A_1315] {strides = array<i32>} : memref<128x128xf32, #tpu.memory_space<vmem>>, vector<1x16xf32>,
          %get3A_1317 = vector.shape_cast %get3A_1316 : vector<1x16xf32> to vector<16xf32>
          %mul3A_1318 = vector.broadcast %squeeze3A_1254 : f32 to vector<16xf32>
          %mul3A_1319 = arith.mulf %get3A_1317, %mul3A_1318 : vector<16xf32>
          %swap3A_1320 = arith.index_cast %add3A_1258 : i32 to index
          %swap3A_1321 = arith.constant 80 : index
          %swap3A_1322 = tpu.vector_load %arg11[%swap3A_1320, %swap3A_1321] {strides = array<i32>} : memref<128x128xf32, #tpu.memory_space<vmem>>, vector<1x16xf32>,
          %swap3A_1323 = vector.shape_cast %swap3A_1322 : vector<1x16xf32> to vector<16xf32>
          %swap3A_1324 = vector.shape_cast %mul3A_1319 : vector<16xf32> to vector<1x16xf32>
          tpu.vector_store %arg11[%swap3A_1320, %swap3A_1321], %swap3A_1324 {strides = array<i32>} : memref<128x128xf32, #tpu.memory_space<vmem>>, vector<1x16xf32>,
          %get3A_1325 = arith.index_cast %add3A_1258 : i32 to index
          %get3A_1326 = arith.constant 96 : index
          %get3A_1327 = tpu.vector_load %arg11[%get3A_1325, %get3A_1326] {strides = array<i32>} : memref<128x128xf32, #tpu.memory_space<vmem>>, vector<1x16xf32>,
          %get3A_1328 = vector.shape_cast %get3A_1327 : vector<1x16xf32> to vector<16xf32>
          %mul3A_1329 = vector.broadcast %squeeze3A_1254 : f32 to vector<16xf32>
          %mul3A_1330 = arith.mulf %get3A_1328, %mul3A_1329 : vector<16xf32>
          %swap3A_1331 = arith.index_cast %add3A_1258 : i32 to index
          %swap3A_1332 = arith.constant 96 : index
          %swap3A_1333 = tpu.vector_load %arg11[%swap3A_1331, %swap3A_1332] {strides = array<i32>} : memref<128x128xf32, #tpu.memory_space<vmem>>, vector<1x16xf32>,
          %swap3A_1334 = vector.shape_cast %swap3A_1333 : vector<1x16xf32> to vector<16xf32>
          %swap3A_1335 = vector.shape_cast %mul3A_1330 : vector<16xf32> to vector<1x16xf32>
          tpu.vector_store %arg11[%swap3A_1331, %swap3A_1332], %swap3A_1335 {strides = array<i32>} : memref<128x128xf32, #tpu.memory_space<vmem>>, vector<1x16xf32>,
          %get3A_1336 = arith.index_cast %add3A_1258 : i32 to index
          %get3A_1337 = arith.constant 112 : index
          %get3A_1338 = tpu.vector_load %arg11[%get3A_1336, %get3A_1337] {strides = array<i32>} : memref<128x128xf32, #tpu.memory_space<vmem>>, vector<1x16xf32>,
          %get3A_1339 = vector.shape_cast %get3A_1338 : vector<1x16xf32> to vector<16xf32>
          %mul3A_1340 = vector.broadcast %squeeze3A_1254 : f32 to vector<16xf32>
          %mul3A_1341 = arith.mulf %get3A_1339, %mul3A_1340 : vector<16xf32>
          %swap3A_1342 = arith.index_cast %add3A_1258 : i32 to index
          %swap3A_1343 = arith.constant 112 : index
          %swap3A_1344 = tpu.vector_load %arg11[%swap3A_1342, %swap3A_1343] {strides = array<i32>} : memref<128x128xf32, #tpu.memory_space<vmem>>, vector<1x16xf32>,
          %swap3A_1345 = vector.shape_cast %swap3A_1344 : vector<1x16xf32> to vector<16xf32>
          %swap3A_1346 = vector.shape_cast %mul3A_1341 : vector<16xf32> to vector<1x16xf32>
          tpu.vector_store %arg11[%swap3A_1342, %swap3A_1343], %swap3A_1346 {strides = array<i32>} : memref<128x128xf32, #tpu.memory_space<vmem>>, vector<1x16xf32>,
          %slice3A_1347 = vector.extract_strided_slice %get3A_33 {offsets = [14], sizes = [1], strides = [1]} : vector<16xf32> to vector<1xf32>
          %squeeze3A_1348 = vector.extract %slice3A_1347[0] : f32 from vector<1xf32>
          %mul3A_1349 = arith.constant 16 : i32
          %mul3A_1350 = arith.muli %add3A_29, %mul3A_1349 : i32
          %add3A_1351 = arith.constant 14 : i32
          %add3A_1352 = arith.addi %mul3A_1350, %add3A_1351 : i32
          %get3A_1353 = arith.index_cast %add3A_1352 : i32 to index
          %get3A_1354 = arith.constant 0 : index
          %get3A_1355 = tpu.vector_load %arg11[%get3A_1353, %get3A_1354] {strides = array<i32>} : memref<128x128xf32, #tpu.memory_space<vmem>>, vector<1x16xf32>,
          %get3A_1356 = vector.shape_cast %get3A_1355 : vector<1x16xf32> to vector<16xf32>
          %mul3A_1357 = vector.broadcast %squeeze3A_1348 : f32 to vector<16xf32>
          %mul3A_1358 = arith.mulf %get3A_1356, %mul3A_1357 : vector<16xf32>
          %swap3A_1359 = arith.index_cast %add3A_1352 : i32 to index
          %swap3A_1360 = arith.constant 0 : index
          %swap3A_1361 = tpu.vector_load %arg11[%swap3A_1359, %swap3A_1360] {strides = array<i32>} : memref<128x128xf32, #tpu.memory_space<vmem>>, vector<1x16xf32>,
          %swap3A_1362 = vector.shape_cast %swap3A_1361 : vector<1x16xf32> to vector<16xf32>
          %swap3A_1363 = vector.shape_cast %mul3A_1358 : vector<16xf32> to vector<1x16xf32>
          tpu.vector_store %arg11[%swap3A_1359, %swap3A_1360], %swap3A_1363 {strides = array<i32>} : memref<128x128xf32, #tpu.memory_space<vmem>>, vector<1x16xf32>,
          %get3A_1364 = arith.index_cast %add3A_1352 : i32 to index
          %get3A_1365 = arith.constant 16 : index
          %get3A_1366 = tpu.vector_load %arg11[%get3A_1364, %get3A_1365] {strides = array<i32>} : memref<128x128xf32, #tpu.memory_space<vmem>>, vector<1x16xf32>,
          %get3A_1367 = vector.shape_cast %get3A_1366 : vector<1x16xf32> to vector<16xf32>
          %mul3A_1368 = vector.broadcast %squeeze3A_1348 : f32 to vector<16xf32>
          %mul3A_1369 = arith.mulf %get3A_1367, %mul3A_1368 : vector<16xf32>
          %swap3A_1370 = arith.index_cast %add3A_1352 : i32 to index
          %swap3A_1371 = arith.constant 16 : index
          %swap3A_1372 = tpu.vector_load %arg11[%swap3A_1370, %swap3A_1371] {strides = array<i32>} : memref<128x128xf32, #tpu.memory_space<vmem>>, vector<1x16xf32>,
          %swap3A_1373 = vector.shape_cast %swap3A_1372 : vector<1x16xf32> to vector<16xf32>
          %swap3A_1374 = vector.shape_cast %mul3A_1369 : vector<16xf32> to vector<1x16xf32>
          tpu.vector_store %arg11[%swap3A_1370, %swap3A_1371], %swap3A_1374 {strides = array<i32>} : memref<128x128xf32, #tpu.memory_space<vmem>>, vector<1x16xf32>,
          %get3A_1375 = arith.index_cast %add3A_1352 : i32 to index
          %get3A_1376 = arith.constant 32 : index
          %get3A_1377 = tpu.vector_load %arg11[%get3A_1375, %get3A_1376] {strides = array<i32>} : memref<128x128xf32, #tpu.memory_space<vmem>>, vector<1x16xf32>,
          %get3A_1378 = vector.shape_cast %get3A_1377 : vector<1x16xf32> to vector<16xf32>
          %mul3A_1379 = vector.broadcast %squeeze3A_1348 : f32 to vector<16xf32>
          %mul3A_1380 = arith.mulf %get3A_1378, %mul3A_1379 : vector<16xf32>
          %swap3A_1381 = arith.index_cast %add3A_1352 : i32 to index
          %swap3A_1382 = arith.constant 32 : index
          %swap3A_1383 = tpu.vector_load %arg11[%swap3A_1381, %swap3A_1382] {strides = array<i32>} : memref<128x128xf32, #tpu.memory_space<vmem>>, vector<1x16xf32>,
          %swap3A_1384 = vector.shape_cast %swap3A_1383 : vector<1x16xf32> to vector<16xf32>
          %swap3A_1385 = vector.shape_cast %mul3A_1380 : vector<16xf32> to vector<1x16xf32>
          tpu.vector_store %arg11[%swap3A_1381, %swap3A_1382], %swap3A_1385 {strides = array<i32>} : memref<128x128xf32, #tpu.memory_space<vmem>>, vector<1x16xf32>,
          %get3A_1386 = arith.index_cast %add3A_1352 : i32 to index
          %get3A_1387 = arith.constant 48 : index
          %get3A_1388 = tpu.vector_load %arg11[%get3A_1386, %get3A_1387] {strides = array<i32>} : memref<128x128xf32, #tpu.memory_space<vmem>>, vector<1x16xf32>,
          %get3A_1389 = vector.shape_cast %get3A_1388 : vector<1x16xf32> to vector<16xf32>
          %mul3A_1390 = vector.broadcast %squeeze3A_1348 : f32 to vector<16xf32>
          %mul3A_1391 = arith.mulf %get3A_1389, %mul3A_1390 : vector<16xf32>
          %swap3A_1392 = arith.index_cast %add3A_1352 : i32 to index
          %swap3A_1393 = arith.constant 48 : index
          %swap3A_1394 = tpu.vector_load %arg11[%swap3A_1392, %swap3A_1393] {strides = array<i32>} : memref<128x128xf32, #tpu.memory_space<vmem>>, vector<1x16xf32>,
          %swap3A_1395 = vector.shape_cast %swap3A_1394 : vector<1x16xf32> to vector<16xf32>
          %swap3A_1396 = vector.shape_cast %mul3A_1391 : vector<16xf32> to vector<1x16xf32>
          tpu.vector_store %arg11[%swap3A_1392, %swap3A_1393], %swap3A_1396 {strides = array<i32>} : memref<128x128xf32, #tpu.memory_space<vmem>>, vector<1x16xf32>,
          %get3A_1397 = arith.index_cast %add3A_1352 : i32 to index
          %get3A_1398 = arith.constant 64 : index
          %get3A_1399 = tpu.vector_load %arg11[%get3A_1397, %get3A_1398] {strides = array<i32>} : memref<128x128xf32, #tpu.memory_space<vmem>>, vector<1x16xf32>,
          %get3A_1400 = vector.shape_cast %get3A_1399 : vector<1x16xf32> to vector<16xf32>
          %mul3A_1401 = vector.broadcast %squeeze3A_1348 : f32 to vector<16xf32>
          %mul3A_1402 = arith.mulf %get3A_1400, %mul3A_1401 : vector<16xf32>
          %swap3A_1403 = arith.index_cast %add3A_1352 : i32 to index
          %swap3A_1404 = arith.constant 64 : index
          %swap3A_1405 = tpu.vector_load %arg11[%swap3A_1403, %swap3A_1404] {strides = array<i32>} : memref<128x128xf32, #tpu.memory_space<vmem>>, vector<1x16xf32>,
          %swap3A_1406 = vector.shape_cast %swap3A_1405 : vector<1x16xf32> to vector<16xf32>
          %swap3A_1407 = vector.shape_cast %mul3A_1402 : vector<16xf32> to vector<1x16xf32>
          tpu.vector_store %arg11[%swap3A_1403, %swap3A_1404], %swap3A_1407 {strides = array<i32>} : memref<128x128xf32, #tpu.memory_space<vmem>>, vector<1x16xf32>,
          %get3A_1408 = arith.index_cast %add3A_1352 : i32 to index
          %get3A_1409 = arith.constant 80 : index
          %get3A_1410 = tpu.vector_load %arg11[%get3A_1408, %get3A_1409] {strides = array<i32>} : memref<128x128xf32, #tpu.memory_space<vmem>>, vector<1x16xf32>,
          %get3A_1411 = vector.shape_cast %get3A_1410 : vector<1x16xf32> to vector<16xf32>
          %mul3A_1412 = vector.broadcast %squeeze3A_1348 : f32 to vector<16xf32>
          %mul3A_1413 = arith.mulf %get3A_1411, %mul3A_1412 : vector<16xf32>
          %swap3A_1414 = arith.index_cast %add3A_1352 : i32 to index
          %swap3A_1415 = arith.constant 80 : index
          %swap3A_1416 = tpu.vector_load %arg11[%swap3A_1414, %swap3A_1415] {strides = array<i32>} : memref<128x128xf32, #tpu.memory_space<vmem>>, vector<1x16xf32>,
          %swap3A_1417 = vector.shape_cast %swap3A_1416 : vector<1x16xf32> to vector<16xf32>
          %swap3A_1418 = vector.shape_cast %mul3A_1413 : vector<16xf32> to vector<1x16xf32>
          tpu.vector_store %arg11[%swap3A_1414, %swap3A_1415], %swap3A_1418 {strides = array<i32>} : memref<128x128xf32, #tpu.memory_space<vmem>>, vector<1x16xf32>,
          %get3A_1419 = arith.index_cast %add3A_1352 : i32 to index
          %get3A_1420 = arith.constant 96 : index
          %get3A_1421 = tpu.vector_load %arg11[%get3A_1419, %get3A_1420] {strides = array<i32>} : memref<128x128xf32, #tpu.memory_space<vmem>>, vector<1x16xf32>,
          %get3A_1422 = vector.shape_cast %get3A_1421 : vector<1x16xf32> to vector<16xf32>
          %mul3A_1423 = vector.broadcast %squeeze3A_1348 : f32 to vector<16xf32>
          %mul3A_1424 = arith.mulf %get3A_1422, %mul3A_1423 : vector<16xf32>
          %swap3A_1425 = arith.index_cast %add3A_1352 : i32 to index
          %swap3A_1426 = arith.constant 96 : index
          %swap3A_1427 = tpu.vector_load %arg11[%swap3A_1425, %swap3A_1426] {strides = array<i32>} : memref<128x128xf32, #tpu.memory_space<vmem>>, vector<1x16xf32>,
          %swap3A_1428 = vector.shape_cast %swap3A_1427 : vector<1x16xf32> to vector<16xf32>
          %swap3A_1429 = vector.shape_cast %mul3A_1424 : vector<16xf32> to vector<1x16xf32>
          tpu.vector_store %arg11[%swap3A_1425, %swap3A_1426], %swap3A_1429 {strides = array<i32>} : memref<128x128xf32, #tpu.memory_space<vmem>>, vector<1x16xf32>,
          %get3A_1430 = arith.index_cast %add3A_1352 : i32 to index
          %get3A_1431 = arith.constant 112 : index
          %get3A_1432 = tpu.vector_load %arg11[%get3A_1430, %get3A_1431] {strides = array<i32>} : memref<128x128xf32, #tpu.memory_space<vmem>>, vector<1x16xf32>,
          %get3A_1433 = vector.shape_cast %get3A_1432 : vector<1x16xf32> to vector<16xf32>
          %mul3A_1434 = vector.broadcast %squeeze3A_1348 : f32 to vector<16xf32>
          %mul3A_1435 = arith.mulf %get3A_1433, %mul3A_1434 : vector<16xf32>
          %swap3A_1436 = arith.index_cast %add3A_1352 : i32 to index
          %swap3A_1437 = arith.constant 112 : index
          %swap3A_1438 = tpu.vector_load %arg11[%swap3A_1436, %swap3A_1437] {strides = array<i32>} : memref<128x128xf32, #tpu.memory_space<vmem>>, vector<1x16xf32>,
          %swap3A_1439 = vector.shape_cast %swap3A_1438 : vector<1x16xf32> to vector<16xf32>
          %swap3A_1440 = vector.shape_cast %mul3A_1435 : vector<16xf32> to vector<1x16xf32>
          tpu.vector_store %arg11[%swap3A_1436, %swap3A_1437], %swap3A_1440 {strides = array<i32>} : memref<128x128xf32, #tpu.memory_space<vmem>>, vector<1x16xf32>,
          %slice3A_1441 = vector.extract_strided_slice %get3A_33 {offsets = [15], sizes = [1], strides = [1]} : vector<16xf32> to vector<1xf32>
          %squeeze3A_1442 = vector.extract %slice3A_1441[0] : f32 from vector<1xf32>
          %mul3A_1443 = arith.constant 16 : i32
          %mul3A_1444 = arith.muli %add3A_29, %mul3A_1443 : i32
          %add3A_1445 = arith.constant 15 : i32
          %add3A_1446 = arith.addi %mul3A_1444, %add3A_1445 : i32
          %get3A_1447 = arith.index_cast %add3A_1446 : i32 to index
          %get3A_1448 = arith.constant 0 : index
          %get3A_1449 = tpu.vector_load %arg11[%get3A_1447, %get3A_1448] {strides = array<i32>} : memref<128x128xf32, #tpu.memory_space<vmem>>, vector<1x16xf32>,
          %get3A_1450 = vector.shape_cast %get3A_1449 : vector<1x16xf32> to vector<16xf32>
          %mul3A_1451 = vector.broadcast %squeeze3A_1442 : f32 to vector<16xf32>
          %mul3A_1452 = arith.mulf %get3A_1450, %mul3A_1451 : vector<16xf32>
          %swap3A_1453 = arith.index_cast %add3A_1446 : i32 to index
          %swap3A_1454 = arith.constant 0 : index
          %swap3A_1455 = tpu.vector_load %arg11[%swap3A_1453, %swap3A_1454] {strides = array<i32>} : memref<128x128xf32, #tpu.memory_space<vmem>>, vector<1x16xf32>,
          %swap3A_1456 = vector.shape_cast %swap3A_1455 : vector<1x16xf32> to vector<16xf32>
          %swap3A_1457 = vector.shape_cast %mul3A_1452 : vector<16xf32> to vector<1x16xf32>
          tpu.vector_store %arg11[%swap3A_1453, %swap3A_1454], %swap3A_1457 {strides = array<i32>} : memref<128x128xf32, #tpu.memory_space<vmem>>, vector<1x16xf32>,
          %get3A_1458 = arith.index_cast %add3A_1446 : i32 to index
          %get3A_1459 = arith.constant 16 : index
          %get3A_1460 = tpu.vector_load %arg11[%get3A_1458, %get3A_1459] {strides = array<i32>} : memref<128x128xf32, #tpu.memory_space<vmem>>, vector<1x16xf32>,
          %get3A_1461 = vector.shape_cast %get3A_1460 : vector<1x16xf32> to vector<16xf32>
          %mul3A_1462 = vector.broadcast %squeeze3A_1442 : f32 to vector<16xf32>
          %mul3A_1463 = arith.mulf %get3A_1461, %mul3A_1462 : vector<16xf32>
          %swap3A_1464 = arith.index_cast %add3A_1446 : i32 to index
          %swap3A_1465 = arith.constant 16 : index
          %swap3A_1466 = tpu.vector_load %arg11[%swap3A_1464, %swap3A_1465] {strides = array<i32>} : memref<128x128xf32, #tpu.memory_space<vmem>>, vector<1x16xf32>,
          %swap3A_1467 = vector.shape_cast %swap3A_1466 : vector<1x16xf32> to vector<16xf32>
          %swap3A_1468 = vector.shape_cast %mul3A_1463 : vector<16xf32> to vector<1x16xf32>
          tpu.vector_store %arg11[%swap3A_1464, %swap3A_1465], %swap3A_1468 {strides = array<i32>} : memref<128x128xf32, #tpu.memory_space<vmem>>, vector<1x16xf32>,
          %get3A_1469 = arith.index_cast %add3A_1446 : i32 to index
          %get3A_1470 = arith.constant 32 : index
          %get3A_1471 = tpu.vector_load %arg11[%get3A_1469, %get3A_1470] {strides = array<i32>} : memref<128x128xf32, #tpu.memory_space<vmem>>, vector<1x16xf32>,
          %get3A_1472 = vector.shape_cast %get3A_1471 : vector<1x16xf32> to vector<16xf32>
          %mul3A_1473 = vector.broadcast %squeeze3A_1442 : f32 to vector<16xf32>
          %mul3A_1474 = arith.mulf %get3A_1472, %mul3A_1473 : vector<16xf32>
          %swap3A_1475 = arith.index_cast %add3A_1446 : i32 to index
          %swap3A_1476 = arith.constant 32 : index
          %swap3A_1477 = tpu.vector_load %arg11[%swap3A_1475, %swap3A_1476] {strides = array<i32>} : memref<128x128xf32, #tpu.memory_space<vmem>>, vector<1x16xf32>,
          %swap3A_1478 = vector.shape_cast %swap3A_1477 : vector<1x16xf32> to vector<16xf32>
          %swap3A_1479 = vector.shape_cast %mul3A_1474 : vector<16xf32> to vector<1x16xf32>
          tpu.vector_store %arg11[%swap3A_1475, %swap3A_1476], %swap3A_1479 {strides = array<i32>} : memref<128x128xf32, #tpu.memory_space<vmem>>, vector<1x16xf32>,
          %get3A_1480 = arith.index_cast %add3A_1446 : i32 to index
          %get3A_1481 = arith.constant 48 : index
          %get3A_1482 = tpu.vector_load %arg11[%get3A_1480, %get3A_1481] {strides = array<i32>} : memref<128x128xf32, #tpu.memory_space<vmem>>, vector<1x16xf32>,
          %get3A_1483 = vector.shape_cast %get3A_1482 : vector<1x16xf32> to vector<16xf32>
          %mul3A_1484 = vector.broadcast %squeeze3A_1442 : f32 to vector<16xf32>
          %mul3A_1485 = arith.mulf %get3A_1483, %mul3A_1484 : vector<16xf32>
          %swap3A_1486 = arith.index_cast %add3A_1446 : i32 to index
          %swap3A_1487 = arith.constant 48 : index
          %swap3A_1488 = tpu.vector_load %arg11[%swap3A_1486, %swap3A_1487] {strides = array<i32>} : memref<128x128xf32, #tpu.memory_space<vmem>>, vector<1x16xf32>,
          %swap3A_1489 = vector.shape_cast %swap3A_1488 : vector<1x16xf32> to vector<16xf32>
          %swap3A_1490 = vector.shape_cast %mul3A_1485 : vector<16xf32> to vector<1x16xf32>
          tpu.vector_store %arg11[%swap3A_1486, %swap3A_1487], %swap3A_1490 {strides = array<i32>} : memref<128x128xf32, #tpu.memory_space<vmem>>, vector<1x16xf32>,
          %get3A_1491 = arith.index_cast %add3A_1446 : i32 to index
          %get3A_1492 = arith.constant 64 : index
          %get3A_1493 = tpu.vector_load %arg11[%get3A_1491, %get3A_1492] {strides = array<i32>} : memref<128x128xf32, #tpu.memory_space<vmem>>, vector<1x16xf32>,
          %get3A_1494 = vector.shape_cast %get3A_1493 : vector<1x16xf32> to vector<16xf32>
          %mul3A_1495 = vector.broadcast %squeeze3A_1442 : f32 to vector<16xf32>
          %mul3A_1496 = arith.mulf %get3A_1494, %mul3A_1495 : vector<16xf32>
          %swap3A_1497 = arith.index_cast %add3A_1446 : i32 to index
          %swap3A_1498 = arith.constant 64 : index
          %swap3A_1499 = tpu.vector_load %arg11[%swap3A_1497, %swap3A_1498] {strides = array<i32>} : memref<128x128xf32, #tpu.memory_space<vmem>>, vector<1x16xf32>,
          %swap3A_1500 = vector.shape_cast %swap3A_1499 : vector<1x16xf32> to vector<16xf32>
          %swap3A_1501 = vector.shape_cast %mul3A_1496 : vector<16xf32> to vector<1x16xf32>
          tpu.vector_store %arg11[%swap3A_1497, %swap3A_1498], %swap3A_1501 {strides = array<i32>} : memref<128x128xf32, #tpu.memory_space<vmem>>, vector<1x16xf32>,
          %get3A_1502 = arith.index_cast %add3A_1446 : i32 to index
          %get3A_1503 = arith.constant 80 : index
          %get3A_1504 = tpu.vector_load %arg11[%get3A_1502, %get3A_1503] {strides = array<i32>} : memref<128x128xf32, #tpu.memory_space<vmem>>, vector<1x16xf32>,
          %get3A_1505 = vector.shape_cast %get3A_1504 : vector<1x16xf32> to vector<16xf32>
          %mul3A_1506 = vector.broadcast %squeeze3A_1442 : f32 to vector<16xf32>
          %mul3A_1507 = arith.mulf %get3A_1505, %mul3A_1506 : vector<16xf32>
          %swap3A_1508 = arith.index_cast %add3A_1446 : i32 to index
          %swap3A_1509 = arith.constant 80 : index
          %swap3A_1510 = tpu.vector_load %arg11[%swap3A_1508, %swap3A_1509] {strides = array<i32>} : memref<128x128xf32, #tpu.memory_space<vmem>>, vector<1x16xf32>,
          %swap3A_1511 = vector.shape_cast %swap3A_1510 : vector<1x16xf32> to vector<16xf32>
          %swap3A_1512 = vector.shape_cast %mul3A_1507 : vector<16xf32> to vector<1x16xf32>
          tpu.vector_store %arg11[%swap3A_1508, %swap3A_1509], %swap3A_1512 {strides = array<i32>} : memref<128x128xf32, #tpu.memory_space<vmem>>, vector<1x16xf32>,
          %get3A_1513 = arith.index_cast %add3A_1446 : i32 to index
          %get3A_1514 = arith.constant 96 : index
          %get3A_1515 = tpu.vector_load %arg11[%get3A_1513, %get3A_1514] {strides = array<i32>} : memref<128x128xf32, #tpu.memory_space<vmem>>, vector<1x16xf32>,
          %get3A_1516 = vector.shape_cast %get3A_1515 : vector<1x16xf32> to vector<16xf32>
          %mul3A_1517 = vector.broadcast %squeeze3A_1442 : f32 to vector<16xf32>
          %mul3A_1518 = arith.mulf %get3A_1516, %mul3A_1517 : vector<16xf32>
          %swap3A_1519 = arith.index_cast %add3A_1446 : i32 to index
          %swap3A_1520 = arith.constant 96 : index
          %swap3A_1521 = tpu.vector_load %arg11[%swap3A_1519, %swap3A_1520] {strides = array<i32>} : memref<128x128xf32, #tpu.memory_space<vmem>>, vector<1x16xf32>,
          %swap3A_1522 = vector.shape_cast %swap3A_1521 : vector<1x16xf32> to vector<16xf32>
          %swap3A_1523 = vector.shape_cast %mul3A_1518 : vector<16xf32> to vector<1x16xf32>
          tpu.vector_store %arg11[%swap3A_1519, %swap3A_1520], %swap3A_1523 {strides = array<i32>} : memref<128x128xf32, #tpu.memory_space<vmem>>, vector<1x16xf32>,
          %get3A_1524 = arith.index_cast %add3A_1446 : i32 to index
          %get3A_1525 = arith.constant 112 : index
          %get3A_1526 = tpu.vector_load %arg11[%get3A_1524, %get3A_1525] {strides = array<i32>} : memref<128x128xf32, #tpu.memory_space<vmem>>, vector<1x16xf32>,
          %get3A_1527 = vector.shape_cast %get3A_1526 : vector<1x16xf32> to vector<16xf32>
          %mul3A_1528 = vector.broadcast %squeeze3A_1442 : f32 to vector<16xf32>
          %mul3A_1529 = arith.mulf %get3A_1527, %mul3A_1528 : vector<16xf32>
          %swap3A_1530 = arith.index_cast %add3A_1446 : i32 to index
          %swap3A_1531 = arith.constant 112 : index
          %swap3A_1532 = tpu.vector_load %arg11[%swap3A_1530, %swap3A_1531] {strides = array<i32>} : memref<128x128xf32, #tpu.memory_space<vmem>>, vector<1x16xf32>,
          %swap3A_1533 = vector.shape_cast %swap3A_1532 : vector<1x16xf32> to vector<16xf32>
          %swap3A_1534 = vector.shape_cast %mul3A_1529 : vector<16xf32> to vector<1x16xf32>
          tpu.vector_store %arg11[%swap3A_1530, %swap3A_1531], %swap3A_1534 {strides = array<i32>} : memref<128x128xf32, #tpu.memory_space<vmem>>, vector<1x16xf32>,
        }
        %scan3A_24 = arith.constant 8 : i32
        "tpu.region"() ({
          %run_scoped3A = tpu.sem_alloc : memref<!tpu.dma_semaphore, #tpu.memory_space<semaphore_mem>>
          %dma_start3A = arith.constant 0 : i32
          %dma_start3A_25 = arith.constant 0 : i32
          %dma_start3A_26 = tpu.memref_slice %arg12[%dma_start3A, %dma_start3A_25] : memref<10240x128xf32, #tpu.memory_space<vmem_shared>> -> memref<10240x128xf32, #tpu.memory_space<vmem_shared>>
          tpu.enqueue_indirect_dma source(%arg11 : memref<128x128xf32, #tpu.memory_space<vmem>>) target(%dma_start3A_26 : memref<10240x128xf32, #tpu.memory_space<vmem_shared>>) offsets(%arg9 : memref<128xi32, #tpu.memory_space<vmem>>) semaphore(%run_scoped3A : memref<!tpu.dma_semaphore, #tpu.memory_space<semaphore_mem>>) {add = true}
          %dma_wait3A = arith.constant 0 : i32
          %dma_wait3A_27 = arith.constant 0 : i32
          %dma_wait3A_28 = tpu.memref_slice %arg12[%dma_wait3A, %dma_wait3A_27] : memref<10240x128xf32, #tpu.memory_space<vmem_shared>> -> memref<10240x128xf32, #tpu.memory_space<vmem_shared>>
          tpu.wait_indirect_dma semaphore(%run_scoped3A : memref<!tpu.dma_semaphore, #tpu.memory_space<semaphore_mem>>) src(%arg11 : memref<128x128xf32, #tpu.memory_space<vmem>>) dst(%dma_wait3A_28 : memref<10240x128xf32, #tpu.memory_space<vmem_shared>>)
          tpu.yield
        }) : () -> ()
      } else {
      }
    }
    %scan3A_6 = arith.constant 79 : i32
    %barrier3A_7 = arith.constant 0 : index
    tpu.barrier barrier_id(%barrier3A_7)
    "tpu.region"() ({
      %run_scoped3A = tpu.sem_alloc : memref<!tpu.dma_semaphore, #tpu.memory_space<semaphore_mem>>
      %dma_start3A = arith.constant 0 : i32
      %dma_start3A_8 = arith.constant 0 : i32
      %dma_start3A_9 = tpu.memref_slice %arg7[%arg0, %dma_start3A, %dma_start3A_8] : memref<2x10240x128xf32, #tpu.memory_space<hbm>> -> memref<1x10240x128xf32, #tpu.memory_space<hbm>>
      %dma_start3A_10 = tpu.memref_squeeze %dma_start3A_9 : memref<1x10240x128xf32, #tpu.memory_space<hbm>> -> memref<10240x128xf32, #tpu.memory_space<hbm>>
      %dma_start3A_11 = arith.constant 0 : i32
      %dma_start3A_12 = tpu.memref_slice %dma_start3A_10[%mul3A_2, %dma_start3A_11] : memref<10240x128xf32, #tpu.memory_space<hbm>> -> memref<640x128xf32, #tpu.memory_space<hbm>>
      %dma_start3A_13 = arith.constant 0 : i32
      %dma_start3A_14 = tpu.memref_slice %arg12[%mul3A_2, %dma_start3A_13] : memref<10240x128xf32, #tpu.memory_space<vmem_shared>> -> memref<640x128xf32, #tpu.memory_space<vmem_shared>>
      tpu.enqueue_dma source(%dma_start3A_14 : memref<640x128xf32, #tpu.memory_space<vmem_shared>>) target(%dma_start3A_12 : memref<640x128xf32, #tpu.memory_space<hbm>>) target_semaphore(%run_scoped3A : memref<!tpu.dma_semaphore, #tpu.memory_space<semaphore_mem>>)
      %dma_wait3A = arith.constant 0 : i32
      %dma_wait3A_15 = arith.constant 0 : i32
      %dma_wait3A_16 = tpu.memref_slice %arg7[%arg0, %dma_wait3A, %dma_wait3A_15] : memref<2x10240x128xf32, #tpu.memory_space<hbm>> -> memref<1x10240x128xf32, #tpu.memory_space<hbm>>
      %dma_wait3A_17 = tpu.memref_squeeze %dma_wait3A_16 : memref<1x10240x128xf32, #tpu.memory_space<hbm>> -> memref<10240x128xf32, #tpu.memory_space<hbm>>
      %dma_wait3A_18 = arith.constant 0 : i32
      %dma_wait3A_19 = tpu.memref_slice %dma_wait3A_17[%mul3A_2, %dma_wait3A_18] : memref<10240x128xf32, #tpu.memory_space<hbm>> -> memref<640x128xf32, #tpu.memory_space<hbm>>
      %dma_wait3A_20 = arith.constant 0 : i32
      %dma_wait3A_21 = tpu.memref_slice %arg12[%mul3A_2, %dma_wait3A_20] : memref<10240x128xf32, #tpu.memory_space<vmem_shared>> -> memref<640x128xf32, #tpu.memory_space<vmem_shared>>
      tpu.wait_dma2 semaphore(%run_scoped3A : memref<!tpu.dma_semaphore, #tpu.memory_space<semaphore_mem>>) src(%dma_wait3A_21 : memref<640x128xf32, #tpu.memory_space<vmem_shared>>) dst(%dma_wait3A_19 : memref<640x128xf32, #tpu.memory_space<hbm>>)
      tpu.yield
    }) : () -> ()
    return
  }
}

module attributes {stable_mosaic.version = 14 : i64} {
  func.func @body(%arg0: i32, %arg1: memref<2x400x128xf32, #tpu.memory_space<vmem>>, %arg2: memref<400x128xf32, #tpu.memory_space<vmem>>, %arg3: memref<128x1xf32, #tpu.memory_space<vmem>>, %arg4: memref<128x1xf32, #tpu.memory_space<vmem>>, %arg5: memref<400x128xf32, #tpu.memory_space<vmem>>, %arg6: memref<400x1xf32, #tpu.memory_space<vmem>>, %arg7: memref<400x1xf32, #tpu.memory_space<vmem>>) attributes {dimension_semantics = [#tpu.dimension_semantics<arbitrary>], iteration_bounds = array<i64: 25>, scalar_prefetch = 0 : i64, scratch_operands = 0 : i64, tpu.core_type = #tpu.core_type<tc>, window_params = [{transform_indices = @transform_0, window_bounds = array<i64: 2, 400, 128>}, {transform_indices = @transform_1, window_bounds = array<i64: 400, 128>}, {pipeline_mode = #tpu.pipeline_mode<synchronous>, transform_indices = @transform_2, window_bounds = array<i64: 128, 1>}, {pipeline_mode = #tpu.pipeline_mode<synchronous>, transform_indices = @transform_3, window_bounds = array<i64: 128, 1>}, {transform_indices = @transform_4, window_bounds = array<i64: 400, 128>}, {transform_indices = @transform_5, window_bounds = array<i64: 400, 1>}, {transform_indices = @transform_6, window_bounds = array<i64: 400, 1>}]} {
    %get3A = arith.constant 0 : index
    %get3A_0 = arith.constant 0 : index
    %get3A_1 = arith.constant 0 : index
    %get3A_2 = vector.load %arg1[%get3A, %get3A_0, %get3A_1] : memref<2x400x128xf32, #tpu.memory_space<vmem>>, vector<1x400x128xf32>
    %get3A_3 = vector.shape_cast %get3A_2 : vector<1x400x128xf32> to vector<400x128xf32>
    %get3A_4 = arith.constant 1 : index
    %get3A_5 = arith.constant 0 : index
    %get3A_6 = arith.constant 0 : index
    %get3A_7 = vector.load %arg1[%get3A_4, %get3A_5, %get3A_6] : memref<2x400x128xf32, #tpu.memory_space<vmem>>, vector<1x400x128xf32>
    %get3A_8 = vector.shape_cast %get3A_7 : vector<1x400x128xf32> to vector<400x128xf32>
    %add3A = arith.addf %get3A_3, %get3A_8 : vector<400x128xf32>
    %get3A_9 = arith.constant 0 : index
    %get3A_10 = arith.constant 0 : index
    %get3A_11 = vector.load %arg4[%get3A_9, %get3A_10] : memref<128x1xf32, #tpu.memory_space<vmem>>, vector<128x1xf32>
    %dot_general3A = arith.constant dense<0.000000e+00> : vector<400x1xf32>
    %dot_general3A_12 = tpu.matmul %add3A, %get3A_11, %dot_general3A {dimension_numbers = #tpu.dot_dimension_numbers<[1], [0], [0], [1], [0, 0, 1, 1], [], []>, transpose_lhs_hint = false} : vector<400x128xf32>, vector<128x1xf32>, vector<400x1xf32> -> vector<400x1xf32>
    %exp3A = math.exp %dot_general3A_12 : vector<400x1xf32>
    %mul3A = vector.broadcast %exp3A : vector<400x1xf32> to vector<400x128xf32>
    %mul3A_13 = arith.mulf %add3A, %mul3A : vector<400x128xf32>
    %swap3A = arith.constant 0 : index
    %swap3A_14 = arith.constant 0 : index
    %swap3A_15 = vector.load %arg5[%swap3A, %swap3A_14] : memref<400x128xf32, #tpu.memory_space<vmem>>, vector<400x128xf32>
    tpu.vector_store %arg5[%swap3A, %swap3A_14], %mul3A_13 {strides = array<i32>} : memref<400x128xf32, #tpu.memory_space<vmem>>, vector<400x128xf32>,
    %swap3A_16 = arith.constant 0 : index
    %swap3A_17 = arith.constant 0 : index
    %swap3A_18 = vector.load %arg6[%swap3A_16, %swap3A_17] : memref<400x1xf32, #tpu.memory_space<vmem>>, vector<400x1xf32>
    tpu.vector_store %arg6[%swap3A_16, %swap3A_17], %exp3A {strides = array<i32>} : memref<400x1xf32, #tpu.memory_space<vmem>>, vector<400x1xf32>,
    %get3A_19 = arith.constant 0 : index
    %get3A_20 = arith.constant 0 : index
    %get3A_21 = vector.load %arg2[%get3A_19, %get3A_20] : memref<400x128xf32, #tpu.memory_space<vmem>>, vector<400x128xf32>
    %get3A_22 = arith.constant 0 : index
    %get3A_23 = arith.constant 0 : index
    %get3A_24 = vector.load %arg3[%get3A_22, %get3A_23] : memref<128x1xf32, #tpu.memory_space<vmem>>, vector<128x1xf32>
    %dot_general3A_25 = arith.constant dense<0.000000e+00> : vector<400x1xf32>
    %dot_general3A_26 = tpu.matmul %get3A_21, %get3A_24, %dot_general3A_25 {dimension_numbers = #tpu.dot_dimension_numbers<[1], [0], [0], [1], [0, 0, 1, 1], [], []>, transpose_lhs_hint = false} : vector<400x128xf32>, vector<128x1xf32>, vector<400x1xf32> -> vector<400x1xf32>
    %neg3A = arith.constant 0.000000e+00 : f32
    %neg3A_27 = vector.broadcast %neg3A : f32 to vector<400x1xf32>
    %neg3A_28 = arith.subf %neg3A_27, %dot_general3A_26 : vector<400x1xf32>
    %exp3A_29 = math.exp %neg3A_28 : vector<400x1xf32>
    %mul3A_30 = arith.constant 1.000000e-16 : f32
    %mul3A_31 = vector.broadcast %mul3A_30 : f32 to vector<400x1xf32>
    %mul3A_32 = arith.mulf %mul3A_31, %exp3A_29 : vector<400x1xf32>
    %swap3A_33 = arith.constant 0 : index
    %swap3A_34 = arith.constant 0 : index
    %swap3A_35 = vector.load %arg7[%swap3A_33, %swap3A_34] : memref<400x1xf32, #tpu.memory_space<vmem>>, vector<400x1xf32>
    tpu.vector_store %arg7[%swap3A_33, %swap3A_34], %mul3A_32 {strides = array<i32>} : memref<400x1xf32, #tpu.memory_space<vmem>>, vector<400x1xf32>,
    return
  }
  func.func @transform_0(%arg0: i32) -> (i32, i32, i32) {
    %c0_i32 = arith.constant 0 : i32
    %c0_i32_0 = arith.constant 0 : i32
    %c0_i32_1 = arith.constant 0 : i32
    return %c0_i32, %arg0, %c0_i32_0 : i32, i32, i32
  }
  func.func @transform_1(%arg0: i32) -> (i32, i32) {
    %c0_i32 = arith.constant 0 : i32
    %c0_i32_0 = arith.constant 0 : i32
    return %arg0, %c0_i32 : i32, i32
  }
  func.func @transform_2(%arg0: i32) -> (i32, i32) {
    %c0_i32 = arith.constant 0 : i32
    %c0_i32_0 = arith.constant 0 : i32
    %c0_i32_1 = arith.constant 0 : i32
    return %c0_i32, %c0_i32_0 : i32, i32
  }
  func.func @transform_3(%arg0: i32) -> (i32, i32) {
    %c0_i32 = arith.constant 0 : i32
    %c0_i32_0 = arith.constant 0 : i32
    %c0_i32_1 = arith.constant 0 : i32
    return %c0_i32, %c0_i32_0 : i32, i32
  }
  func.func @transform_4(%arg0: i32) -> (i32, i32) {
    %c0_i32 = arith.constant 0 : i32
    %c0_i32_0 = arith.constant 0 : i32
    return %arg0, %c0_i32 : i32, i32
  }
  func.func @transform_5(%arg0: i32) -> (i32, i32) {
    %c0_i32 = arith.constant 0 : i32
    %c0_i32_0 = arith.constant 0 : i32
    return %arg0, %c0_i32 : i32, i32
  }
  func.func @transform_6(%arg0: i32) -> (i32, i32) {
    %c0_i32 = arith.constant 0 : i32
    %c0_i32_0 = arith.constant 0 : i32
    return %arg0, %c0_i32 : i32, i32
  }
}

module attributes {stable_mosaic.version = 14 : i64} {
  func.func @body(%arg0: i32, %arg1: memref<2x400x128xf32, #tpu.memory_space<vmem>>, %arg2: memref<2x400x1xf32, #tpu.memory_space<vmem>>, %arg3: memref<400x1xf32, #tpu.memory_space<vmem>>, %arg4: memref<400x128xf32, #tpu.memory_space<vmem>>) attributes {dimension_semantics = [#tpu.dimension_semantics<arbitrary>], iteration_bounds = array<i64: 25>, scalar_prefetch = 0 : i64, scratch_operands = 0 : i64, tpu.core_type = #tpu.core_type<tc>, window_params = [{transform_indices = @transform_0, window_bounds = array<i64: 2, 400, 128>}, {transform_indices = @transform_1, window_bounds = array<i64: 2, 400, 1>}, {transform_indices = @transform_2, window_bounds = array<i64: 400, 1>}, {transform_indices = @transform_3, window_bounds = array<i64: 400, 128>}]} {
    %get3A = arith.constant 0 : index
    %get3A_0 = arith.constant 0 : index
    %get3A_1 = arith.constant 0 : index
    %get3A_2 = vector.load %arg1[%get3A, %get3A_0, %get3A_1] : memref<2x400x128xf32, #tpu.memory_space<vmem>>, vector<1x400x128xf32>
    %get3A_3 = vector.shape_cast %get3A_2 : vector<1x400x128xf32> to vector<400x128xf32>
    %get3A_4 = arith.constant 1 : index
    %get3A_5 = arith.constant 0 : index
    %get3A_6 = arith.constant 0 : index
    %get3A_7 = vector.load %arg1[%get3A_4, %get3A_5, %get3A_6] : memref<2x400x128xf32, #tpu.memory_space<vmem>>, vector<1x400x128xf32>
    %get3A_8 = vector.shape_cast %get3A_7 : vector<1x400x128xf32> to vector<400x128xf32>
    %add3A = arith.addf %get3A_3, %get3A_8 : vector<400x128xf32>
    %get3A_9 = arith.constant 0 : index
    %get3A_10 = arith.constant 0 : index
    %get3A_11 = arith.constant 0 : index
    %get3A_12 = vector.load %arg2[%get3A_9, %get3A_10, %get3A_11] : memref<2x400x1xf32, #tpu.memory_space<vmem>>, vector<1x400x1xf32>
    %get3A_13 = vector.shape_cast %get3A_12 : vector<1x400x1xf32> to vector<400x1xf32>
    %get3A_14 = arith.constant 1 : index
    %get3A_15 = arith.constant 0 : index
    %get3A_16 = arith.constant 0 : index
    %get3A_17 = vector.load %arg2[%get3A_14, %get3A_15, %get3A_16] : memref<2x400x1xf32, #tpu.memory_space<vmem>>, vector<1x400x1xf32>
    %get3A_18 = vector.shape_cast %get3A_17 : vector<1x400x1xf32> to vector<400x1xf32>
    %add3A_19 = arith.addf %get3A_13, %get3A_18 : vector<400x1xf32>
    %get3A_20 = arith.constant 0 : index
    %get3A_21 = arith.constant 0 : index
    %get3A_22 = vector.load %arg3[%get3A_20, %get3A_21] : memref<400x1xf32, #tpu.memory_space<vmem>>, vector<400x1xf32>
    %add3A_23 = arith.addf %add3A_19, %get3A_22 : vector<400x1xf32>
    %div3A = vector.broadcast %add3A_23 : vector<400x1xf32> to vector<400x128xf32>
    %div3A_24 = arith.divf %add3A, %div3A : vector<400x128xf32>
    %swap3A = arith.constant 0 : index
    %swap3A_25 = arith.constant 0 : index
    %swap3A_26 = vector.load %arg4[%swap3A, %swap3A_25] : memref<400x128xf32, #tpu.memory_space<vmem>>, vector<400x128xf32>
    tpu.vector_store %arg4[%swap3A, %swap3A_25], %div3A_24 {strides = array<i32>} : memref<400x128xf32, #tpu.memory_space<vmem>>, vector<400x128xf32>,
    return
  }
  func.func @transform_0(%arg0: i32) -> (i32, i32, i32) {
    %c0_i32 = arith.constant 0 : i32
    %c0_i32_0 = arith.constant 0 : i32
    %c0_i32_1 = arith.constant 0 : i32
    return %c0_i32, %arg0, %c0_i32_0 : i32, i32, i32
  }
  func.func @transform_1(%arg0: i32) -> (i32, i32, i32) {
    %c0_i32 = arith.constant 0 : i32
    %c0_i32_0 = arith.constant 0 : i32
    %c0_i32_1 = arith.constant 0 : i32
    return %c0_i32, %arg0, %c0_i32_0 : i32, i32, i32
  }
  func.func @transform_2(%arg0: i32) -> (i32, i32) {
    %c0_i32 = arith.constant 0 : i32
    %c0_i32_0 = arith.constant 0 : i32
    return %arg0, %c0_i32 : i32, i32
  }
  func.func @transform_3(%arg0: i32) -> (i32, i32) {
    %c0_i32 = arith.constant 0 : i32
    %c0_i32_0 = arith.constant 0 : i32
    return %arg0, %c0_i32 : i32, i32
  }
}

</mosaic_0001>

<sc_bundles>
// kernel: kernel.6.cloned.1.call-start
scs
__scs_entry_jumppad:
0x0: {  	(pc) =	sbr.rel $0x88, $3  }
0x1: {  	(tag) =	ssettag $0x0;
	lr =	simm.s32 $0x1  }
0x2: {  	[smem:$0x3F9D] =	sst lr;
	_ =	strace $0xD0000000  }
0x3: {  	_ = 	snop  }
0x4: {  	_ = 	snop  }
0x5: {  	_ = 	snop  }
0x6: {  	_ = 	snop  }
0x7: {  	_ = 	snop  }
__scs_overlays_trampoline_lowered:
0x8: {  	[smem:$0x3FAC] =	sst s0  }
0x9: {  	[smem:$0x3FAD] =	sst s1  }
0xa: {  	[smem:$0x3FAE] =	sst s2  }
0xb: {  	[smem:$0x3FAF] =	sst s3  }
0xc: {  	[smem:$0x3FB0] =	sst s4  }
0xd: {  	[smem:$0x3FB1] =	sst s5  }
0xe: {  	[smem:$0x3FB2] =	sst s6  }
0xf: {  	[smem:$0x3FB3] =	sst s7  }
0x10: {  	[smem:$0x3FB4] =	sst s8  }
0x11: {  	[smem:$0x3FB5] =	sst s9;
	s0 =	simm.s32 @!p0 $0x0  }
0x12: {  	s1 =	sld [smem:$0x3F9B];
	s0 =	simm.s32 @p0 $0x1  }
0x13: {  	[smem:$0x3FB6] =	sst s0;
	s0 =	simm.s32 @!p1 $0x0  }
0x14: {  	s2 =	sld [smem:$0x3F9A];
	s0 =	simm.s32 @p1 $0x1  }
0x15: {  	[smem:$0x3FB7] =	sst s0;
	s0 =	simm.s32 @!p2 $0x0  }
0x16: {  	s3 =	sld [smem:$0x3FDB];
	s0 =	simm.s32 @p2 $0x1  }
0x17: {  	s4 =	simm.s32 $0x1BF5;
	[smem:$0x3FB9] =	sst s0  }
0x18: {  	s0 =	sld [smem:$0x3F9C];
	_ =	swait.ge [sflag:s4], $0x0  }
0x19: {  	s7 =	sld [smem:$0x3F9D]  }
0x1a: {  	s8 =	sadd.s32 $0xFFFFE003, lr  }
0x1b: {  	s9 =	sadd.s32 $0xFFFFFEF7, lr;
	s5 =	simm.s32 $0xFFFFFFFF;
	p2 =	slt.u32 s8, $0xFFFFF086  }
0x1c: {  	p1 =	slt.u32 s9, $0xF7A;
	s5 =	simm.s32 @!p2 $0x0  }
0x1d: {  	s5 =	simm.s32 @p1 $0x1;
	p0 =	seq.s32 s7, s2  }
0x1e: {  	s7 =	smul.u32 @!p0 $0xF7A, s2;
	p2 =	seq.s32 @!p0 s5, $0x0  }
0x1f: {  	s9 =	smul.u32 $0xF7A, s1;
	s8 =	simm.s32 @!p0 $0x1BF5;
	p2 =	por !p2, p0  }
0x20: {  	[sflag:s8] =	ssyncset.s32 @!p0 $0xFFFFF086;
	s6 =	sadd.s32 @!p0 s3, s7;
	s7 =	simm.s32 @!p0 $0x108  }
0x21: {  	s3 =	sadd.s32 s3, s9;
	s6 =	sadd.s32 @!p0 $0x88, s6;
	s7 =	simm.s32 @p2 $0x1082  }
0x22: {  	[simem:s7], [sflag:s8] =	dma.local @!p0 [hbm:s6], $0xF7A  }
0x23: {  	s9 =	sor.u32 $0xD0000000, s2;
	s6 =	simm.s32 $0x108;
	_ =	swait.ge @!p0 [sflag:s8], $0x0  }
0x24: {  	s3 =	sadd.s32 $0x88, s3;
	s6 =	simm.s32 @!p1 $0x1082;
	[sflag:s4] =	ssyncset.s32 $0xFFFFF086  }
0x25: {  	[simem:s6], [sflag:s4] =	dma.local [hbm:s3], $0xF7A  }
0x26: {  	[smem:$0x3F9D] =	sst s1;
	(tag) =	ssettag s2;
	_ =	strace s9  }
0x27: {  	s1 =	sld [smem:$0x3FAD]  }
0x28: {  	s2 =	sld [smem:$0x3FAE]  }
0x29: {  	s4 =	sld [smem:$0x3FB0]  }
0x2a: {  	p0 =	seq.s32 s5, $0x0;
	s5 =	sld [smem:$0x3FB1]  }
0x2b: {  	s6 =	sld [smem:$0x3FB2]  }
0x2c: {  	s7 =	sld [smem:$0x3FB3]  }
0x2d: {  	s3 =	simm.s32 $0x108;
	s8 =	sld [smem:$0x3FB4]  }
0x2e: {  	s3 =	simm.s32 @!p0 $0x1082;
	s9 =	sld [smem:$0x3FB5]  }
0x2f: {  	lr =	sadd.s32 s0, s3;
	s0 =	sld [smem:$0x3FAC]  }
0x30: {  	s3 =	sld [smem:$0x3FAF]  }
0x31: {  	[smem:$0x3FB8] =	sst s10  }
0x32: {  	s10 =	sld [smem:$0x3FB6];
	_ =	sdelay $0x3  }
0x33: {  	p0 =	seq.s32 s10, $0x1;
	s10 =	sld [smem:$0x3FB8];
	_ =	sdelay $0x3  }
0x34: {  	[smem:$0x3FB8] =	sst s10  }
0x35: {  	s10 =	sld [smem:$0x3FB7];
	_ =	sdelay $0x3  }
0x36: {  	p1 =	seq.s32 s10, $0x1;
	s10 =	sld [smem:$0x3FB8];
	_ =	sdelay $0x3  }
0x37: {  	[smem:$0x3FB8] =	sst s10  }
0x38: {  	s10 =	sld [smem:$0x3FB9]  }
0x39: {  	_ = 	snop;
	(pc) =	sbr.ind lr, $3  }
0x3a: {  	_ = 	snop  }
0x3b: {  	_ = 	snop  }
0x3c: {  	p2 =	seq.s32 s10, $0x1;
	s10 =	sld [smem:$0x3FB8]  }
0x3d: {  	_ =	shalt  }
0x3e: {  	_ =	shalt  }
0x3f: {  	_ =	shalt  }
0x40: {  	_ =	shalt  }
0x41: {  	_ =	shalt  }
0x42: {  	_ =	shalt  }
0x43: {  	_ =	shalt  }
0x44: {  	_ =	shalt  }
0x45: {  	_ =	shalt  }
0x46: {  	_ =	shalt  }
0x47: {  	_ =	shalt  }
0x48: {  	_ =	shalt  }
0x49: {  	_ =	shalt  }
0x4a: {  	_ =	shalt  }
0x4b: {  	_ =	shalt  }
0x4c: {  	_ =	shalt  }
0x4d: {  	_ =	shalt  }
0x4e: {  	_ =	shalt  }
0x4f: {  	_ =	shalt  }
0x50: {  	_ =	shalt  }
0x51: {  	_ =	shalt  }
0x52: {  	_ =	shalt  }
0x53: {  	_ =	shalt  }
0x54: {  	_ =	shalt  }
0x55: {  	_ =	shalt  }
0x56: {  	_ =	shalt  }
0x57: {  	_ =	shalt  }
0x58: {  	_ =	shalt  }
0x59: {  	_ =	shalt  }
0x5a: {  	_ =	shalt  }
0x5b: {  	_ =	shalt  }
0x5c: {  	_ =	shalt  }
0x5d: {  	_ =	shalt  }
0x5e: {  	_ =	shalt  }
0x5f: {  	_ =	shalt  }
0x60: {  	_ =	shalt  }
0x61: {  	_ =	shalt  }
0x62: {  	_ =	shalt  }
0x63: {  	_ =	shalt  }
0x64: {  	_ =	shalt  }
0x65: {  	_ =	shalt  }
0x66: {  	_ =	shalt  }
0x67: {  	_ =	shalt  }
0x68: {  	_ =	shalt  }
0x69: {  	_ =	shalt  }
0x6a: {  	_ =	shalt  }
0x6b: {  	_ =	shalt  }
0x6c: {  	_ =	shalt  }
0x6d: {  	_ =	shalt  }
0x6e: {  	_ =	shalt  }
0x6f: {  	_ =	shalt  }
0x70: {  	_ =	shalt  }
0x71: {  	_ =	shalt  }
0x72: {  	_ =	shalt  }
0x73: {  	_ =	shalt  }
0x74: {  	_ =	shalt  }
0x75: {  	_ =	shalt  }
0x76: {  	_ =	shalt  }
0x77: {  	_ =	shalt  }
0x78: {  	_ =	shalt  }
0x79: {  	_ =	shalt  }
0x7a: {  	_ =	shalt  }
0x7b: {  	_ =	shalt  }
0x7c: {  	_ =	shalt  }
0x7d: {  	_ =	shalt  }
0x7e: {  	_ =	shalt  }
0x7f: {  	_ =	shalt  }
0x80: {  	_ =	shalt  }
0x81: {  	_ =	shalt  }
0x82: {  	_ =	shalt  }
0x83: {  	_ =	shalt  }
0x84: {  	_ =	shalt  }
0x85: {  	_ =	shalt  }
0x86: {  	_ =	shalt  }
0x87: {  	_ =	shalt  }
.Lfunc_end0:
.L_simem_size_0:
called_computation_lowered:
.L_overlay_start_0:
0x88: {  	s2 =	sld [smem:$0x3FD9]  }
0x89: {  	s3 =	sld [smem:$0x3FFE];
	_ =	sdelay $0x1  }
0x8a: {  	s1 =	srdreg.scid  }
0x8b: {  	s0 =	sand.u32 $0x1, s1  }
0x8c: {  	s17 =	sshll.u32 s0, $0xA;
	s2 =	sadd.s32 s3, s2  }
0x8d: {  	s2 =	sadd.s32 s2, s17  }
0x8e: {  	[smem:$0x3FC4] =	sst s2  }
0x8f: {  	_ = 	snop  }
0x90: {  	s2 =	sld [smem:$0x3FC8]  }
0x91: {  	s18 =	sld [smem:$0x3FC7];
	(tm) =	ssettm $0x1  }
0x92: {  	s4 =	sld [smem:$0x3FFB];
	_ =	sdelay $0x3  }
0x93: {  	_ =	strace s4  }
0x94: {  	s4 =	sld [smem:$0x3FFC];
	_ =	sdelay $0x3  }
0x95: {  	_ =	strace s4  }
0x96: {  	s4 =	sld [smem:$0x3FFD];
	_ =	sdelay $0x3  }
0x97: {  	_ =	strace s4  }
0x98: {  	_ =	strace $0x8FFFFFFF  }
0x99: {  	s19 =	sld [smem:$0x3FDB];
	_ =	sdelay $0x1  }
0x9a: {  	s5 =	simm.s32 $_scs_section_size  }
0x9b: {  	s6 =	simm.s32 $_size__tile_overlayer_lowered;
	s7 =	simm.s32 $_tile_overlayer_lowered  }
0x9c: {  	s22 =	simm.s32 $0x1BFF;
	s21 =	sshll.u32 s7, $0x1;
	s4 =	sadd.s32 s5, s19  }
0x9d: {  	s8 =	simm.s32 $0x0;
	s20 =	sshll.u32 s6, $0x1;
	s6 =	sadd.s32 s21, s4  }
0x9e: {  	[timem:s8], [sflag:s22] =	dma.local [hbm:s6], s20  }
0x9f: {  	_ =	swait.ge [sflag:s22], s20  }
0xa0: {  	s5 =	ssub.s32 $0x0, s20;
	[sflag:s22] =	ssyncset.done $0x0  }
0xa1: {  	[sflag:s22] =	ssyncadd.s32 s5;
	_ =	sdelay $0x1  }
0xa2: {  	s23 =	simm.s32 $0x1B8B  }
0xa3: {  	_ =	swait.ge [sflag:s23], $0x1  }
0xa4: {  	[sflag:s23] =	ssyncset.done $0x0  }
0xa5: {  	s25 =	simm.s32 $0x1B8E;
	s24 =	sld [smem:$0x3FFE];
	[sflag:s23] =	ssyncadd.s32 $0xFFFFFFFF  }
0xa6: {  	s26 =	simm.s32 $execute0_lowered;
	[smem:$0x3FD2] =	sst s25  }
0xa7: {  	s6 =	sshll.u32 s26, $0x1;
	_ =	strace $0x80000046;
	[dreg:$0x1] =	wrdreg $0xFFFFFFFF  }
0xa8: {  	s28 =	simm.s32 $_size_execute0_lowered;
	s4 =	sadd.s32 s4, s6;
	[dreg:$0x0] =	wrdreg $0x0  }
0xa9: {  	s6 =	sshll.u32 s28, $0x1;
	[dreg:$0x2] =	wrdreg s4  }
0xaa: {  	[dreg:$0x3] =	wrdreg s6  }
0xab: {  	[dreg:$0x4] =	wrdreg $0xC0  }
0xac: {  	_ =	task [dreg:s8], $0x5FFFF  }
0xad: {  	[dreg:$0x1] =	wrdreg $0xFFFFFFFF  }
0xae: {  	[dreg:$0x0] =	wrdreg $0x60  }
0xaf: {  	[dreg:$0x2] =	wrdreg s24  }
0xb0: {  	[dreg:$0x3] =	wrdreg s2  }
0xb1: {  	[dreg:$0x4] =	wrdreg s18  }
0xb2: {  	[dreg:$0x5] =	wrdreg $0x41800  }
0xb3: {  	[dreg:$0x6] =	wrdreg $0x9  }
0xb4: {  	_ =	task.clear_ibuf [dreg:s8], $0x7FFFF;
	_ =	strace $0x90000046  }
0xb5: {  	s29 =	simm.s32 $0x9;
	_ =	strace $0x80000048  }
0xb6: {  	_ =	swait.ge [sflag:s29], $0x1  }
0xb7: {  	[sflag:s29] =	ssyncadd.s32 $0xFFFFFFFF  }
0xb8: {  	_ =	strace $0x90000048  }
0xb9: {  	_ =	sfence  }
0xba: {  	s30 =	sld [smem:$0x0];
	_ =	sdelay $0x2  }
0xbb: {  	s31 =	sshll.u32 s1, $0xD;
	s1 =	sshrl.u32 s1, $0x2  }
0xbc: {  	s3 =	sand.u32 $0x4000, s31;
	s1 =	sadd.s32 s1, s30  }
0xbd: {  	s0 =	sor.u32 s3, s0;
	s1 =	sshll.u32 s1, $0x11  }
0xbe: {  	s0 =	sor.u32 s1, s0  }
0xbf: {  	s0 =	sadd.s32 $0x8F2B, s0  }
0xc0: {  	[sflag:s0] =	ssyncadd.remote.s32 $0x1  }
0xc1: {  	_ =	sfence.sel $0xFFFF  }
0xc2: {  	[dreg:$0x0] =	wrdreg $0xFFFFFFFF;
	(pc) =	sbr.abs _section_cstart, $3  }
0xc3: {  	[dreg:$0x1] =	wrdreg $0xFFFFFFFF  }
0xc4: {  	_ =	task.clear_ibuf [dreg:s8], $0x2FFFF;
	_ =	strace $0x9FFFFFFF  }
0xc5: {  	(tm) =	ssettm $0x7FFFFFFF  }
tec
execute0_lowered:
.L_overlay_start_1:
0x0: {  	(tag) =	ssettag $0x1  }
0x1: {  	s8 =	rddreg [dreg:$0x0]  }
0x2: {  	s1 =	rddreg [dreg:$0x1]  }
0x3: {  	s2 =	rddreg [dreg:$0x2]  }
0x4: {  	s4 =	rddreg [dreg:$0x3]  }
0x5: {  	s0 =	rddreg [dreg:$0x4];
	s5 =	simm.s32 $0x0;
	s3 =	stileid.u32  }
0x6: {  	s6 =	srdreg.scid;
	s16 =	simm.s32 $0x100;
	s17 =	simm.s32 $0x180  }
0x7: {  	[smem:$0x7FF] =	sst s5;
	s18 =	smul.u32 $0x2800, s3;
	s9 =	sand.u32 $0x1, s6  }
0x8: {  	s6 =	sadd.s32 $0xAE00, s8;
	s7 =	sadd.s32 $0x1000, s8;
	s13 =	smul.u32 $0x50000, s3  }
0x9: {  	s30 =	sshll.u32 s3, $0x6;
	_ =	strace $0x80000047;
	s11 =	ssub.s32 $0x2, s9  }
0xa: {  	s10 =	smul.u32 $0x28000, s9;
	s12 =	sshrl.u32 s11, $0x1;
	s14 =	sadd.s32 s18, s8  }
.Ltmp0:
0xb: {  	s29 =	sshrl.u32 s13, $0x2;
	s13 =	simm.s32 $0x1;
	(pc) =	sbr.rel .LBB2_1-.Ltmp0, $4  }
0xc: {  	s15 =	sadd.s32 s10, s8;
	s11 =	ssub.s32 s11, s12;
	s8 =	sshll.u32 s9, $0x4  }
0xd: {  	s31 =	sadd.s32 s29, s4;
	s9 =	sadd.s32 $0x14C00, s14;
	s10 =	sor.u32 $0x1C01, s30  }
0xe: {  	s14 =	simm.s32 $0x2;
	s19 =	sadd.s32 $0x3CC00, s15;
	s11 =	smax.u32 s11, $0x1  }
0xf: {  	s12 =	sshrl.u32 s31, $0x3;
	s15 =	simm.s32 $0x80;
	s18 =	sadd.s32 s18, s19  }
.LBB2_7:
0x10: {  	s5 =	sadd.s32 $0x1, s5  }
0x11: {  	p0 =	sne.s32 s5, s11  }
.Ltmp1:
0x12: {  	[bflag:$0x0] =	sbarrier.arrive $0xFFFF;
	(pc) =	sbr.rel @!p0 .LBB2_8-.Ltmp1, $4  }
0x13: {  	[hbm:s18], [sflag:s10] =	dma.local [spmem:s12], $0x2800  }
0x14: {  	_ =	swait.ge [sflag:s13], $0x2800  }
0x15: {  	[sflag:s13] =	ssyncset.done $0x0  }
0x16: {  	[sflag:s13] =	ssyncadd.s32 $0xFFFFD800  }
.LBB2_1:
0x17: {  	[spmem:s12], [sflag:s10] =	dma.local [hbm:s9], $0x2800  }
.Ltmp2:
0x18: {  	_ =	swait.ge [sflag:s13], $0x2800;
	(pc) =	sbr.rel .LBB2_2-.Ltmp2, $4  }
0x19: {  	[sflag:s13] =	ssyncset.done $0x0  }
0x1a: {  	[sflag:s13] =	ssyncadd.s32 $0xFFFFD800  }
0x1b: {  	[bflag:$0x0] =	sbarrier.arrive $0xFFFF  }
0x1c: {  	s19 =	simm.s32 $0x0  }
.LBB2_6:
0x1d: {  	s19 =	sadd.s32 $0x1, s19  }
0x1e: {  	p0 =	sne.s32 s19, $0x4F  }
.Ltmp3:
0x1f: {  	_ = 	snop;
	(pc) =	sbr.rel @!p0 .LBB2_7-.Ltmp3, $1  }
0x20: {  	_ =	sdelay $0x3  }
.LBB2_2:
0x21: {  	s20 =	sshll.u32 s19, $0x5  }
0x22: {  	s20 =	sor.u32 s20, s8  }
0x23: {  	s20 =	sor.u32 s3, s20  }
0x24: {  	p0 =	sgt.u32 s20, $0x9C3  }
.Ltmp4:
0x25: {  	_ = 	snop;
	(pc) =	sbr.rel @p0 .LBB2_6-.Ltmp4, $1  }
0x26: {  	_ =	sdelay $0x3  }
0x27: {  	s20 =	sshll.u32 s20, $0x4  }
0x28: {  	s22 =	simm.s32 $0x0;
	s21 =	sadd.s32 s6, s20  }
0x29: {  	[tilespmem:s22], [sflag:$0x2] =	stream.linear.gather [hbm4b:s21+s22], $0x80, $0x38;
	[tilespmem:$0x18180] =	vst v63  }
0x2a: {  	_ =	swait.ge [sflag:s14], $0x80  }
0x2b: {  	[sflag:s14] =	ssyncset.done $0x0  }
0x2c: {  	s29 =	sadd.s32 s7, s20;
	[sflag:s14] =	ssyncadd.s32 $0xFFFFFF80  }
0x2d: {  	[tilespmem:s15], [sflag:$0x2] =	stream.linear.gather [hbm4b:s29+s22], $0x80, $0x38;
	[tilespmem:$0x18180] =	vst v63  }
0x2e: {  	_ =	swait.ge [sflag:s14], $0x80  }
0x2f: {  	[sflag:s14] =	ssyncset.done $0x0  }
0x30: {  	s20 =	sadd.s32 s1, s20;
	[sflag:s14] =	ssyncadd.s32 $0xFFFFFF80  }
0x31: {  	[tilespmem:s16], [sflag:$0x2] =	stream.linear.gather [hbm4b:s20+s22], $0x80, $0x38;
	[tilespmem:$0x18180] =	vst v63  }
0x32: {  	_ =	swait.ge [sflag:s14], $0x80  }
0x33: {  	[sflag:s14] =	ssyncset.done $0x0  }
0x34: {  	[sflag:s14] =	ssyncadd.s32 $0xFFFFFF80  }
0x35: {  	[tilespmem:s17], [sflag:$0x2] =	stream.indirect.gather [hbm4b:s2+s15], $0x80, s22, s15, $0xb8;
	[tilespmem:$0x18180] =	vst v63  }
0x36: {  	_ =	swait.ge [sflag:s14], $0x4000  }
0x37: {  	s30 =	simm.s32 $0x0;
	[sflag:s14] =	ssyncset.done $0x0  }
0x38: {  	s31 =	simm.s32 $0x0;
	s20 =	sand.u32 $0x3FFFFFF0, s30;
	[sflag:s14] =	ssyncadd.s32 $0xFFFFC000  }
0x39: {  	v0 =	vld [tilespmem:s20+$0x100];
	s20 =	sand.u32 $0x3FFFF800, s31  }
0x3a: {  	v6 =	vld [tilespmem:s20+$0x240]  }
0x3b: {  	v2 =	vld [tilespmem:s20+$0x1A0]  }
0x3c: {  	v3 =	vld [tilespmem:s20+$0x1B0]  }
0x3d: {  	v9 =	vld [tilespmem:s20+$0x1E0]  }
0x3e: {  	v10 =	vld [tilespmem:s20+$0x1F0];
	v1 =	vbroadcast v0, $0x0  }
0x3f: {  	v11 =	vld [tilespmem:s20+$0x200]  }
0x40: {  	v12 =	vld [tilespmem:s20+$0x210];
	v2 =	vmul.f32 v2, v1  }
0x41: {  	v13 =	vld [tilespmem:s20+$0x220];
	v3 =	vmul.f32 v3, v1  }
0x42: {  	v8 =	vld [tilespmem:s20+$0x230];
	v28 =	vbroadcast v0, $0x1;
	v27 =	vmul.f32 v9, v1;
	[tilespmem:s20+$0x1A0] =	vst v2  }
0x43: {  	v7 =	vld [tilespmem:s20+$0x250];
	v10 =	vmul.f32 v10, v1;
	[tilespmem:s20+$0x1B0] =	vst v3  }
0x44: {  	v5 =	vld [tilespmem:s20+$0x6F0];
	v11 =	vmul.f32 v11, v28;
	[tilespmem:s20+$0x1E0] =	vst v27  }
0x45: {  	v30 =	vld [tilespmem:s20+$0x270];
	v12 =	vmul.f32 v12, v28;
	[tilespmem:s20+$0x1F0] =	vst v10  }
0x46: {  	v31 =	vld [tilespmem:s20+$0x280];
	v13 =	vmul.f32 v13, v28;
	[tilespmem:s20+$0x200] =	vst v11  }
0x47: {  	v32 =	vld [tilespmem:s20+$0x290];
	v8 =	vmul.f32 v8, v28;
	[tilespmem:s20+$0x210] =	vst v12  }
0x48: {  	v29 =	vld [tilespmem:s20+$0x260];
	v6 =	vmul.f32 v6, v28;
	[tilespmem:s20+$0x220] =	vst v13  }
0x49: {  	v33 =	vld [tilespmem:s20+$0x2A0];
	v14 =	vbroadcast v0, $0x2;
	v7 =	vmul.f32 v7, v28;
	[tilespmem:s20+$0x230] =	vst v8  }
0x4a: {  	v34 =	vld [tilespmem:s20+$0x2B0];
	v9 =	vmul.f32 v30, v28;
	[tilespmem:s20+$0x240] =	vst v6  }
0x4b: {  	v35 =	vld [tilespmem:s20+$0x2C0];
	v4 =	vbroadcast v0, $0xA;
	v37 =	vmul.f32 v31, v14;
	[tilespmem:s20+$0x250] =	vst v7  }
0x4c: {  	v36 =	vld [tilespmem:s20+$0x2D0];
	v39 =	vmul.f32 v32, v14;
	[tilespmem:s20+$0x270] =	vst v9  }
0x4d: {  	v38 =	vld [tilespmem:s20+$0x2E0];
	v2 =	vmul.f32 v5, v4;
	[tilespmem:s20+$0x280] =	vst v37  }
0x4e: {  	v40 =	vld [tilespmem:s20+$0x2F0];
	v10 =	vmul.f32 v29, v28;
	[tilespmem:s20+$0x290] =	vst v39  }
0x4f: {  	v41 =	vld [tilespmem:s20+$0x300];
	v8 =	vmul.f32 v33, v14;
	[tilespmem:s20+$0x6F0] =	vst v2  }
0x50: {  	v42 =	vld [tilespmem:s20+$0x310];
	v6 =	vmul.f32 v34, v14;
	[tilespmem:s20+$0x260] =	vst v10  }
0x51: {  	v43 =	vld [tilespmem:s20+$0x320];
	v7 =	vmul.f32 v35, v14;
	[tilespmem:s20+$0x2A0] =	vst v8  }
0x52: {  	v44 =	vld [tilespmem:s20+$0x330];
	v46 =	vbroadcast v0, $0x3;
	v9 =	vmul.f32 v38, v14;
	[tilespmem:s20+$0x2B0] =	vst v6  }
0x53: {  	v45 =	vld [tilespmem:s20+$0x340];
	v11 =	vmul.f32 v40, v14;
	[tilespmem:s20+$0x2C0] =	vst v7  }
0x54: {  	v47 =	vld [tilespmem:s20+$0x350];
	v12 =	vmul.f32 v41, v46;
	[tilespmem:s20+$0x2E0] =	vst v9  }
0x55: {  	v48 =	vld [tilespmem:s20+$0x360];
	v10 =	vmul.f32 v36, v14;
	[tilespmem:s20+$0x2F0] =	vst v11  }
0x56: {  	v49 =	vld [tilespmem:s20+$0x370];
	v8 =	vmul.f32 v42, v46;
	[tilespmem:s20+$0x300] =	vst v12  }
0x57: {  	v50 =	vld [tilespmem:s20+$0x380];
	v6 =	vmul.f32 v43, v46;
	[tilespmem:s20+$0x2D0] =	vst v10  }
0x58: {  	v51 =	vld [tilespmem:s20+$0x390];
	v7 =	vmul.f32 v44, v46;
	[tilespmem:s20+$0x310] =	vst v8  }
0x59: {  	v52 =	vld [tilespmem:s20+$0x3A0];
	v9 =	vmul.f32 v47, v46;
	[tilespmem:s20+$0x320] =	vst v6  }
0x5a: {  	v53 =	vld [tilespmem:s20+$0x3B0];
	v11 =	vmul.f32 v48, v46;
	[tilespmem:s20+$0x330] =	vst v7  }
0x5b: {  	v54 =	vld [tilespmem:s20+$0x3C0];
	v55 =	vbroadcast v0, $0x4;
	v12 =	vmul.f32 v49, v46;
	[tilespmem:s20+$0x350] =	vst v9  }
0x5c: {  	v56 =	vld [tilespmem:s20+$0x3D0];
	v10 =	vmul.f32 v45, v46;
	[tilespmem:s20+$0x360] =	vst v11  }
0x5d: {  	v57 =	vld [tilespmem:s20+$0x3E0];
	v8 =	vmul.f32 v50, v55;
	[tilespmem:s20+$0x370] =	vst v12  }
0x5e: {  	v58 =	vld [tilespmem:s20+$0x3F0];
	v6 =	vmul.f32 v51, v55;
	[tilespmem:s20+$0x340] =	vst v10  }
0x5f: {  	v59 =	vld [tilespmem:s20+$0x400];
	v7 =	vmul.f32 v52, v55;
	[tilespmem:s20+$0x380] =	vst v8  }
0x60: {  	v60 =	vld [tilespmem:s20+$0x410];
	v9 =	vmul.f32 v54, v55;
	[tilespmem:s20+$0x390] =	vst v6  }
0x61: {  	v61 =	vld [tilespmem:s20+$0x420];
	v11 =	vmul.f32 v56, v55;
	[tilespmem:s20+$0x3A0] =	vst v7  }
0x62: {  	v62 =	vld [tilespmem:s20+$0x430];
	v12 =	vmul.f32 v57, v55;
	[tilespmem:s20+$0x3C0] =	vst v9  }
0x63: {  	v63 =	vld [tilespmem:s20+$0x440];
	v16 =	vbroadcast v0, $0x5;
	v10 =	vmul.f32 v53, v55;
	[tilespmem:s20+$0x3D0] =	vst v11  }
0x64: {  	v17 =	vld [tilespmem:s20+$0x450];
	v8 =	vmul.f32 v58, v55;
	[tilespmem:s20+$0x3E0] =	vst v12  }
0x65: {  	v18 =	vld [tilespmem:s20+$0x460];
	v6 =	vmul.f32 v59, v16;
	[tilespmem:s20+$0x3B0] =	vst v10  }
0x66: {  	v19 =	vld [tilespmem:s20+$0x470];
	v7 =	vmul.f32 v60, v16;
	[tilespmem:s20+$0x3F0] =	vst v8  }
0x67: {  	v20 =	vld [tilespmem:s20+$0x480];
	v9 =	vmul.f32 v62, v16;
	[tilespmem:s20+$0x400] =	vst v6  }
0x68: {  	v21 =	vld [tilespmem:s20+$0x490];
	v11 =	vmul.f32 v63, v16;
	[tilespmem:s20+$0x410] =	vst v7  }
0x69: {  	v22 =	vld [tilespmem:s20+$0x4A0];
	v12 =	vmul.f32 v17, v16;
	[tilespmem:s20+$0x430] =	vst v9  }
0x6a: {  	v23 =	vld [tilespmem:s20+$0x4B0];
	v10 =	vmul.f32 v61, v16;
	[tilespmem:s20+$0x440] =	vst v11  }
0x6b: {  	v24 =	vld [tilespmem:s20+$0x4C0];
	v25 =	vbroadcast v0, $0x6;
	v8 =	vmul.f32 v18, v16;
	[tilespmem:s20+$0x450] =	vst v12  }
0x6c: {  	v56 =	vld [tilespmem:s20+$0x680];
	v6 =	vmul.f32 v19, v16;
	[tilespmem:s20+$0x420] =	vst v10  }
0x6d: {  	v26 =	vld [tilespmem:s20+$0x4D0];
	v7 =	vmul.f32 v20, v25;
	[tilespmem:s20+$0x460] =	vst v8  }
0x6e: {  	v30 =	vld [tilespmem:s20+$0x510];
	v9 =	vmul.f32 v22, v25;
	[tilespmem:s20+$0x470] =	vst v6  }
0x6f: {  	v27 =	vld [tilespmem:s20+$0x4E0];
	v11 =	vmul.f32 v23, v25;
	[tilespmem:s20+$0x480] =	vst v7  }
0x70: {  	v28 =	vld [tilespmem:s20+$0x4F0];
	v12 =	vmul.f32 v24, v25;
	[tilespmem:s20+$0x4A0] =	vst v9  }
0x71: {  	v31 =	vld [tilespmem:s20+$0x520];
	v62 =	vmul.f32 v56, v4;
	[tilespmem:s20+$0x4B0] =	vst v11  }
0x72: {  	v32 =	vld [tilespmem:s20+$0x530];
	v10 =	vmul.f32 v21, v25;
	[tilespmem:s20+$0x4C0] =	vst v12  }
0x73: {  	v3 =	vld [tilespmem:s20+$0x700];
	v8 =	vmul.f32 v26, v25;
	[tilespmem:s20+$0x680] =	vst v62  }
0x74: {  	v5 =	vld [tilespmem:s20+$0x710];
	v34 =	vbroadcast v0, $0x7;
	v6 =	vmul.f32 v27, v25;
	[tilespmem:s20+$0x490] =	vst v10  }
0x75: {  	v29 =	vld [tilespmem:s20+$0x500];
	v7 =	vmul.f32 v28, v25;
	[tilespmem:s20+$0x4D0] =	vst v8  }
0x76: {  	v60 =	vld [tilespmem:s20+$0x6C0];
	v9 =	vmul.f32 v30, v34;
	[tilespmem:s20+$0x4E0] =	vst v6  }
0x77: {  	v33 =	vld [tilespmem:s20+$0x540];
	v24 =	vbroadcast v0, $0xB;
	v11 =	vmul.f32 v31, v34;
	[tilespmem:s20+$0x4F0] =	vst v7  }
0x78: {  	v35 =	vld [tilespmem:s20+$0x550];
	v12 =	vmul.f32 v32, v34;
	[tilespmem:s20+$0x510] =	vst v9  }
0x79: {  	v38 =	vld [tilespmem:s20+$0x580];
	v3 =	vmul.f32 v3, v24;
	[tilespmem:s20+$0x520] =	vst v11  }
0x7a: {  	v36 =	vld [tilespmem:s20+$0x560];
	v5 =	vmul.f32 v5, v24;
	[tilespmem:s20+$0x530] =	vst v12  }
0x7b: {  	v2 =	vld [tilespmem:s20+$0x950];
	v19 =	vmul.f32 v60, v4;
	[tilespmem:s20+$0x700] =	vst v3  }
0x7c: {  	v39 =	vld [tilespmem:s20+$0x590];
	v10 =	vmul.f32 v29, v34;
	[tilespmem:s20+$0x710] =	vst v5  }
0x7d: {  	v40 =	vld [tilespmem:s20+$0x5A0];
	v8 =	vmul.f32 v33, v34;
	[tilespmem:s20+$0x6C0] =	vst v19  }
0x7e: {  	v43 =	vbroadcast v0, $0x8;
	v61 =	vld [tilespmem:s20+$0x6D0];
	v6 =	vmul.f32 v35, v34;
	[tilespmem:s20+$0x500] =	vst v10  }
0x7f: {  	v16 =	vld [tilespmem:s20+$0x180];
	v7 =	vmul.f32 v36, v34;
	[tilespmem:s20+$0x540] =	vst v8  }
0x80: {  	v37 =	vld [tilespmem:s20+$0x570];
	v9 =	vmul.f32 v38, v43;
	[tilespmem:s20+$0x550] =	vst v6  }
0x81: {  	v41 =	vld [tilespmem:s20+$0x5B0];
	v11 =	vmul.f32 v39, v43;
	[tilespmem:s20+$0x560] =	vst v7  }
0x82: {  	v42 =	vld [tilespmem:s20+$0x5C0];
	v12 =	vmul.f32 v40, v43;
	[tilespmem:s20+$0x580] =	vst v9  }
0x83: {  	v44 =	vld [tilespmem:s20+$0x5D0];
	v21 =	vmul.f32 v61, v4;
	[tilespmem:s20+$0x590] =	vst v11  }
0x84: {  	v46 =	vld [tilespmem:s20+$0x5F0];
	v25 =	vmul.f32 v1, v16;
	[tilespmem:s20+$0x5A0] =	vst v12  }
0x85: {  	v47 =	vld [tilespmem:s20+$0x600];
	v10 =	vmul.f32 v37, v34;
	[tilespmem:s20+$0x6D0] =	vst v21  }
0x86: {  	v48 =	vld [tilespmem:s20+$0x610];
	v8 =	vmul.f32 v41, v43;
	[tilespmem:s20+$0x180] =	vst v25  }
0x87: {  	v6 =	vmul.f32 v42, v43;
	[tilespmem:s20+$0x570] =	vst v10  }
0x88: {  	v52 =	vbroadcast v0, $0x9;
	v27 =	vld [tilespmem:s20+$0x750];
	v7 =	vmul.f32 v44, v43;
	[tilespmem:s20+$0x5B0] =	vst v8  }
0x89: {  	v30 =	vld [tilespmem:s20+$0x780];
	v9 =	vmul.f32 v46, v43;
	[tilespmem:s20+$0x5C0] =	vst v6  }
0x8a: {  	v28 =	vld [tilespmem:s20+$0x760];
	v3 =	vbroadcast v0, $0xF;
	v11 =	vmul.f32 v47, v52;
	[tilespmem:s20+$0x5D0] =	vst v7  }
0x8b: {  	v45 =	vld [tilespmem:s20+$0x5E0];
	v12 =	vmul.f32 v48, v52;
	[tilespmem:s20+$0x5F0] =	vst v9  }
0x8c: {  	v49 =	vld [tilespmem:s20+$0x620];
	v35 =	vbroadcast v0, $0xC;
	v2 =	vmul.f32 v2, v3;
	[tilespmem:s20+$0x600] =	vst v11  }
0x8d: {  	v50 =	vld [tilespmem:s20+$0x630];
	v32 =	vmul.f32 v27, v24;
	[tilespmem:s20+$0x610] =	vst v12  }
0x8e: {  	v51 =	vld [tilespmem:s20+$0x640];
	v14 =	vmul.f32 v30, v35;
	[tilespmem:s20+$0x950] =	vst v2  }
0x8f: {  	v54 =	vld [tilespmem:s20+$0x660];
	v40 =	vmul.f32 v28, v24;
	[tilespmem:s20+$0x750] =	vst v32  }
0x90: {  	v55 =	vld [tilespmem:s20+$0x670];
	v10 =	vmul.f32 v45, v43;
	[tilespmem:s20+$0x780] =	vst v14  }
0x91: {  	v18 =	vld [tilespmem:s20+$0x1C0];
	v8 =	vmul.f32 v49, v52;
	[tilespmem:s20+$0x760] =	vst v40  }
0x92: {  	v38 =	vld [tilespmem:s20+$0x7F0];
	v6 =	vmul.f32 v50, v52;
	[tilespmem:s20+$0x5E0] =	vst v10  }
0x93: {  	v29 =	vld [tilespmem:s20+$0x770];
	v7 =	vmul.f32 v51, v52;
	[tilespmem:s20+$0x620] =	vst v8  }
0x94: {  	v33 =	vld [tilespmem:s20+$0x7B0];
	v9 =	vmul.f32 v54, v52;
	[tilespmem:s20+$0x630] =	vst v6  }
0x95: {  	v53 =	vld [tilespmem:s20+$0x650];
	v11 =	vmul.f32 v55, v52;
	[tilespmem:s20+$0x640] =	vst v7  }
0x96: {  	v57 =	vld [tilespmem:s20+$0x690];
	v2 =	vmul.f32 v18, v1;
	[tilespmem:s20+$0x660] =	vst v9  }
0x97: {  	v58 =	vld [tilespmem:s20+$0x6A0];
	v14 =	vmul.f32 v38, v35;
	[tilespmem:s20+$0x670] =	vst v11  }
0x98: {  	v59 =	vld [tilespmem:s20+$0x6B0];
	v5 =	vmul.f32 v29, v24;
	[tilespmem:s20+$0x1C0] =	vst v2  }
0x99: {  	v63 =	vld [tilespmem:s20+$0x6E0];
	v62 =	vmul.f32 v33, v35;
	[tilespmem:s20+$0x7F0] =	vst v14  }
0x9a: {  	v17 =	vld [tilespmem:s20+$0x190];
	v10 =	vmul.f32 v53, v52;
	[tilespmem:s20+$0x770] =	vst v5  }
0x9b: {  	v20 =	vld [tilespmem:s20+$0x1D0];
	v8 =	vmul.f32 v57, v4;
	[tilespmem:s20+$0x7B0] =	vst v62  }
0x9c: {  	v61 =	vld [tilespmem:s20+$0x970];
	v6 =	vmul.f32 v58, v4;
	[tilespmem:s20+$0x650] =	vst v10  }
0x9d: {  	v46 =	vld [tilespmem:s20+$0x860];
	v7 =	vmul.f32 v59, v4;
	[tilespmem:s20+$0x690] =	vst v8  }
0x9e: {  	v22 =	vld [tilespmem:s20+$0x720];
	v4 =	vmul.f32 v63, v4;
	[tilespmem:s20+$0x6A0] =	vst v6  }
0x9f: {  	v23 =	vld [tilespmem:s20+$0x730];
	v11 =	vmul.f32 v17, v1;
	[tilespmem:s20+$0x6B0] =	vst v7  }
0xa0: {  	v26 =	vld [tilespmem:s20+$0x740];
	v44 =	vbroadcast v0, $0xD;
	v1 =	vmul.f32 v20, v1;
	[tilespmem:s20+$0x6E0] =	vst v4  }
0xa1: {  	v31 =	vld [tilespmem:s20+$0x790];
	v63 =	vmul.f32 v61, v3;
	[tilespmem:s20+$0x190] =	vst v11  }
0xa2: {  	v34 =	vld [tilespmem:s20+$0x7C0];
	v51 =	vmul.f32 v46, v44;
	[tilespmem:s20+$0x1D0] =	vst v1  }
0xa3: {  	v41 =	vld [tilespmem:s20+$0x820];
	v6 =	vmul.f32 v22, v24;
	[tilespmem:s20+$0x970] =	vst v63  }
0xa4: {  	v7 =	vmul.f32 v23, v24;
	v1 =	vld [tilespmem:s20+$0x810];
	[tilespmem:s20+$0x860] =	vst v51  }
0xa5: {  	v49 =	vld [tilespmem:s20+$0x8A0];
	v4 =	vmul.f32 v26, v24;
	[tilespmem:s20+$0x720] =	vst v6  }
0xa6: {  	v50 =	vld [tilespmem:s20+$0x8B0];
	v8 =	vmul.f32 v31, v35;
	[tilespmem:s20+$0x730] =	vst v7  }
0xa7: {  	v36 =	vld [tilespmem:s20+$0x7D0];
	v11 =	vmul.f32 v34, v35;
	[tilespmem:s20+$0x740] =	vst v4  }
0xa8: {  	v37 =	vld [tilespmem:s20+$0x7E0];
	v0 =	vbroadcast v0, $0xE;
	v10 =	vmul.f32 v41, v44;
	[tilespmem:s20+$0x790] =	vst v8  }
0xa9: {  	v39 =	vld [tilespmem:s20+$0x800];
	[tilespmem:s20+$0x7C0] =	vst v11;
	v1 =	vmul.f32 v1, v44  }
0xaa: {  	v42 =	vld [tilespmem:s20+$0x830];
	v9 =	vmul.f32 v49, v0;
	[tilespmem:s20+$0x820] =	vst v10  }
0xab: {  	v5 =	vmul.f32 v50, v0;
	[tilespmem:s20+$0x810] =	vst v1;
	v1 =	vld [tilespmem:s20+$0x880]  }
0xac: {  	v48 =	vld [tilespmem:s20+$0x890];
	v7 =	vmul.f32 v36, v35;
	[tilespmem:s20+$0x8A0] =	vst v9  }
0xad: {  	v57 =	vld [tilespmem:s20+$0x920];
	v4 =	vmul.f32 v37, v35;
	[tilespmem:s20+$0x8B0] =	vst v5  }
0xae: {  	v45 =	vld [tilespmem:s20+$0x850];
	v8 =	vmul.f32 v39, v44;
	[tilespmem:s20+$0x7D0] =	vst v7  }
0xaf: {  	v47 =	vld [tilespmem:s20+$0x870];
	v11 =	vmul.f32 v42, v44;
	[tilespmem:s20+$0x7E0] =	vst v4  }
0xb0: {  	v43 =	vld [tilespmem:s20+$0x840];
	[tilespmem:s20+$0x800] =	vst v8;
	v1 =	vmul.f32 v1, v0  }
0xb1: {  	v55 =	vld [tilespmem:s20+$0x900];
	v10 =	vmul.f32 v48, v0;
	[tilespmem:s20+$0x830] =	vst v11  }
0xb2: {  	v5 =	vmul.f32 v57, v3;
	[tilespmem:s20+$0x880] =	vst v1;
	v1 =	vld [tilespmem:s20+$0x8F0]  }
0xb3: {  	v52 =	vld [tilespmem:s20+$0x8C0];
	v4 =	vmul.f32 v45, v44;
	[tilespmem:s20+$0x890] =	vst v10  }
0xb4: {  	v56 =	vld [tilespmem:s20+$0x910];
	v8 =	vmul.f32 v47, v44;
	[tilespmem:s20+$0x920] =	vst v5  }
0xb5: {  	v54 =	vld [tilespmem:s20+$0x8E0];
	v7 =	vmul.f32 v43, v44;
	[tilespmem:s20+$0x850] =	vst v4  }
0xb6: {  	v58 =	vld [tilespmem:s20+$0x930];
	v10 =	vmul.f32 v55, v3;
	[tilespmem:s20+$0x870] =	vst v8  }
0xb7: {  	v53 =	vld [tilespmem:s20+$0x8D0];
	[tilespmem:s20+$0x840] =	vst v7;
	v1 =	vmul.f32 v1, v0  }
0xb8: {  	v59 =	vld [tilespmem:s20+$0x940];
	v4 =	vmul.f32 v52, v0;
	[tilespmem:s20+$0x900] =	vst v10  }
0xb9: {  	v60 =	vld [tilespmem:s20+$0x960];
	[tilespmem:s20+$0x8F0] =	vst v1;
	v1 =	vmul.f32 v56, v3  }
0xba: {  	v8 =	vmul.f32 v54, v0;
	[tilespmem:s20+$0x8C0] =	vst v4  }
0xbb: {  	v2 =	vld [tilespmem:s20+$0x7A0];
	[tilespmem:s20+$0x910] =	vst v1;
	v1 =	vmul.f32 v58, v3  }
0xbc: {  	[tilespmem:s20+$0x8E0] =	vst v8;
	v0 =	vmul.f32 v53, v0  }
0xbd: {  	[tilespmem:s20+$0x930] =	vst v1;
	v1 =	vmul.f32 v59, v3  }
0xbe: {  	[tilespmem:s20+$0x8D0] =	vst v0;
	v3 =	vmul.f32 v60, v3  }
0xbf: {  	[tilespmem:s20+$0x940] =	vst v1  }
0xc0: {  	s21 =	simm.s32 $0x1;
	v1 =	vmul.f32 v2, v35;
	[tilespmem:s20+$0x960] =	vst v3  }
.LBB2_4:
0xc1: {  	s22 =	sshll.u32 s21, $0x4  }
0xc2: {  	p0 =	sne.s32 s21, $0x7;
	[tilespmem:s20+$0x7A0] =	vst v1;
	s20 =	smov.u32 s21;
	s21 =	sadd.s32 $0x1, s21  }
0xc3: {  	s22 =	sand.u32 $0x3FFFFFF0, s22  }
0xc4: {  	s20 =	sshll.u32 s20, $0xB;
	v0 =	vld [tilespmem:s22+$0x100]  }
0xc5: {  	s20 =	sand.u32 $0x3FFFF800, s20  }
0xc6: {  	v7 =	vld [tilespmem:s20+$0x240]  }
0xc7: {  	v8 =	vld [tilespmem:s20+$0x250]  }
0xc8: {  	v9 =	vld [tilespmem:s20+$0x230]  }
0xc9: {  	v1 =	vbroadcast v0, $0x0;
	v2 =	vld [tilespmem:s20+$0x1A0];
	v6 =	vbroadcast v0, $0x4  }
0xca: {  	v4 =	vld [tilespmem:s20+$0x1B0]  }
0xcb: {  	v5 =	vld [tilespmem:s20+$0x6F0]  }
0xcc: {  	v10 =	vld [tilespmem:s20+$0x1E0]  }
0xcd: {  	v11 =	vld [tilespmem:s20+$0x1F0]  }
0xce: {  	v3 =	vbroadcast v0, $0xA;
	v2 =	vmul.f32 v2, v1;
	v12 =	vld [tilespmem:s20+$0x200]  }
0xcf: {  	v4 =	vmul.f32 v4, v1;
	v13 =	vld [tilespmem:s20+$0x210]  }
0xd0: {  	[tilespmem:s20+$0x1A0] =	vst v2;
	v14 =	vld [tilespmem:s20+$0x220];
	v2 =	vmul.f32 v5, v3  }
0xd1: {  	[tilespmem:s20+$0x1B0] =	vst v4;
	v5 =	vmul.f32 v10, v1;
	v10 =	vbroadcast v0, $0x1;
	v4 =	vld [tilespmem:s20+$0x700]  }
0xd2: {  	v11 =	vmul.f32 v11, v1;
	[tilespmem:s20+$0x6F0] =	vst v2;
	v2 =	vld [tilespmem:s20+$0x950]  }
0xd3: {  	[tilespmem:s20+$0x1E0] =	vst v5;
	v12 =	vmul.f32 v12, v10;
	v5 =	vld [tilespmem:s20+$0x710]  }
0xd4: {  	[tilespmem:s20+$0x1F0] =	vst v11;
	v11 =	vmul.f32 v13, v10;
	v13 =	vld [tilespmem:s20+$0x260]  }
0xd5: {  	[tilespmem:s20+$0x200] =	vst v12;
	v12 =	vmul.f32 v14, v10;
	v14 =	vld [tilespmem:s20+$0x270]  }
0xd6: {  	v9 =	vmul.f32 v9, v10;
	[tilespmem:s20+$0x210] =	vst v11;
	v11 =	vld [tilespmem:s20+$0x280]  }
0xd7: {  	v7 =	vmul.f32 v7, v10;
	[tilespmem:s20+$0x220] =	vst v12;
	v12 =	vld [tilespmem:s20+$0x290]  }
0xd8: {  	v8 =	vmul.f32 v8, v10;
	[tilespmem:s20+$0x230] =	vst v9;
	v9 =	vld [tilespmem:s20+$0x2A0]  }
0xd9: {  	[tilespmem:s20+$0x240] =	vst v7;
	v7 =	vmul.f32 v13, v10;
	v13 =	vbroadcast v0, $0x2;
	v15 =	vld [tilespmem:s20+$0x2B0]  }
0xda: {  	[tilespmem:s20+$0x250] =	vst v8;
	v8 =	vmul.f32 v14, v10;
	v10 =	vld [tilespmem:s20+$0x2C0]  }
0xdb: {  	[tilespmem:s20+$0x260] =	vst v7;
	v7 =	vmul.f32 v11, v13;
	v11 =	vld [tilespmem:s20+$0x2D0]  }
0xdc: {  	[tilespmem:s20+$0x270] =	vst v8;
	v8 =	vmul.f32 v12, v13;
	v12 =	vld [tilespmem:s20+$0x2E0]  }
0xdd: {  	[tilespmem:s20+$0x280] =	vst v7;
	v7 =	vmul.f32 v9, v13;
	v9 =	vld [tilespmem:s20+$0x2F0]  }
0xde: {  	[tilespmem:s20+$0x290] =	vst v8;
	v8 =	vmul.f32 v15, v13;
	v14 =	vld [tilespmem:s20+$0x300]  }
0xdf: {  	[tilespmem:s20+$0x2A0] =	vst v7;
	v7 =	vmul.f32 v10, v13;
	v10 =	vld [tilespmem:s20+$0x310]  }
0xe0: {  	[tilespmem:s20+$0x2B0] =	vst v8;
	v8 =	vmul.f32 v11, v13;
	v11 =	vld [tilespmem:s20+$0x320]  }
0xe1: {  	[tilespmem:s20+$0x2C0] =	vst v7;
	v7 =	vmul.f32 v12, v13;
	v12 =	vbroadcast v0, $0x3;
	v15 =	vld [tilespmem:s20+$0x330]  }
0xe2: {  	[tilespmem:s20+$0x2D0] =	vst v8;
	v8 =	vmul.f32 v9, v13;
	v9 =	vld [tilespmem:s20+$0x340]  }
0xe3: {  	[tilespmem:s20+$0x2E0] =	vst v7;
	v7 =	vmul.f32 v14, v12;
	v13 =	vld [tilespmem:s20+$0x350]  }
0xe4: {  	[tilespmem:s20+$0x2F0] =	vst v8;
	v8 =	vmul.f32 v10, v12;
	v10 =	vld [tilespmem:s20+$0x360]  }
0xe5: {  	[tilespmem:s20+$0x300] =	vst v7;
	v7 =	vmul.f32 v11, v12;
	v11 =	vld [tilespmem:s20+$0x370]  }
0xe6: {  	[tilespmem:s20+$0x310] =	vst v8;
	v8 =	vmul.f32 v15, v12;
	v14 =	vld [tilespmem:s20+$0x380]  }
0xe7: {  	[tilespmem:s20+$0x320] =	vst v7;
	v7 =	vmul.f32 v9, v12;
	v9 =	vld [tilespmem:s20+$0x390]  }
0xe8: {  	[tilespmem:s20+$0x330] =	vst v8;
	v8 =	vmul.f32 v13, v12;
	v13 =	vld [tilespmem:s20+$0x3A0]  }
0xe9: {  	[tilespmem:s20+$0x340] =	vst v7;
	v7 =	vmul.f32 v10, v12;
	v10 =	vld [tilespmem:s20+$0x3B0]  }
0xea: {  	[tilespmem:s20+$0x350] =	vst v8;
	v8 =	vmul.f32 v11, v12;
	v11 =	vld [tilespmem:s20+$0x3C0]  }
0xeb: {  	[tilespmem:s20+$0x360] =	vst v7;
	v7 =	vmul.f32 v14, v6;
	v12 =	vld [tilespmem:s20+$0x3D0]  }
0xec: {  	[tilespmem:s20+$0x370] =	vst v8;
	v8 =	vmul.f32 v9, v6;
	v9 =	vld [tilespmem:s20+$0x3E0]  }
0xed: {  	[tilespmem:s20+$0x380] =	vst v7;
	v7 =	vmul.f32 v13, v6;
	v13 =	vld [tilespmem:s20+$0x3F0]  }
0xee: {  	[tilespmem:s20+$0x390] =	vst v8;
	v8 =	vmul.f32 v10, v6;
	v10 =	vld [tilespmem:s20+$0x400]  }
0xef: {  	[tilespmem:s20+$0x3A0] =	vst v7;
	v7 =	vmul.f32 v11, v6;
	v11 =	vld [tilespmem:s20+$0x410]  }
0xf0: {  	[tilespmem:s20+$0x3B0] =	vst v8;
	v8 =	vmul.f32 v12, v6;
	v12 =	vld [tilespmem:s20+$0x420]  }
0xf1: {  	[tilespmem:s20+$0x3C0] =	vst v7;
	v7 =	vmul.f32 v9, v6;
	v9 =	vbroadcast v0, $0x5;
	v14 =	vld [tilespmem:s20+$0x430]  }
0xf2: {  	[tilespmem:s20+$0x3D0] =	vst v8;
	v6 =	vmul.f32 v13, v6;
	v8 =	vld [tilespmem:s20+$0x440]  }
0xf3: {  	[tilespmem:s20+$0x3E0] =	vst v7;
	v7 =	vmul.f32 v10, v9;
	v10 =	vld [tilespmem:s20+$0x450]  }
0xf4: {  	[tilespmem:s20+$0x3F0] =	vst v6;
	v6 =	vmul.f32 v11, v9;
	v11 =	vld [tilespmem:s20+$0x460]  }
0xf5: {  	[tilespmem:s20+$0x400] =	vst v7;
	v7 =	vmul.f32 v12, v9;
	v12 =	vld [tilespmem:s20+$0x470]  }
0xf6: {  	[tilespmem:s20+$0x410] =	vst v6;
	v6 =	vmul.f32 v14, v9;
	v13 =	vld [tilespmem:s20+$0x480]  }
0xf7: {  	[tilespmem:s20+$0x420] =	vst v7;
	v7 =	vmul.f32 v8, v9;
	v8 =	vld [tilespmem:s20+$0x490]  }
0xf8: {  	[tilespmem:s20+$0x430] =	vst v6;
	v6 =	vmul.f32 v10, v9;
	v10 =	vld [tilespmem:s20+$0x4A0]  }
0xf9: {  	[tilespmem:s20+$0x440] =	vst v7;
	v7 =	vmul.f32 v11, v9;
	v11 =	vbroadcast v0, $0x6;
	v14 =	vld [tilespmem:s20+$0x4B0]  }
0xfa: {  	[tilespmem:s20+$0x450] =	vst v6;
	v6 =	vmul.f32 v12, v9;
	v9 =	vld [tilespmem:s20+$0x4C0]  }
0xfb: {  	[tilespmem:s20+$0x460] =	vst v7;
	v7 =	vmul.f32 v13, v11;
	v12 =	vld [tilespmem:s20+$0x4D0]  }
0xfc: {  	[tilespmem:s20+$0x470] =	vst v6;
	v6 =	vmul.f32 v8, v11;
	v8 =	vld [tilespmem:s20+$0x4E0]  }
0xfd: {  	[tilespmem:s20+$0x480] =	vst v7;
	v7 =	vmul.f32 v10, v11;
	v10 =	vld [tilespmem:s20+$0x4F0]  }
0xfe: {  	[tilespmem:s20+$0x490] =	vst v6;
	v6 =	vmul.f32 v14, v11;
	v13 =	vld [tilespmem:s20+$0x500]  }
0xff: {  	[tilespmem:s20+$0x4A0] =	vst v7;
	v7 =	vmul.f32 v9, v11;
	v9 =	vld [tilespmem:s20+$0x510]  }
0x100: {  	[tilespmem:s20+$0x4B0] =	vst v6;
	v6 =	vmul.f32 v12, v11;
	v12 =	vld [tilespmem:s20+$0x520]  }
0x101: {  	[tilespmem:s20+$0x4C0] =	vst v7;
	v7 =	vmul.f32 v8, v11;
	v8 =	vbroadcast v0, $0x7;
	v14 =	vld [tilespmem:s20+$0x530]  }
0x102: {  	[tilespmem:s20+$0x4D0] =	vst v6;
	v6 =	vmul.f32 v10, v11;
	v10 =	vld [tilespmem:s20+$0x540]  }
0x103: {  	[tilespmem:s20+$0x4E0] =	vst v7;
	v7 =	vmul.f32 v13, v8;
	v11 =	vld [tilespmem:s20+$0x550]  }
0x104: {  	[tilespmem:s20+$0x4F0] =	vst v6;
	v6 =	vmul.f32 v9, v8;
	v9 =	vld [tilespmem:s20+$0x560]  }
0x105: {  	[tilespmem:s20+$0x500] =	vst v7;
	v7 =	vmul.f32 v12, v8;
	v12 =	vld [tilespmem:s20+$0x570]  }
0x106: {  	[tilespmem:s20+$0x510] =	vst v6;
	v6 =	vmul.f32 v14, v8;
	v13 =	vld [tilespmem:s20+$0x580]  }
0x107: {  	[tilespmem:s20+$0x520] =	vst v7;
	v7 =	vmul.f32 v10, v8;
	v10 =	vld [tilespmem:s20+$0x590]  }
0x108: {  	[tilespmem:s20+$0x530] =	vst v6;
	v6 =	vmul.f32 v11, v8;
	v11 =	vld [tilespmem:s20+$0x5A0]  }
0x109: {  	[tilespmem:s20+$0x540] =	vst v7;
	v7 =	vmul.f32 v9, v8;
	v9 =	vbroadcast v0, $0x8;
	v14 =	vld [tilespmem:s20+$0x5B0]  }
0x10a: {  	[tilespmem:s20+$0x550] =	vst v6;
	v6 =	vmul.f32 v12, v8;
	v8 =	vld [tilespmem:s20+$0x5C0]  }
0x10b: {  	[tilespmem:s20+$0x560] =	vst v7;
	v7 =	vmul.f32 v13, v9;
	v12 =	vld [tilespmem:s20+$0x5D0]  }
0x10c: {  	[tilespmem:s20+$0x570] =	vst v6;
	v6 =	vmul.f32 v10, v9;
	v10 =	vld [tilespmem:s20+$0x5E0]  }
0x10d: {  	[tilespmem:s20+$0x580] =	vst v7;
	v7 =	vmul.f32 v11, v9;
	v11 =	vld [tilespmem:s20+$0x5F0]  }
0x10e: {  	[tilespmem:s20+$0x590] =	vst v6;
	v6 =	vmul.f32 v14, v9;
	v13 =	vld [tilespmem:s20+$0x600]  }
0x10f: {  	[tilespmem:s20+$0x5A0] =	vst v7;
	v7 =	vmul.f32 v8, v9;
	v8 =	vld [tilespmem:s20+$0x610]  }
0x110: {  	[tilespmem:s20+$0x5B0] =	vst v6;
	v6 =	vmul.f32 v12, v9;
	v12 =	vld [tilespmem:s20+$0x620]  }
0x111: {  	[tilespmem:s20+$0x5C0] =	vst v7;
	v7 =	vmul.f32 v10, v9;
	v10 =	vbroadcast v0, $0x9;
	v14 =	vld [tilespmem:s20+$0x630]  }
0x112: {  	[tilespmem:s20+$0x5D0] =	vst v6;
	v6 =	vmul.f32 v11, v9;
	v9 =	vld [tilespmem:s20+$0x640]  }
0x113: {  	[tilespmem:s20+$0x5E0] =	vst v7;
	v7 =	vmul.f32 v13, v10;
	v11 =	vld [tilespmem:s20+$0x650]  }
0x114: {  	[tilespmem:s20+$0x5F0] =	vst v6;
	v6 =	vmul.f32 v8, v10;
	v8 =	vld [tilespmem:s20+$0x660]  }
0x115: {  	[tilespmem:s20+$0x600] =	vst v7;
	v7 =	vmul.f32 v12, v10;
	v12 =	vld [tilespmem:s20+$0x670]  }
0x116: {  	[tilespmem:s20+$0x610] =	vst v6;
	v6 =	vmul.f32 v14, v10;
	v13 =	vld [tilespmem:s20+$0x680]  }
0x117: {  	[tilespmem:s20+$0x620] =	vst v7;
	v7 =	vmul.f32 v9, v10;
	v9 =	vld [tilespmem:s20+$0x690]  }
0x118: {  	[tilespmem:s20+$0x630] =	vst v6;
	v6 =	vmul.f32 v11, v10;
	v11 =	vld [tilespmem:s20+$0x6A0]  }
0x119: {  	[tilespmem:s20+$0x640] =	vst v7;
	v7 =	vmul.f32 v8, v10;
	v8 =	vld [tilespmem:s20+$0x6B0]  }
0x11a: {  	[tilespmem:s20+$0x650] =	vst v6;
	v6 =	vmul.f32 v12, v10;
	v10 =	vld [tilespmem:s20+$0x6C0]  }
0x11b: {  	[tilespmem:s20+$0x660] =	vst v7;
	v7 =	vmul.f32 v13, v3;
	v12 =	vld [tilespmem:s20+$0x6D0]  }
0x11c: {  	[tilespmem:s20+$0x670] =	vst v6;
	v6 =	vmul.f32 v9, v3;
	v9 =	vld [tilespmem:s20+$0x6E0]  }
0x11d: {  	v13 =	vld [tilespmem:s20+$0x180];
	[tilespmem:s20+$0x680] =	vst v7;
	v7 =	vmul.f32 v11, v3  }
0x11e: {  	v11 =	vld [tilespmem:s20+$0x190];
	[tilespmem:s20+$0x690] =	vst v6;
	v6 =	vmul.f32 v8, v3  }
0x11f: {  	v8 =	vld [tilespmem:s20+$0x1C0];
	[tilespmem:s20+$0x6A0] =	vst v7;
	v7 =	vmul.f32 v10, v3  }
0x120: {  	v10 =	vld [tilespmem:s20+$0x1D0];
	[tilespmem:s20+$0x6B0] =	vst v6;
	v6 =	vmul.f32 v12, v3  }
0x121: {  	[tilespmem:s20+$0x6C0] =	vst v7;
	v7 =	vmul.f32 v9, v3;
	v9 =	vbroadcast v0, $0xB;
	v12 =	vld [tilespmem:s20+$0x720]  }
0x122: {  	v3 =	vbroadcast v0, $0xF;
	v13 =	vmul.f32 v1, v13;
	[tilespmem:s20+$0x6D0] =	vst v6;
	v6 =	vld [tilespmem:s20+$0x730]  }
0x123: {  	v11 =	vmul.f32 v11, v1;
	[tilespmem:s20+$0x6E0] =	vst v7;
	v4 =	vmul.f32 v4, v9;
	v7 =	vld [tilespmem:s20+$0x740]  }
0x124: {  	v5 =	vmul.f32 v5, v9;
	[tilespmem:s20+$0x180] =	vst v13;
	v8 =	vmul.f32 v8, v1;
	v13 =	vld [tilespmem:s20+$0x750]  }
0x125: {  	v2 =	vmul.f32 v2, v3;
	v10 =	vmul.f32 v10, v1;
	[tilespmem:s20+$0x700] =	vst v4;
	v1 =	vld [tilespmem:s20+$0x760]  }
0x126: {  	[tilespmem:s20+$0x710] =	vst v5;
	v4 =	vmul.f32 v12, v9;
	v5 =	vld [tilespmem:s20+$0x770]  }
0x127: {  	v6 =	vmul.f32 v6, v9;
	v12 =	vld [tilespmem:s20+$0x780];
	[tilespmem:s20+$0x950] =	vst v2  }
0x128: {  	[tilespmem:s20+$0x190] =	vst v11;
	v2 =	vmul.f32 v7, v9;
	v7 =	vld [tilespmem:s20+$0x790]  }
0x129: {  	[tilespmem:s20+$0x1C0] =	vst v8;
	v8 =	vmul.f32 v13, v9;
	v11 =	vld [tilespmem:s20+$0x7A0]  }
0x12a: {  	v13 =	vbroadcast v0, $0xC;
	[tilespmem:s20+$0x720] =	vst v4;
	v4 =	vmul.f32 v1, v9;
	v14 =	vld [tilespmem:s20+$0x7B0]  }
0x12b: {  	[tilespmem:s20+$0x750] =	vst v8;
	v5 =	vmul.f32 v5, v9;
	v8 =	vld [tilespmem:s20+$0x7C0]  }
0x12c: {  	[tilespmem:s20+$0x730] =	vst v6;
	v1 =	vmul.f32 v12, v13;
	v6 =	vld [tilespmem:s20+$0x7D0]  }
0x12d: {  	[tilespmem:s20+$0x740] =	vst v2;
	v2 =	vmul.f32 v7, v13;
	v7 =	vld [tilespmem:s20+$0x7E0]  }
0x12e: {  	[tilespmem:s20+$0x780] =	vst v1;
	v1 =	vmul.f32 v11, v13;
	v9 =	vld [tilespmem:s20+$0x7F0]  }
0x12f: {  	[tilespmem:s20+$0x790] =	vst v2;
	v2 =	vld [tilespmem:s20+$0x800]  }
0x130: {  	[tilespmem:s20+$0x1D0] =	vst v10;
	v8 =	vmul.f32 v8, v13;
	v10 =	vld [tilespmem:s20+$0x810]  }
0x131: {  	[tilespmem:s20+$0x760] =	vst v4;
	v4 =	vmul.f32 v6, v13;
	v6 =	vld [tilespmem:s20+$0x820]  }
0x132: {  	[tilespmem:s20+$0x7C0] =	vst v8;
	v7 =	vmul.f32 v7, v13;
	v8 =	vbroadcast v0, $0xD;
	v11 =	vld [tilespmem:s20+$0x830]  }
0x133: {  	[tilespmem:s20+$0x7D0] =	vst v4;
	v4 =	vmul.f32 v9, v13;
	v9 =	vld [tilespmem:s20+$0x840]  }
0x134: {  	[tilespmem:s20+$0x7E0] =	vst v7;
	v2 =	vmul.f32 v2, v8;
	v7 =	vld [tilespmem:s20+$0x850]  }
0x135: {  	[tilespmem:s20+$0x7F0] =	vst v4;
	v4 =	vmul.f32 v10, v8;
	v10 =	vld [tilespmem:s20+$0x860]  }
0x136: {  	[tilespmem:s20+$0x800] =	vst v2;
	v2 =	vmul.f32 v6, v8;
	v6 =	vld [tilespmem:s20+$0x870]  }
0x137: {  	[tilespmem:s20+$0x810] =	vst v4;
	v4 =	vmul.f32 v11, v8;
	v11 =	vld [tilespmem:s20+$0x880]  }
0x138: {  	[tilespmem:s20+$0x820] =	vst v2;
	v2 =	vmul.f32 v9, v8;
	v9 =	vld [tilespmem:s20+$0x890]  }
0x139: {  	[tilespmem:s20+$0x830] =	vst v4;
	v4 =	vmul.f32 v7, v8;
	v7 =	vld [tilespmem:s20+$0x8A0]  }
0x13a: {  	v0 =	vbroadcast v0, $0xE;
	[tilespmem:s20+$0x770] =	vst v5;
	v5 =	vmul.f32 v10, v8;
	v10 =	vld [tilespmem:s20+$0x8B0]  }
0x13b: {  	[tilespmem:s20+$0x850] =	vst v4;
	v4 =	vmul.f32 v6, v8;
	v6 =	vld [tilespmem:s20+$0x8C0]  }
0x13c: {  	[tilespmem:s20+$0x860] =	vst v5;
	v5 =	vmul.f32 v11, v0;
	v8 =	vld [tilespmem:s20+$0x8D0]  }
0x13d: {  	[tilespmem:s20+$0x870] =	vst v4;
	v4 =	vmul.f32 v9, v0;
	v9 =	vld [tilespmem:s20+$0x8E0]  }
0x13e: {  	[tilespmem:s20+$0x880] =	vst v5;
	v5 =	vmul.f32 v7, v0;
	v7 =	vld [tilespmem:s20+$0x8F0]  }
0x13f: {  	[tilespmem:s20+$0x890] =	vst v4;
	v4 =	vmul.f32 v10, v0;
	v10 =	vld [tilespmem:s20+$0x900]  }
0x140: {  	[tilespmem:s20+$0x8A0] =	vst v5;
	v5 =	vmul.f32 v6, v0;
	v6 =	vld [tilespmem:s20+$0x910]  }
0x141: {  	[tilespmem:s20+$0x8B0] =	vst v4;
	v4 =	vmul.f32 v8, v0;
	v8 =	vld [tilespmem:s20+$0x920]  }
0x142: {  	[tilespmem:s20+$0x8C0] =	vst v5;
	v5 =	vmul.f32 v9, v0;
	v9 =	vld [tilespmem:s20+$0x930]  }
0x143: {  	[tilespmem:s20+$0x840] =	vst v2;
	v0 =	vmul.f32 v7, v0;
	v2 =	vld [tilespmem:s20+$0x940]  }
0x144: {  	[tilespmem:s20+$0x8E0] =	vst v5;
	v5 =	vmul.f32 v10, v3;
	v7 =	vld [tilespmem:s20+$0x960]  }
0x145: {  	[tilespmem:s20+$0x8F0] =	vst v0;
	v0 =	vmul.f32 v6, v3;
	v6 =	vld [tilespmem:s20+$0x970]  }
0x146: {  	[tilespmem:s20+$0x900] =	vst v5;
	v5 =	vmul.f32 v8, v3  }
0x147: {  	[tilespmem:s20+$0x910] =	vst v0;
	v0 =	vmul.f32 v9, v3  }
0x148: {  	v8 =	vmul.f32 v14, v13;
	[tilespmem:s20+$0x920] =	vst v5  }
0x149: {  	[tilespmem:s20+$0x930] =	vst v0;
	v0 =	vmul.f32 v2, v3  }
.Ltmp5:
0x14a: {  	[tilespmem:s20+$0x7B0] =	vst v8;
	v2 =	vmul.f32 v6, v3;
	(pc) =	sbr.rel @p0 .LBB2_4-.Ltmp5, $4  }
0x14b: {  	[tilespmem:s20+$0x940] =	vst v0  }
0x14c: {  	v0 =	vmul.f32 v7, v3;
	[tilespmem:s20+$0x970] =	vst v2  }
0x14d: {  	[tilespmem:s20+$0x8D0] =	vst v4  }
0x14e: {  	[tilespmem:s20+$0x960] =	vst v0  }
.Ltmp6:
0x14f: {  	[tilespmem:s20+$0x7A0] =	vst v1;
	(pc) =	sbr.rel .LBB2_6-.Ltmp6, $4  }
0x150: {  	[spmem:s4] =	stream.indirect.scatter.add.f32 [tilespmem:s17], [sflag:$0x1], $0x80, s15, s15, $0xb8;
	[tilespmem:$0x18180] =	vst v63  }
0x151: {  	_ =	swait.ge [sflag:s13], $0x4000  }
0x152: {  	[sflag:s13] =	ssyncset.done $0x0  }
0x153: {  	[sflag:s13] =	ssyncadd.s32 $0xFFFFC000  }
.LBB2_8:
0x154: {  	_ =	sfence.sel $0x180000  }
0x155: {  	[bflag:$0x0] =	sbarrier.arrive $0xFFFF  }
0x156: {  	p0 =	sne.s32 s3, $0x0;
	_ =	strace $0x90000047  }
0x157: {  	s0 =	sadd.s32 @!p0 $0x100000, s0;
	[bflag:$0x2] =	sbarrier.arrive $0xFFFF  }
0x158: {  	[sflag:s0] =	ssyncadd.tile.s32 @!p0 $0x1;
	_ =	shalt  }
.Lfunc_end2:
_tile_overlayer_lowered:
.L_overlay_start_2:
0x159: {  	(tag) =	ssettag $0x2  }
0x15a: {  	s0 =	rddreg [dreg:$0x0];
	s2 =	stileid.u32  }
0x15b: {  	s1 =	rddreg [dreg:$0x1];
	p0 =	sne.s32 s2, $0x0  }
0x15c: {  	s3 =	rddreg [dreg:$0x2];
	[bflag:$0x3] =	sbarrier.arrive $0xFFFF;
	s2 =	simm.s32 @!p0 $0x1C01  }
0x15d: {  	[timem:s3], [sflag:s2] =	dma.local @!p0 [hbm:s0], s1  }
0x15e: {  	s0 =	simm.s32 @!p0 $0x1  }
0x15f: {  	_ =	swait.ge @!p0 [sflag:s0], s1  }
0x160: {  	s1 =	ssub.s32 @!p0 $0x0, s1;
	[sflag:s0] =	ssyncset.done @!p0 $0x0  }
0x161: {  	[sflag:s0] =	ssyncadd.s32 @!p0 s1  }
0x162: {  	[bflag:$0x3] =	sbarrier.arrive $0xFFFF  }
0x163: {  	_ =	shalt  }

// kernel: kernel.9.cloned.1.call-start
scs
__scs_entry_jumppad:
0x0: {  	(pc) =	sbr.rel $0x88, $3  }
0x1: {  	(tag) =	ssettag $0x0;
	lr =	simm.s32 $0x1  }
0x2: {  	[smem:$0x3F9D] =	sst lr;
	_ =	strace $0xD0000000  }
0x3: {  	_ = 	snop  }
0x4: {  	_ = 	snop  }
0x5: {  	_ = 	snop  }
0x6: {  	_ = 	snop  }
0x7: {  	_ = 	snop  }
__scs_overlays_trampoline_lowered:
0x8: {  	[smem:$0x3FAC] =	sst s0  }
0x9: {  	[smem:$0x3FAD] =	sst s1  }
0xa: {  	[smem:$0x3FAE] =	sst s2  }
0xb: {  	[smem:$0x3FAF] =	sst s3  }
0xc: {  	[smem:$0x3FB0] =	sst s4  }
0xd: {  	[smem:$0x3FB1] =	sst s5  }
0xe: {  	[smem:$0x3FB2] =	sst s6  }
0xf: {  	[smem:$0x3FB3] =	sst s7  }
0x10: {  	[smem:$0x3FB4] =	sst s8  }
0x11: {  	[smem:$0x3FB5] =	sst s9;
	s0 =	simm.s32 @!p0 $0x0  }
0x12: {  	s1 =	sld [smem:$0x3F9B];
	s0 =	simm.s32 @p0 $0x1  }
0x13: {  	[smem:$0x3FB6] =	sst s0;
	s0 =	simm.s32 @!p1 $0x0  }
0x14: {  	s2 =	sld [smem:$0x3F9A];
	s0 =	simm.s32 @p1 $0x1  }
0x15: {  	[smem:$0x3FB7] =	sst s0;
	s0 =	simm.s32 @!p2 $0x0  }
0x16: {  	s3 =	sld [smem:$0x3FDB];
	s0 =	simm.s32 @p2 $0x1  }
0x17: {  	s4 =	simm.s32 $0x1BF5;
	[smem:$0x3FB9] =	sst s0  }
0x18: {  	s0 =	sld [smem:$0x3F9C];
	_ =	swait.ge [sflag:s4], $0x0  }
0x19: {  	s7 =	sld [smem:$0x3F9D]  }
0x1a: {  	s8 =	sadd.s32 $0xFFFFE003, lr  }
0x1b: {  	s9 =	sadd.s32 $0xFFFFFEF7, lr;
	s5 =	simm.s32 $0xFFFFFFFF;
	p2 =	slt.u32 s8, $0xFFFFF086  }
0x1c: {  	p1 =	slt.u32 s9, $0xF7A;
	s5 =	simm.s32 @!p2 $0x0  }
0x1d: {  	s5 =	simm.s32 @p1 $0x1;
	p0 =	seq.s32 s7, s2  }
0x1e: {  	s7 =	smul.u32 @!p0 $0xF7A, s2;
	p2 =	seq.s32 @!p0 s5, $0x0  }
0x1f: {  	s9 =	smul.u32 $0xF7A, s1;
	s8 =	simm.s32 @!p0 $0x1BF5;
	p2 =	por !p2, p0  }
0x20: {  	[sflag:s8] =	ssyncset.s32 @!p0 $0xFFFFF086;
	s6 =	sadd.s32 @!p0 s3, s7;
	s7 =	simm.s32 @!p0 $0x108  }
0x21: {  	s3 =	sadd.s32 s3, s9;
	s6 =	sadd.s32 @!p0 $0x88, s6;
	s7 =	simm.s32 @p2 $0x1082  }
0x22: {  	[simem:s7], [sflag:s8] =	dma.local @!p0 [hbm:s6], $0xF7A  }
0x23: {  	s9 =	sor.u32 $0xD0000000, s2;
	s6 =	simm.s32 $0x108;
	_ =	swait.ge @!p0 [sflag:s8], $0x0  }
0x24: {  	s3 =	sadd.s32 $0x88, s3;
	s6 =	simm.s32 @!p1 $0x1082;
	[sflag:s4] =	ssyncset.s32 $0xFFFFF086  }
0x25: {  	[simem:s6], [sflag:s4] =	dma.local [hbm:s3], $0xF7A  }
0x26: {  	[smem:$0x3F9D] =	sst s1;
	(tag) =	ssettag s2;
	_ =	strace s9  }
0x27: {  	s1 =	sld [smem:$0x3FAD]  }
0x28: {  	s2 =	sld [smem:$0x3FAE]  }
0x29: {  	s4 =	sld [smem:$0x3FB0]  }
0x2a: {  	p0 =	seq.s32 s5, $0x0;
	s5 =	sld [smem:$0x3FB1]  }
0x2b: {  	s6 =	sld [smem:$0x3FB2]  }
0x2c: {  	s7 =	sld [smem:$0x3FB3]  }
0x2d: {  	s3 =	simm.s32 $0x108;
	s8 =	sld [smem:$0x3FB4]  }
0x2e: {  	s3 =	simm.s32 @!p0 $0x1082;
	s9 =	sld [smem:$0x3FB5]  }
0x2f: {  	lr =	sadd.s32 s0, s3;
	s0 =	sld [smem:$0x3FAC]  }
0x30: {  	s3 =	sld [smem:$0x3FAF]  }
0x31: {  	[smem:$0x3FB8] =	sst s10  }
0x32: {  	s10 =	sld [smem:$0x3FB6];
	_ =	sdelay $0x3  }
0x33: {  	p0 =	seq.s32 s10, $0x1;
	s10 =	sld [smem:$0x3FB8];
	_ =	sdelay $0x3  }
0x34: {  	[smem:$0x3FB8] =	sst s10  }
0x35: {  	s10 =	sld [smem:$0x3FB7];
	_ =	sdelay $0x3  }
0x36: {  	p1 =	seq.s32 s10, $0x1;
	s10 =	sld [smem:$0x3FB8];
	_ =	sdelay $0x3  }
0x37: {  	[smem:$0x3FB8] =	sst s10  }
0x38: {  	s10 =	sld [smem:$0x3FB9]  }
0x39: {  	_ = 	snop;
	(pc) =	sbr.ind lr, $3  }
0x3a: {  	_ = 	snop  }
0x3b: {  	_ = 	snop  }
0x3c: {  	p2 =	seq.s32 s10, $0x1;
	s10 =	sld [smem:$0x3FB8]  }
0x3d: {  	_ =	shalt  }
0x3e: {  	_ =	shalt  }
0x3f: {  	_ =	shalt  }
0x40: {  	_ =	shalt  }
0x41: {  	_ =	shalt  }
0x42: {  	_ =	shalt  }
0x43: {  	_ =	shalt  }
0x44: {  	_ =	shalt  }
0x45: {  	_ =	shalt  }
0x46: {  	_ =	shalt  }
0x47: {  	_ =	shalt  }
0x48: {  	_ =	shalt  }
0x49: {  	_ =	shalt  }
0x4a: {  	_ =	shalt  }
0x4b: {  	_ =	shalt  }
0x4c: {  	_ =	shalt  }
0x4d: {  	_ =	shalt  }
0x4e: {  	_ =	shalt  }
0x4f: {  	_ =	shalt  }
0x50: {  	_ =	shalt  }
0x51: {  	_ =	shalt  }
0x52: {  	_ =	shalt  }
0x53: {  	_ =	shalt  }
0x54: {  	_ =	shalt  }
0x55: {  	_ =	shalt  }
0x56: {  	_ =	shalt  }
0x57: {  	_ =	shalt  }
0x58: {  	_ =	shalt  }
0x59: {  	_ =	shalt  }
0x5a: {  	_ =	shalt  }
0x5b: {  	_ =	shalt  }
0x5c: {  	_ =	shalt  }
0x5d: {  	_ =	shalt  }
0x5e: {  	_ =	shalt  }
0x5f: {  	_ =	shalt  }
0x60: {  	_ =	shalt  }
0x61: {  	_ =	shalt  }
0x62: {  	_ =	shalt  }
0x63: {  	_ =	shalt  }
0x64: {  	_ =	shalt  }
0x65: {  	_ =	shalt  }
0x66: {  	_ =	shalt  }
0x67: {  	_ =	shalt  }
0x68: {  	_ =	shalt  }
0x69: {  	_ =	shalt  }
0x6a: {  	_ =	shalt  }
0x6b: {  	_ =	shalt  }
0x6c: {  	_ =	shalt  }
0x6d: {  	_ =	shalt  }
0x6e: {  	_ =	shalt  }
0x6f: {  	_ =	shalt  }
0x70: {  	_ =	shalt  }
0x71: {  	_ =	shalt  }
0x72: {  	_ =	shalt  }
0x73: {  	_ =	shalt  }
0x74: {  	_ =	shalt  }
0x75: {  	_ =	shalt  }
0x76: {  	_ =	shalt  }
0x77: {  	_ =	shalt  }
0x78: {  	_ =	shalt  }
0x79: {  	_ =	shalt  }
0x7a: {  	_ =	shalt  }
0x7b: {  	_ =	shalt  }
0x7c: {  	_ =	shalt  }
0x7d: {  	_ =	shalt  }
0x7e: {  	_ =	shalt  }
0x7f: {  	_ =	shalt  }
0x80: {  	_ =	shalt  }
0x81: {  	_ =	shalt  }
0x82: {  	_ =	shalt  }
0x83: {  	_ =	shalt  }
0x84: {  	_ =	shalt  }
0x85: {  	_ =	shalt  }
0x86: {  	_ =	shalt  }
0x87: {  	_ =	shalt  }
.Lfunc_end0:
.L_simem_size_0:
called_computation.1_lowered:
.L_overlay_start_0:
0x88: {  	s2 =	sld [smem:$0x3FD9]  }
0x89: {  	s3 =	sld [smem:$0x3FFE];
	_ =	sdelay $0x1  }
0x8a: {  	s1 =	srdreg.scid  }
0x8b: {  	s0 =	sand.u32 $0x1, s1  }
0x8c: {  	s17 =	sshll.u32 s0, $0xA;
	s2 =	sadd.s32 s3, s2  }
0x8d: {  	s2 =	sadd.s32 s2, s17  }
0x8e: {  	[smem:$0x3FC4] =	sst s2  }
0x8f: {  	_ = 	snop  }
0x90: {  	s2 =	sld [smem:$0x3FD0];
	(tm) =	ssettm $0x1  }
0x91: {  	s18 =	sld [smem:$0x3FFB];
	_ =	sdelay $0x3  }
0x92: {  	_ =	strace s18  }
0x93: {  	s3 =	sld [smem:$0x3FFC];
	_ =	sdelay $0x3  }
0x94: {  	_ =	strace s3  }
0x95: {  	s3 =	sld [smem:$0x3FFD];
	_ =	sdelay $0x3  }
0x96: {  	_ =	strace s3  }
0x97: {  	_ =	strace $0x8FFFFFFF  }
0x98: {  	s19 =	sld [smem:$0x3FDB];
	_ =	sdelay $0x1  }
0x99: {  	s4 =	simm.s32 $_scs_section_size  }
0x9a: {  	s5 =	simm.s32 $_size__tile_overlayer_lowered;
	s6 =	simm.s32 $_tile_overlayer_lowered  }
0x9b: {  	s22 =	simm.s32 $0x1BFF;
	s21 =	sshll.u32 s6, $0x1;
	s3 =	sadd.s32 s4, s19  }
0x9c: {  	s7 =	simm.s32 $0x0;
	s20 =	sshll.u32 s5, $0x1;
	s5 =	sadd.s32 s21, s3  }
0x9d: {  	[timem:s7], [sflag:s22] =	dma.local [hbm:s5], s20  }
0x9e: {  	_ =	swait.ge [sflag:s22], s20  }
0x9f: {  	s4 =	ssub.s32 $0x0, s20;
	[sflag:s22] =	ssyncset.done $0x0  }
0xa0: {  	[sflag:s22] =	ssyncadd.s32 s4;
	_ =	sdelay $0x1  }
0xa1: {  	s23 =	simm.s32 $0x1B8B  }
0xa2: {  	_ =	swait.ge [sflag:s23], $0x1  }
0xa3: {  	[sflag:s23] =	ssyncset.done $0x0  }
0xa4: {  	s25 =	simm.s32 $0x1B8E;
	s24 =	sld [smem:$0x3FFE];
	[sflag:s23] =	ssyncadd.s32 $0xFFFFFFFF  }
0xa5: {  	s26 =	simm.s32 $execute0_lowered;
	[smem:$0x3FD2] =	sst s25  }
0xa6: {  	s5 =	sshll.u32 s26, $0x1;
	_ =	strace $0x80000049;
	[dreg:$0x1] =	wrdreg $0xFFFFFFFF  }
0xa7: {  	s28 =	simm.s32 $_size_execute0_lowered;
	s3 =	sadd.s32 s3, s5;
	[dreg:$0x0] =	wrdreg $0x0  }
0xa8: {  	s5 =	sshll.u32 s28, $0x1;
	[dreg:$0x2] =	wrdreg s3  }
0xa9: {  	[dreg:$0x3] =	wrdreg s5  }
0xaa: {  	[dreg:$0x4] =	wrdreg $0xC0  }
0xab: {  	_ =	task [dreg:s7], $0x5FFFF  }
0xac: {  	[dreg:$0x1] =	wrdreg $0xFFFFFFFF  }
0xad: {  	[dreg:$0x0] =	wrdreg $0x60  }
0xae: {  	[dreg:$0x2] =	wrdreg s24  }
0xaf: {  	[dreg:$0x3] =	wrdreg s2  }
0xb0: {  	[dreg:$0x4] =	wrdreg $0x41800  }
0xb1: {  	[dreg:$0x5] =	wrdreg $0x181800  }
0xb2: {  	[dreg:$0x6] =	wrdreg $0x9  }
0xb3: {  	_ =	task.clear_ibuf [dreg:s7], $0x7FFFF;
	_ =	strace $0x90000049  }
0xb4: {  	s29 =	simm.s32 $0x9;
	_ =	strace $0x8000004B  }
0xb5: {  	_ =	swait.ge [sflag:s29], $0x1  }
0xb6: {  	[sflag:s29] =	ssyncadd.s32 $0xFFFFFFFF  }
0xb7: {  	_ =	strace $0x9000004B  }
0xb8: {  	_ =	sfence  }
0xb9: {  	s30 =	sld [smem:$0x0];
	_ =	sdelay $0x2  }
0xba: {  	s31 =	sshll.u32 s1, $0xD;
	s1 =	sshrl.u32 s1, $0x2  }
0xbb: {  	s3 =	sand.u32 $0x4000, s31;
	s1 =	sadd.s32 s1, s30  }
0xbc: {  	s0 =	sor.u32 s3, s0;
	s1 =	sshll.u32 s1, $0x11  }
0xbd: {  	s0 =	sor.u32 s1, s0  }
0xbe: {  	s0 =	sadd.s32 $0x8F2B, s0  }
0xbf: {  	[sflag:s0] =	ssyncadd.remote.s32 $0x1  }
0xc0: {  	_ =	sfence.sel $0xFFFF  }
0xc1: {  	[dreg:$0x0] =	wrdreg $0xFFFFFFFF;
	(pc) =	sbr.abs _section_cstart, $3  }
0xc2: {  	[dreg:$0x1] =	wrdreg $0xFFFFFFFF  }
0xc3: {  	_ =	task.clear_ibuf [dreg:s7], $0x2FFFF;
	_ =	strace $0x9FFFFFFF  }
0xc4: {  	(tm) =	ssettm $0x7FFFFFFF  }
0xc5: {  	_ =	shalt  }
tec
execute0_lowered:
.L_overlay_start_1:
0x0: {  	(tag) =	ssettag $0x1  }
0x1: {  	s7 =	rddreg [dreg:$0x0]  }
0x2: {  	s1 =	rddreg [dreg:$0x1]  }
0x3: {  	s2 =	rddreg [dreg:$0x2]  }
0x4: {  	s4 =	rddreg [dreg:$0x3]  }
0x5: {  	s0 =	rddreg [dreg:$0x4];
	s3 =	stileid.u32  }
0x6: {  	s5 =	simm.s32 $0x0;
	s6 =	srdreg.scid;
	s9 =	smul.u32 $0x280, s3  }
0x7: {  	[smem:$0x7FF] =	sst s5;
	s17 =	smul.u32 $0x2800, s3  }
0x8: {  	s8 =	sand.u32 $0x1, s6;
	s15 =	smul.u32 $0x50000, s3;
	s29 =	sshll.u32 s3, $0x6  }
0x9: {  	s30 =	sshll.u32 s3, $0x4;
	s22 =	smul.u32 $0xA0, s3;
	_ =	strace $0x8000004A  }
0xa: {  	s6 =	sshll.u32 s8, $0x8;
	s13 =	smul.u32 $0x28000, s8;
	s14 =	sshll.u32 s8, $0x4  }
0xb: {  	s8 =	ssub.s32 $0x2, s8;
	s10 =	sadd.s32 s6, s7;
	s6 =	sadd.s32 $0x3CC00, s7  }
0xc: {  	s11 =	sshrl.u32 s9, $0x3;
	s12 =	sadd.s32 s17, s7;
	s16 =	sadd.s32 s14, s7  }
0xd: {  	s26 =	sshrl.u32 s8, $0x1;
	s28 =	sshrl.u32 s15, $0x2;
	s19 =	sadd.s32 s9, s4  }
0xe: {  	s11 =	sadd.s32 s11, s7;
	s13 =	sadd.s32 s13, s7;
	s18 =	ssub.s32 s8, s26  }
0xf: {  	s15 =	sadd.s32 s28, s2;
	s7 =	sadd.s32 $0x14C00, s12;
	s8 =	sor.u32 $0x1C01, s29  }
0x10: {  	s21 =	sadd.s32 $0x8D800, s16;
	s31 =	sadd.s32 s30, s10;
	s16 =	sshrl.u32 s19, $0x3  }
0x11: {  	s19 =	simm.s32 $0x20;
	s9 =	sadd.s32 $0x3D200, s11;
	s20 =	sadd.s32 $0x3D800, s13  }
0x12: {  	s10 =	smax.u32 s18, $0x1;
	s11 =	sadd.s32 $0x1000, s31;
	s12 =	sadd.s32 $0xAE00, s31  }
0x13: {  	s13 =	sor.u32 s14, s3;
	s14 =	sshrl.u32 s15, $0x3;
	s15 =	simm.s32 $0x1  }
0x14: {  	s18 =	sadd.s32 s22, s21;
	s17 =	sadd.s32 s17, s20;
	s20 =	simm.s32 $0x10  }
.LBB2_1:
0x15: {  	[spmem:s14], [sflag:s8] =	dma.local [hbm:s7], $0x2800  }
0x16: {  	_ =	swait.ge [sflag:s15], $0x2800  }
0x17: {  	[sflag:s15] =	ssyncset.done $0x0  }
0x18: {  	[sflag:s15] =	ssyncadd.s32 $0xFFFFD800  }
0x19: {  	[spmem:s16], [sflag:s8] =	dma.local [hbm:s9], $0x50  }
0x1a: {  	_ =	swait.ge [sflag:s15], $0x50  }
0x1b: {  	p0 =	sgt.u32 s13, $0x9C3;
	[sflag:s15] =	ssyncset.done $0x0  }
0x1c: {  	s21 =	sadd.s32 @!p0 $0x0, s12;
	[sflag:s15] =	ssyncadd.s32 $0xFFFFFFB0  }
0x1d: {  	s22 =	simm.s32 @!p0 $0x0;
	s23 =	simm.s32 @!p0 $0x2;
	[bflag:$0x0] =	sbarrier.arrive $0xFFFF  }
0x1e: {  	[tilespmem:s22], [sflag:$0x2] =	stream.linear.gather @!p0 [hbm4b:s21+s22], $0x80, $0x38;
	[tilespmem:$0x18400] =	vst v63  }
0x1f: {  	_ =	swait.ge @!p0 [sflag:s23], $0x80;
	p0 =	por p0, p0  }
0x20: {  	[sflag:s23] =	ssyncset.done @!p0 $0x0  }
0x21: {  	s21 =	sadd.s32 @!p0 $0x0, s11;
	s24 =	simm.s32 @!p0 $0x80;
	[sflag:s23] =	ssyncadd.s32 @!p0 $0xFFFFFF80  }
0x22: {  	[tilespmem:s24], [sflag:$0x2] =	stream.linear.gather @!p0 [hbm4b:s21+s22], $0x80, $0x38;
	[tilespmem:$0x18400] =	vst v63  }
0x23: {  	_ =	swait.ge @!p0 [sflag:s23], $0x80  }
0x24: {  	[sflag:s23] =	ssyncset.done @!p0 $0x0  }
0x25: {  	s21 =	simm.s32 @!p0 $0x100;
	[sflag:s23] =	ssyncadd.s32 @!p0 $0xFFFFFF80  }
0x26: {  	[tilespmem:s21], [sflag:$0x2] =	stream.indirect.gather @!p0 [hbm4b:s1+s24], $0x80, s24, s24, $0xb8;
	[tilespmem:$0x18400] =	vst v63  }
0x27: {  	_ =	swait.ge @!p0 [sflag:s23], $0x4000  }
0x28: {  	[sflag:s23] =	ssyncset.done @!p0 $0x0  }
0x29: {  	s25 =	simm.s32 @!p0 $0x4100;
	[sflag:s23] =	ssyncadd.s32 @!p0 $0xFFFFC000  }
0x2a: {  	[tilespmem:s25], [sflag:$0x2] =	stream.indirect.gather @!p0 [hbm4b:s6+s24], $0x1, s24, s24, $0xb8;
	[tilespmem:$0x18400] =	vst v63  }
0x2b: {  	_ =	swait.ge @!p0 [sflag:s23], $0x80  }
0x2c: {  	[sflag:s23] =	ssyncset.done @!p0 $0x0  }
0x2d: {  	[sflag:s23] =	ssyncadd.s32 @!p0 $0xFFFFFF80  }
0x2e: {  	[spmem:s2] =	stream.indirect.scatter.add.f32 @!p0 [tilespmem:s21], [sflag:$0x2], $0x80, s22, s24, $0xb8;
	[tilespmem:$0x18400] =	vst v63  }
0x2f: {  	_ =	swait.ge @!p0 [sflag:s23], $0x4000  }
0x30: {  	[sflag:s23] =	ssyncset.done @!p0 $0x0  }
0x31: {  	[sflag:s23] =	ssyncadd.s32 @!p0 $0xFFFFC000  }
0x32: {  	[spmem:s4] =	stream.indirect.scatter.add.f32 @!p0 [tilespmem:s25], [sflag:$0x1], $0x1, s22, s24, $0xb8;
	[tilespmem:$0x18400] =	vst v63  }
0x33: {  	s21 =	simm.s32 $0x200;
	s24 =	simm.s32 @!p0 $0x1;
	s22 =	sadd.s32 $0x20, s13  }
0x34: {  	s23 =	simm.s32 $0x400;
	p2 =	sgt.u32 s22, $0x9C3;
	_ =	swait.ge @!p0 [sflag:s24], $0x80  }
.LBB2_2:
0x35: {  	s25 =	sadd.s32 @!p2 s21, s12  }
0x36: {  	s26 =	simm.s32 @!p2 $0x0;
	[sflag:s24] =	ssyncset.done @!p0 $0x0;
	s28 =	smov.u32 s23  }
0x37: {  	s23 =	sadd.s32 $0x200, s23;
	s29 =	simm.s32 @!p2 $0x2;
	[sflag:s24] =	ssyncadd.s32 @!p0 $0xFFFFFF80  }
0x38: {  	[tilespmem:s26], [sflag:$0x2] =	stream.linear.gather @!p2 [hbm4b:s25+s26], $0x80, $0x38;
	[tilespmem:$0x18400] =	vst v63  }
0x39: {  	p1 =	sne.s32 s23, $0x9E00;
	p0 =	por p2, p2;
	_ =	swait.ge @!p2 [sflag:s29], $0x80  }
0x3a: {  	[sflag:s29] =	ssyncset.done @!p0 $0x0  }
0x3b: {  	s21 =	sadd.s32 @!p0 s21, s11;
	s25 =	simm.s32 @!p0 $0x80;
	[sflag:s29] =	ssyncadd.s32 @!p0 $0xFFFFFF80  }
0x3c: {  	[tilespmem:s25], [sflag:$0x2] =	stream.linear.gather @!p0 [hbm4b:s21+s26], $0x80, $0x38;
	[tilespmem:$0x18400] =	vst v63  }
0x3d: {  	s21 =	smov.u32 s28;
	_ =	swait.ge @!p0 [sflag:s29], $0x80  }
0x3e: {  	[sflag:s29] =	ssyncset.done @!p0 $0x0  }
0x3f: {  	s24 =	simm.s32 @!p0 $0x100;
	[sflag:s29] =	ssyncadd.s32 @!p0 $0xFFFFFF80  }
0x40: {  	[tilespmem:s24], [sflag:$0x2] =	stream.indirect.gather @!p0 [hbm4b:s1+s25], $0x80, s25, s25, $0xb8;
	[tilespmem:$0x18400] =	vst v63  }
0x41: {  	_ =	swait.ge @!p0 [sflag:s29], $0x4000  }
0x42: {  	[sflag:s29] =	ssyncset.done @!p0 $0x0  }
0x43: {  	s28 =	simm.s32 @!p0 $0x4100;
	[sflag:s29] =	ssyncadd.s32 @!p0 $0xFFFFC000  }
0x44: {  	[tilespmem:s28], [sflag:$0x2] =	stream.indirect.gather @!p0 [hbm4b:s6+s25], $0x1, s25, s25, $0xb8;
	[tilespmem:$0x18400] =	vst v63  }
0x45: {  	_ =	swait.ge @!p0 [sflag:s29], $0x80  }
0x46: {  	[sflag:s29] =	ssyncset.done @!p0 $0x0  }
0x47: {  	[sflag:s29] =	ssyncadd.s32 @!p0 $0xFFFFFF80  }
0x48: {  	[spmem:s2] =	stream.indirect.scatter.add.f32 @!p0 [tilespmem:s24], [sflag:$0x2], $0x80, s26, s25, $0xb8;
	[tilespmem:$0x18400] =	vst v63  }
.Ltmp0:
0x49: {  	_ =	swait.ge @!p0 [sflag:s29], $0x4000;
	(pc) =	sbr.rel @p1 .LBB2_2-.Ltmp0, $4  }
0x4a: {  	[sflag:s29] =	ssyncset.done @!p0 $0x0  }
0x4b: {  	s22 =	sadd.s32 $0x20, s22;
	s24 =	simm.s32 @!p0 $0x1;
	[sflag:s29] =	ssyncadd.s32 @!p0 $0xFFFFC000  }
0x4c: {  	[spmem:s4] =	stream.indirect.scatter.add.f32 @!p0 [tilespmem:s28], [sflag:$0x1], $0x1, s26, s25, $0xb8;
	[tilespmem:$0x18400] =	vst v63  }
0x4d: {  	p2 =	sgt.u32 s22, $0x9C3;
	_ =	swait.ge @!p0 [sflag:s24], $0x80  }
0x4e: {  	s22 =	sadd.s32 @!p2 s21, s12;
	[sflag:s24] =	ssyncset.done @!p0 $0x0  }
0x4f: {  	s23 =	simm.s32 @!p2 $0x0;
	s25 =	simm.s32 @!p2 $0x2;
	[sflag:s24] =	ssyncadd.s32 @!p0 $0xFFFFFF80  }
0x50: {  	[tilespmem:s23], [sflag:$0x2] =	stream.linear.gather @!p2 [hbm4b:s22+s23], $0x80, $0x38;
	[tilespmem:$0x18400] =	vst v63  }
0x51: {  	p0 =	por p2, p2;
	_ =	swait.ge @!p2 [sflag:s25], $0x80  }
0x52: {  	[sflag:s25] =	ssyncset.done @!p0 $0x0  }
0x53: {  	s21 =	sadd.s32 @!p0 s21, s11;
	s22 =	simm.s32 @!p0 $0x80;
	[sflag:s25] =	ssyncadd.s32 @!p0 $0xFFFFFF80  }
0x54: {  	[tilespmem:s22], [sflag:$0x2] =	stream.linear.gather @!p0 [hbm4b:s21+s23], $0x80, $0x38;
	[tilespmem:$0x18400] =	vst v63  }
0x55: {  	_ =	swait.ge @!p0 [sflag:s25], $0x80  }
0x56: {  	[sflag:s25] =	ssyncset.done @!p0 $0x0  }
0x57: {  	s21 =	simm.s32 @!p0 $0x100;
	[sflag:s25] =	ssyncadd.s32 @!p0 $0xFFFFFF80  }
0x58: {  	[tilespmem:s21], [sflag:$0x2] =	stream.indirect.gather @!p0 [hbm4b:s1+s22], $0x80, s22, s22, $0xb8;
	[tilespmem:$0x18400] =	vst v63  }
0x59: {  	_ =	swait.ge @!p0 [sflag:s25], $0x4000  }
0x5a: {  	[sflag:s25] =	ssyncset.done @!p0 $0x0  }
0x5b: {  	s24 =	simm.s32 @!p0 $0x4100;
	[sflag:s25] =	ssyncadd.s32 @!p0 $0xFFFFC000  }
0x5c: {  	[tilespmem:s24], [sflag:$0x2] =	stream.indirect.gather @!p0 [hbm4b:s6+s22], $0x1, s22, s22, $0xb8;
	[tilespmem:$0x18400] =	vst v63  }
0x5d: {  	_ =	swait.ge @!p0 [sflag:s25], $0x80  }
0x5e: {  	[sflag:s25] =	ssyncset.done @!p0 $0x0  }
0x5f: {  	[sflag:s25] =	ssyncadd.s32 @!p0 $0xFFFFFF80  }
0x60: {  	[spmem:s2] =	stream.indirect.scatter.add.f32 @!p0 [tilespmem:s21], [sflag:$0x2], $0x80, s23, s22, $0xb8;
	[tilespmem:$0x18400] =	vst v63  }
0x61: {  	_ =	swait.ge @!p0 [sflag:s25], $0x4000  }
0x62: {  	[sflag:s25] =	ssyncset.done @!p0 $0x0  }
0x63: {  	s21 =	simm.s32 @!p0 $0x1;
	[sflag:s25] =	ssyncadd.s32 @!p0 $0xFFFFC000  }
0x64: {  	[spmem:s4] =	stream.indirect.scatter.add.f32 @!p0 [tilespmem:s24], [sflag:$0x1], $0x1, s23, s22, $0xb8;
	[tilespmem:$0x18400] =	vst v63  }
0x65: {  	_ =	swait.ge @!p0 [sflag:s21], $0x80  }
0x66: {  	[sflag:s21] =	ssyncset.done @!p0 $0x0  }
0x67: {  	[sflag:s21] =	ssyncadd.s32 @!p0 $0xFFFFFF80  }
0x68: {  	[bflag:$0x0] =	sbarrier.arrive $0xFFFF  }
0x69: {  	[hbm:s17], [sflag:s8] =	dma.local [spmem:s14], $0x2800  }
0x6a: {  	s5 =	sadd.s32 $0x1, s5;
	_ =	swait.ge [sflag:s15], $0x2800  }
0x6b: {  	p0 =	sne.s32 s5, s10;
	[sflag:s15] =	ssyncset.done $0x0  }
.Ltmp1:
0x6c: {  	[sflag:s15] =	ssyncadd.s32 $0xFFFFD800;
	(pc) =	sbr.rel @p0 .LBB2_1-.Ltmp1, $4  }
0x6d: {  	[hbm:s18@s19], [sflag:s8] =	dma.strided [spmem:s16@s20], $0x50, s15, $0x10   }
0x6e: {  	_ =	swait.ge [sflag:s15], $0x50  }
0x6f: {  	[sflag:s15] =	ssyncset.done $0x0  }
0x70: {  	[sflag:s15] =	ssyncadd.s32 $0xFFFFFFB0  }
0x71: {  	_ =	sfence.sel $0x180000  }
0x72: {  	[bflag:$0x0] =	sbarrier.arrive $0xFFFF  }
0x73: {  	p0 =	sne.s32 s3, $0x0;
	_ =	strace $0x9000004A  }
0x74: {  	s0 =	sadd.s32 @!p0 $0x100000, s0;
	[bflag:$0x2] =	sbarrier.arrive $0xFFFF  }
0x75: {  	[sflag:s0] =	ssyncadd.tile.s32 @!p0 $0x1;
	_ =	shalt  }
.Lfunc_end2:
_tile_overlayer_lowered:
.L_overlay_start_2:
0x76: {  	(tag) =	ssettag $0x2  }
0x77: {  	s0 =	rddreg [dreg:$0x0];
	s2 =	stileid.u32  }
0x78: {  	s1 =	rddreg [dreg:$0x1];
	p0 =	sne.s32 s2, $0x0  }
0x79: {  	s3 =	rddreg [dreg:$0x2];
	[bflag:$0x3] =	sbarrier.arrive $0xFFFF;
	s2 =	simm.s32 @!p0 $0x1C01  }
0x7a: {  	[timem:s3], [sflag:s2] =	dma.local @!p0 [hbm:s0], s1  }
0x7b: {  	s0 =	simm.s32 @!p0 $0x1  }
0x7c: {  	_ =	swait.ge @!p0 [sflag:s0], s1  }
0x7d: {  	s1 =	ssub.s32 @!p0 $0x0, s1;
	[sflag:s0] =	ssyncset.done @!p0 $0x0  }
0x7e: {  	[sflag:s0] =	ssyncadd.s32 @!p0 s1  }
0x7f: {  	[bflag:$0x3] =	sbarrier.arrive $0xFFFF  }
0x80: {  	_ =	shalt  }

</sc_bundles>
